<compile_context>
chip_gen: v7x
topology: tpu7x:2x2x1
jax: 0.10.2.dev20260603
libtpu: 0.0.44.dev20260713+nightly
codegen_flags: <defaults>
</compile_context>

<pallas_src>
import functools

import jax
import jax.numpy as jnp
from jax import lax
from jax.experimental import pallas as pl
from jax.experimental.pallas import tpu as pltpu
from jax.experimental.pallas import tpu_sc as plsc

NC = 2
NS = 16
NW = NC * NS
T = 80
CH = 16


def _sc_segment_sum(x4, idx3, s, d, nt):
  ow = 10
  rows_per_ow = s // ow

  mesh = plsc.VectorSubcoreMesh(core_axis_name="c", subcore_axis_name="s")

  @functools.partial(
      pl.kernel,
      out_type=jax.ShapeDtypeStruct((NC, s, d), jnp.float32),
      mesh=mesh,
      scratch_types=[
          pltpu.VMEM((2, CH, T), jnp.int32),
          pltpu.VMEM((4, T, d), jnp.float32),
          pltpu.VMEM_SHARED((s, d), jnp.float32),
          pltpu.SemaphoreType.DMA,
          pltpu.SemaphoreType.DMA,
          pltpu.SemaphoreType.DMA,
          pltpu.SemaphoreType.DMA,
          pltpu.SemaphoreType.DMA,
          pltpu.SemaphoreType.DMA,
          pltpu.SemaphoreType.DMA,
          pltpu.SemaphoreType.DMA,
          pltpu.SemaphoreType.DMA,
      ],
  )
  def k(x_hbm, idx_hbm, out_hbm, idx_v, xbuf, acc, sem0, sem1, sem2, sem3,
        semi, ssc0, ssc1, ssc2, ssc3):
    cid = lax.axis_index("c")
    sid = lax.axis_index("s")
    wid = cid * NS + sid

    sems = (sem0, sem1, sem2, sem3)
    sscs = (ssc0, ssc1, ssc2, ssc3)
    ncH = nt // CH
    nrem = nt - ncH * CH
    pltpu.async_copy(idx_hbm.at[wid, pl.ds(0, CH)], idx_v.at[0], semi)
    for k0 in range(3):
      pltpu.async_copy(x_hbm.at[wid, k0], xbuf.at[k0], sems[k0])

    zero16 = jnp.zeros((16,), jnp.float32)

    @pl.when(sid < ow)
    def _():
      def zrow(i, carry):
        for c2 in range(d // 16):
          xbuf[3, i, pl.ds(c2 * 16, 16)] = zero16
        return carry

      lax.fori_loop(0, T, zrow, 0)

      def zcopy(kk, carry):
        pltpu.sync_copy(
            xbuf.at[3], acc.at[pl.ds(sid * rows_per_ow + kk * T, T)])
        return carry

      nfull = rows_per_ow // T
      lax.fori_loop(0, nfull, zcopy, 0)
      rem = rows_per_ow - nfull * T
      if rem:
        pltpu.sync_copy(
            xbuf.at[3, pl.ds(0, rem)],
            acc.at[pl.ds(sid * rows_per_ow + nfull * T, rem)])

    plsc.subcore_barrier()


    def chunk(c, carry):
      slab = lax.rem(c, 2)
      pltpu.make_async_copy(
          idx_hbm.at[wid, pl.ds(c * CH, CH)], idx_v.at[slab], semi).wait()

      @pl.when(c > 0)
      def _():
        pltpu.make_async_copy(
            xbuf.at[3], acc.at[idx_v.at[slab, 0]], sscs[3]).wait()

      @pl.when(c + 1 < ncH)
      def _():
        pltpu.async_copy(
            idx_hbm.at[wid, pl.ds((c + 1) * CH, CH)],
            idx_v.at[1 - slab], semi)

      @pl.when(c + 1 == ncH)
      def _():
        pltpu.async_copy(
            idx_hbm.at[wid, pl.ds(ncH * CH, nrem)],
            idx_v.at[1 - slab, pl.ds(0, nrem)], semi)

      for t in range(CH):
        j = c * CH + t
        b = t % 4
        pb = (t + 3) % 4
        pltpu.make_async_copy(
            x_hbm.at[wid, j], xbuf.at[b], sems[b]).wait()
        if t != 0:
          pltpu.make_async_copy(
              xbuf.at[pb], acc.at[idx_v.at[slab, t]], sscs[pb]).wait()
        pltpu.async_copy(x_hbm.at[wid, j + 3], xbuf.at[pb], sems[pb])
        pltpu.async_copy(xbuf.at[b], acc.at[idx_v.at[slab, t]], sscs[b],
                         add=True)
      return carry

    assert CH % 8 == 0 and CH % 4 == 0 and 3 <= nrem
    lax.fori_loop(0, ncH, chunk, 0)

    tslab = ncH % 2
    pltpu.make_async_copy(
        idx_hbm.at[wid, pl.ds(ncH * CH, nrem)],
        idx_v.at[tslab, pl.ds(0, nrem)], semi).wait()
    for t in range(nrem):
      j = ncH * CH + t
      b = t % 4
      pb = (t + 3) % 4
      pltpu.make_async_copy(
          x_hbm.at[wid, j], xbuf.at[b], sems[b]).wait()
      pltpu.make_async_copy(
          xbuf.at[pb], acc.at[idx_v.at[tslab, t]], sscs[pb]).wait()
      if j + 3 < nt:
        pltpu.async_copy(x_hbm.at[wid, j + 3], xbuf.at[pb], sems[pb])
      pltpu.async_copy(xbuf.at[b], acc.at[idx_v.at[tslab, t]], sscs[b],
                       add=True)
    pltpu.make_async_copy(
        xbuf.at[(nrem - 1) % 4], acc.at[idx_v.at[tslab, nrem - 1]],
        sscs[(nrem - 1) % 4]).wait()
    plsc.subcore_barrier()

    @pl.when(sid < ow)
    def _():
      pltpu.sync_copy(
          acc.at[pl.ds(sid * rows_per_ow, rows_per_ow)],
          out_hbm.at[cid, pl.ds(sid * rows_per_ow, rows_per_ow)])

  return k(x4, idx3)


def _tc_add_body(p_ref, o_ref):
  o_ref[...] = p_ref[0] + p_ref[1]


def kernel(x, index, dim_size):
  n, d = x.shape
  s = int(dim_size) if isinstance(dim_size, int) else 10000
  assert n % NW == 0
  rpw = n // NW
  assert rpw % T == 0
  nt = rpw // T
  assert s % 10 == 0 and (s // 10) % 8 == 0

  idx3 = index.astype(jnp.int32).reshape(NW, nt, T)
  x4 = x.reshape(NW, nt, T, d)

  partials = _sc_segment_sum(x4, idx3, s, d, nt)

  blk = s // 10
  out = pl.pallas_call(
      _tc_add_body,
      out_shape=jax.ShapeDtypeStruct((s, d), jnp.float32),
      grid=(10,),
      in_specs=[pl.BlockSpec((NC, blk, d), lambda i: (0, i, 0))],
      out_specs=pl.BlockSpec((blk, d), lambda i: (i, 0)),
  )(partials)
  return out

# --- scband reference (transcript-rebuilt; emitter-appended) ---
"""Pipeline reference for scband-aggregation-41334765257093 (READ-ONLY COPY).

The authoritative reference and input builder live on the scoring server;
editing this copy changes nothing except your own understanding.
"""

import jax, jax.numpy as jnp
import numpy as np

N = 320000
D = 128
DIM_SIZE = 10000

def setup_inputs(seed: int = 0) -> dict:
    key = jax.random.key(seed)
    k1, k2 = jax.random.split(key)
    x = jax.random.normal(k1, (N, D), dtype=jnp.float32)
    index = jnp.sort(jax.random.randint(k2, (N,), 0, DIM_SIZE, dtype=jnp.int64))
    return {"x": x, "index": index, "dim_size": DIM_SIZE}

def reference(x, index, dim_size):
    # Aggregation.reduce with reduce='add' and dim=-2:
    # scatter-add of x rows into dim_size output rows keyed by index.
    segment_ids = jnp.minimum(index, dim_size - 1)
    out = jax.ops.segment_sum(x, segment_ids, num_segments=DIM_SIZE)
    return out

if __name__ == "__main__":
    import jax
    _d = setup_inputs()
    print(jax.jit(kernel)(*tuple(_d.values())))

</pallas_src>

<mosaic_0001>
#map = affine_map<(d0, d1) -> (0, 0, 0, 0)>
#map1 = affine_map<(d0, d1) -> (0, 0, 0)>
module attributes {stable_mosaic.version = 14 : i64} {
  func.func @k(%arg0: i32, %arg1: i32, %arg2: memref<32x125x80x128xf32, #tpu.memory_space<hbm>>, %arg3: memref<32x125x80xi32, #tpu.memory_space<hbm>>, %arg4: memref<2x10000x128xf32, #tpu.memory_space<hbm>>, %arg5: memref<2x16x80xi32, #tpu.memory_space<vmem>>, %arg6: memref<4x80x128xf32, #tpu.memory_space<vmem>>, %arg7: memref<10000x128xf32, #tpu.memory_space<vmem_shared>>, %arg8: memref<!tpu.dma_semaphore, #tpu.memory_space<semaphore_mem>>, %arg9: memref<!tpu.dma_semaphore, #tpu.memory_space<semaphore_mem>>, %arg10: memref<!tpu.dma_semaphore, #tpu.memory_space<semaphore_mem>>, %arg11: memref<!tpu.dma_semaphore, #tpu.memory_space<semaphore_mem>>, %arg12: memref<!tpu.dma_semaphore, #tpu.memory_space<semaphore_mem>>, %arg13: memref<!tpu.dma_semaphore, #tpu.memory_space<semaphore_mem>>, %arg14: memref<!tpu.dma_semaphore, #tpu.memory_space<semaphore_mem>>, %arg15: memref<!tpu.dma_semaphore, #tpu.memory_space<semaphore_mem>>, %arg16: memref<!tpu.dma_semaphore, #tpu.memory_space<semaphore_mem>>) attributes {dimension_semantics = [#tpu.dimension_semantics<core_parallel>, #tpu.dimension_semantics<subcore_parallel>], iteration_bounds = array<i64: 2, 16>, scalar_prefetch = 0 : i64, scratch_operands = 12 : i64, tpu.core_type = #tpu.core_type<sc_vector_subcore>, window_params = [{transform_indices = #map}, {transform_indices = #map1}, {transform_indices = #map1}]} {
    %mul3A = arith.constant 16 : i32
    %mul3A_0 = arith.muli %arg0, %mul3A : i32
    %add3A = arith.addi %mul3A_0, %arg1 : i32
    %dma_start3A = arith.constant 0 : i32
    %dma_start3A_1 = arith.constant 0 : i32
    %dma_start3A_2 = arith.constant 0 : i32
    %dma_start3A_3 = tpu.memref_slice %arg5[%dma_start3A, %dma_start3A_1, %dma_start3A_2] : memref<2x16x80xi32, #tpu.memory_space<vmem>> -> memref<1x16x80xi32, #tpu.memory_space<vmem>>
    %dma_start3A_4 = tpu.memref_squeeze %dma_start3A_3 : memref<1x16x80xi32, #tpu.memory_space<vmem>> -> memref<16x80xi32, #tpu.memory_space<vmem>>
    %dma_start3A_5 = arith.constant 0 : i32
    %dma_start3A_6 = arith.constant 0 : i32
    %dma_start3A_7 = tpu.memref_slice %arg3[%add3A, %dma_start3A_5, %dma_start3A_6] : memref<32x125x80xi32, #tpu.memory_space<hbm>> -> memref<1x16x80xi32, #tpu.memory_space<hbm>>
    %dma_start3A_8 = tpu.memref_squeeze %dma_start3A_7 : memref<1x16x80xi32, #tpu.memory_space<hbm>> -> memref<16x80xi32, #tpu.memory_space<hbm>>
    %dma_start3A_9 = arith.constant 0 : i32
    %dma_start3A_10 = arith.constant 0 : i32
    %dma_start3A_11 = tpu.memref_slice %arg5[%dma_start3A, %dma_start3A_9, %dma_start3A_10] : memref<2x16x80xi32, #tpu.memory_space<vmem>> -> memref<1x16x80xi32, #tpu.memory_space<vmem>>
    %dma_start3A_12 = tpu.memref_squeeze %dma_start3A_11 : memref<1x16x80xi32, #tpu.memory_space<vmem>> -> memref<16x80xi32, #tpu.memory_space<vmem>>
    %dma_start3A_13 = arith.constant 0 : i32
    %dma_start3A_14 = arith.constant 0 : i32
    %dma_start3A_15 = tpu.memref_slice %arg3[%add3A, %dma_start3A_13, %dma_start3A_14] : memref<32x125x80xi32, #tpu.memory_space<hbm>> -> memref<1x16x80xi32, #tpu.memory_space<hbm>>
    %dma_start3A_16 = tpu.memref_squeeze %dma_start3A_15 : memref<1x16x80xi32, #tpu.memory_space<hbm>> -> memref<16x80xi32, #tpu.memory_space<hbm>>
    tpu.enqueue_dma source(%dma_start3A_16 : memref<16x80xi32, #tpu.memory_space<hbm>>) target(%dma_start3A_12 : memref<16x80xi32, #tpu.memory_space<vmem>>) target_semaphore(%arg12 : memref<!tpu.dma_semaphore, #tpu.memory_space<semaphore_mem>>)
    %dma_start3A_17 = arith.constant 0 : i32
    %dma_start3A_18 = arith.constant 0 : i32
    %dma_start3A_19 = arith.constant 0 : i32
    %dma_start3A_20 = arith.constant 0 : i32
    %dma_start3A_21 = tpu.memref_slice %arg6[%dma_start3A_18, %dma_start3A_19, %dma_start3A_20] : memref<4x80x128xf32, #tpu.memory_space<vmem>> -> memref<1x80x128xf32, #tpu.memory_space<vmem>>
    %dma_start3A_22 = tpu.memref_squeeze %dma_start3A_21 : memref<1x80x128xf32, #tpu.memory_space<vmem>> -> memref<80x128xf32, #tpu.memory_space<vmem>>
    %dma_start3A_23 = arith.constant 0 : i32
    %dma_start3A_24 = arith.constant 0 : i32
    %dma_start3A_25 = tpu.memref_slice %arg2[%add3A, %dma_start3A_17, %dma_start3A_23, %dma_start3A_24] : memref<32x125x80x128xf32, #tpu.memory_space<hbm>> -> memref<1x1x80x128xf32, #tpu.memory_space<hbm>>
    %dma_start3A_26 = tpu.memref_squeeze %dma_start3A_25 : memref<1x1x80x128xf32, #tpu.memory_space<hbm>> -> memref<80x128xf32, #tpu.memory_space<hbm>>
    %dma_start3A_27 = arith.constant 0 : i32
    %dma_start3A_28 = arith.constant 0 : i32
    %dma_start3A_29 = tpu.memref_slice %arg6[%dma_start3A_18, %dma_start3A_27, %dma_start3A_28] : memref<4x80x128xf32, #tpu.memory_space<vmem>> -> memref<1x80x128xf32, #tpu.memory_space<vmem>>
    %dma_start3A_30 = tpu.memref_squeeze %dma_start3A_29 : memref<1x80x128xf32, #tpu.memory_space<vmem>> -> memref<80x128xf32, #tpu.memory_space<vmem>>
    %dma_start3A_31 = arith.constant 0 : i32
    %dma_start3A_32 = arith.constant 0 : i32
    %dma_start3A_33 = tpu.memref_slice %arg2[%add3A, %dma_start3A_17, %dma_start3A_31, %dma_start3A_32] : memref<32x125x80x128xf32, #tpu.memory_space<hbm>> -> memref<1x1x80x128xf32, #tpu.memory_space<hbm>>
    %dma_start3A_34 = tpu.memref_squeeze %dma_start3A_33 : memref<1x1x80x128xf32, #tpu.memory_space<hbm>> -> memref<80x128xf32, #tpu.memory_space<hbm>>
    tpu.enqueue_dma source(%dma_start3A_34 : memref<80x128xf32, #tpu.memory_space<hbm>>) target(%dma_start3A_30 : memref<80x128xf32, #tpu.memory_space<vmem>>) target_semaphore(%arg8 : memref<!tpu.dma_semaphore, #tpu.memory_space<semaphore_mem>>)
    %dma_start3A_35 = arith.constant 1 : i32
    %dma_start3A_36 = arith.constant 1 : i32
    %dma_start3A_37 = arith.constant 0 : i32
    %dma_start3A_38 = arith.constant 0 : i32
    %dma_start3A_39 = tpu.memref_slice %arg6[%dma_start3A_36, %dma_start3A_37, %dma_start3A_38] : memref<4x80x128xf32, #tpu.memory_space<vmem>> -> memref<1x80x128xf32, #tpu.memory_space<vmem>>
    %dma_start3A_40 = tpu.memref_squeeze %dma_start3A_39 : memref<1x80x128xf32, #tpu.memory_space<vmem>> -> memref<80x128xf32, #tpu.memory_space<vmem>>
    %dma_start3A_41 = arith.constant 0 : i32
    %dma_start3A_42 = arith.constant 0 : i32
    %dma_start3A_43 = tpu.memref_slice %arg2[%add3A, %dma_start3A_35, %dma_start3A_41, %dma_start3A_42] : memref<32x125x80x128xf32, #tpu.memory_space<hbm>> -> memref<1x1x80x128xf32, #tpu.memory_space<hbm>>
    %dma_start3A_44 = tpu.memref_squeeze %dma_start3A_43 : memref<1x1x80x128xf32, #tpu.memory_space<hbm>> -> memref<80x128xf32, #tpu.memory_space<hbm>>
    %dma_start3A_45 = arith.constant 0 : i32
    %dma_start3A_46 = arith.constant 0 : i32
    %dma_start3A_47 = tpu.memref_slice %arg6[%dma_start3A_36, %dma_start3A_45, %dma_start3A_46] : memref<4x80x128xf32, #tpu.memory_space<vmem>> -> memref<1x80x128xf32, #tpu.memory_space<vmem>>
    %dma_start3A_48 = tpu.memref_squeeze %dma_start3A_47 : memref<1x80x128xf32, #tpu.memory_space<vmem>> -> memref<80x128xf32, #tpu.memory_space<vmem>>
    %dma_start3A_49 = arith.constant 0 : i32
    %dma_start3A_50 = arith.constant 0 : i32
    %dma_start3A_51 = tpu.memref_slice %arg2[%add3A, %dma_start3A_35, %dma_start3A_49, %dma_start3A_50] : memref<32x125x80x128xf32, #tpu.memory_space<hbm>> -> memref<1x1x80x128xf32, #tpu.memory_space<hbm>>
    %dma_start3A_52 = tpu.memref_squeeze %dma_start3A_51 : memref<1x1x80x128xf32, #tpu.memory_space<hbm>> -> memref<80x128xf32, #tpu.memory_space<hbm>>
    tpu.enqueue_dma source(%dma_start3A_52 : memref<80x128xf32, #tpu.memory_space<hbm>>) target(%dma_start3A_48 : memref<80x128xf32, #tpu.memory_space<vmem>>) target_semaphore(%arg9 : memref<!tpu.dma_semaphore, #tpu.memory_space<semaphore_mem>>)
    %dma_start3A_53 = arith.constant 2 : i32
    %dma_start3A_54 = arith.constant 2 : i32
    %dma_start3A_55 = arith.constant 0 : i32
    %dma_start3A_56 = arith.constant 0 : i32
    %dma_start3A_57 = tpu.memref_slice %arg6[%dma_start3A_54, %dma_start3A_55, %dma_start3A_56] : memref<4x80x128xf32, #tpu.memory_space<vmem>> -> memref<1x80x128xf32, #tpu.memory_space<vmem>>
    %dma_start3A_58 = tpu.memref_squeeze %dma_start3A_57 : memref<1x80x128xf32, #tpu.memory_space<vmem>> -> memref<80x128xf32, #tpu.memory_space<vmem>>
    %dma_start3A_59 = arith.constant 0 : i32
    %dma_start3A_60 = arith.constant 0 : i32
    %dma_start3A_61 = tpu.memref_slice %arg2[%add3A, %dma_start3A_53, %dma_start3A_59, %dma_start3A_60] : memref<32x125x80x128xf32, #tpu.memory_space<hbm>> -> memref<1x1x80x128xf32, #tpu.memory_space<hbm>>
    %dma_start3A_62 = tpu.memref_squeeze %dma_start3A_61 : memref<1x1x80x128xf32, #tpu.memory_space<hbm>> -> memref<80x128xf32, #tpu.memory_space<hbm>>
    %dma_start3A_63 = arith.constant 0 : i32
    %dma_start3A_64 = arith.constant 0 : i32
    %dma_start3A_65 = tpu.memref_slice %arg6[%dma_start3A_54, %dma_start3A_63, %dma_start3A_64] : memref<4x80x128xf32, #tpu.memory_space<vmem>> -> memref<1x80x128xf32, #tpu.memory_space<vmem>>
    %dma_start3A_66 = tpu.memref_squeeze %dma_start3A_65 : memref<1x80x128xf32, #tpu.memory_space<vmem>> -> memref<80x128xf32, #tpu.memory_space<vmem>>
    %dma_start3A_67 = arith.constant 0 : i32
    %dma_start3A_68 = arith.constant 0 : i32
    %dma_start3A_69 = tpu.memref_slice %arg2[%add3A, %dma_start3A_53, %dma_start3A_67, %dma_start3A_68] : memref<32x125x80x128xf32, #tpu.memory_space<hbm>> -> memref<1x1x80x128xf32, #tpu.memory_space<hbm>>
    %dma_start3A_70 = tpu.memref_squeeze %dma_start3A_69 : memref<1x1x80x128xf32, #tpu.memory_space<hbm>> -> memref<80x128xf32, #tpu.memory_space<hbm>>
    tpu.enqueue_dma source(%dma_start3A_70 : memref<80x128xf32, #tpu.memory_space<hbm>>) target(%dma_start3A_66 : memref<80x128xf32, #tpu.memory_space<vmem>>) target_semaphore(%arg10 : memref<!tpu.dma_semaphore, #tpu.memory_space<semaphore_mem>>)
    %broadcast_in_dim3A = arith.constant 0.000000e+00 : f32
    %broadcast_in_dim3A_71 = vector.broadcast %broadcast_in_dim3A : f32 to vector<16xf32>
    %lt3A = arith.constant 10 : i32
    %lt3A_72 = arith.cmpi slt, %arg1, %lt3A : i32
    %convert_element_type3A = arith.extui %lt3A_72 : i1 to i32
    %cond3A = arith.constant 0 : i32
    %cond3A_73 = arith.cmpi ne, %convert_element_type3A, %cond3A : i32
    scf.if %cond3A_73 {
      %scan3A_866 = arith.constant 0 : i32
      %scan3A_867 = arith.constant 0 : i32
      %scan3A_868 = arith.constant 80 : i32
      %scan3A_869 = arith.addi %scan3A_867, %scan3A_868 : i32
      %scan3A_870 = arith.constant 1 : i32
      scf.for %scan3A_882 = %scan3A_867 to %scan3A_869 step %scan3A_870  : i32 {
        %swap3A = arith.constant 3 : i32
        %swap3A_883 = arith.index_cast %swap3A : i32 to index
        %swap3A_884 = arith.index_cast %scan3A_882 : i32 to index
        %swap3A_885 = arith.constant 0 : index
        %swap3A_886 = tpu.vector_load %arg6[%swap3A_883, %swap3A_884, %swap3A_885] {strides = array<i32>} : memref<4x80x128xf32, #tpu.memory_space<vmem>>, vector<1x1x16xf32>,
        %swap3A_887 = vector.shape_cast %swap3A_886 : vector<1x1x16xf32> to vector<16xf32>
        %swap3A_888 = vector.shape_cast %broadcast_in_dim3A_71 : vector<16xf32> to vector<1x1x16xf32>
        tpu.vector_store %arg6[%swap3A_883, %swap3A_884, %swap3A_885], %swap3A_888 {strides = array<i32>} : memref<4x80x128xf32, #tpu.memory_space<vmem>>, vector<1x1x16xf32>,
        %swap3A_889 = arith.constant 3 : i32
        %swap3A_890 = arith.index_cast %swap3A_889 : i32 to index
        %swap3A_891 = arith.index_cast %scan3A_882 : i32 to index
        %swap3A_892 = arith.constant 16 : index
        %swap3A_893 = tpu.vector_load %arg6[%swap3A_890, %swap3A_891, %swap3A_892] {strides = array<i32>} : memref<4x80x128xf32, #tpu.memory_space<vmem>>, vector<1x1x16xf32>,
        %swap3A_894 = vector.shape_cast %swap3A_893 : vector<1x1x16xf32> to vector<16xf32>
        %swap3A_895 = vector.shape_cast %broadcast_in_dim3A_71 : vector<16xf32> to vector<1x1x16xf32>
        tpu.vector_store %arg6[%swap3A_890, %swap3A_891, %swap3A_892], %swap3A_895 {strides = array<i32>} : memref<4x80x128xf32, #tpu.memory_space<vmem>>, vector<1x1x16xf32>,
        %swap3A_896 = arith.constant 3 : i32
        %swap3A_897 = arith.index_cast %swap3A_896 : i32 to index
        %swap3A_898 = arith.index_cast %scan3A_882 : i32 to index
        %swap3A_899 = arith.constant 32 : index
        %swap3A_900 = tpu.vector_load %arg6[%swap3A_897, %swap3A_898, %swap3A_899] {strides = array<i32>} : memref<4x80x128xf32, #tpu.memory_space<vmem>>, vector<1x1x16xf32>,
        %swap3A_901 = vector.shape_cast %swap3A_900 : vector<1x1x16xf32> to vector<16xf32>
        %swap3A_902 = vector.shape_cast %broadcast_in_dim3A_71 : vector<16xf32> to vector<1x1x16xf32>
        tpu.vector_store %arg6[%swap3A_897, %swap3A_898, %swap3A_899], %swap3A_902 {strides = array<i32>} : memref<4x80x128xf32, #tpu.memory_space<vmem>>, vector<1x1x16xf32>,
        %swap3A_903 = arith.constant 3 : i32
        %swap3A_904 = arith.index_cast %swap3A_903 : i32 to index
        %swap3A_905 = arith.index_cast %scan3A_882 : i32 to index
        %swap3A_906 = arith.constant 48 : index
        %swap3A_907 = tpu.vector_load %arg6[%swap3A_904, %swap3A_905, %swap3A_906] {strides = array<i32>} : memref<4x80x128xf32, #tpu.memory_space<vmem>>, vector<1x1x16xf32>,
        %swap3A_908 = vector.shape_cast %swap3A_907 : vector<1x1x16xf32> to vector<16xf32>
        %swap3A_909 = vector.shape_cast %broadcast_in_dim3A_71 : vector<16xf32> to vector<1x1x16xf32>
        tpu.vector_store %arg6[%swap3A_904, %swap3A_905, %swap3A_906], %swap3A_909 {strides = array<i32>} : memref<4x80x128xf32, #tpu.memory_space<vmem>>, vector<1x1x16xf32>,
        %swap3A_910 = arith.constant 3 : i32
        %swap3A_911 = arith.index_cast %swap3A_910 : i32 to index
        %swap3A_912 = arith.index_cast %scan3A_882 : i32 to index
        %swap3A_913 = arith.constant 64 : index
        %swap3A_914 = tpu.vector_load %arg6[%swap3A_911, %swap3A_912, %swap3A_913] {strides = array<i32>} : memref<4x80x128xf32, #tpu.memory_space<vmem>>, vector<1x1x16xf32>,
        %swap3A_915 = vector.shape_cast %swap3A_914 : vector<1x1x16xf32> to vector<16xf32>
        %swap3A_916 = vector.shape_cast %broadcast_in_dim3A_71 : vector<16xf32> to vector<1x1x16xf32>
        tpu.vector_store %arg6[%swap3A_911, %swap3A_912, %swap3A_913], %swap3A_916 {strides = array<i32>} : memref<4x80x128xf32, #tpu.memory_space<vmem>>, vector<1x1x16xf32>,
        %swap3A_917 = arith.constant 3 : i32
        %swap3A_918 = arith.index_cast %swap3A_917 : i32 to index
        %swap3A_919 = arith.index_cast %scan3A_882 : i32 to index
        %swap3A_920 = arith.constant 80 : index
        %swap3A_921 = tpu.vector_load %arg6[%swap3A_918, %swap3A_919, %swap3A_920] {strides = array<i32>} : memref<4x80x128xf32, #tpu.memory_space<vmem>>, vector<1x1x16xf32>,
        %swap3A_922 = vector.shape_cast %swap3A_921 : vector<1x1x16xf32> to vector<16xf32>
        %swap3A_923 = vector.shape_cast %broadcast_in_dim3A_71 : vector<16xf32> to vector<1x1x16xf32>
        tpu.vector_store %arg6[%swap3A_918, %swap3A_919, %swap3A_920], %swap3A_923 {strides = array<i32>} : memref<4x80x128xf32, #tpu.memory_space<vmem>>, vector<1x1x16xf32>,
        %swap3A_924 = arith.constant 3 : i32
        %swap3A_925 = arith.index_cast %swap3A_924 : i32 to index
        %swap3A_926 = arith.index_cast %scan3A_882 : i32 to index
        %swap3A_927 = arith.constant 96 : index
        %swap3A_928 = tpu.vector_load %arg6[%swap3A_925, %swap3A_926, %swap3A_927] {strides = array<i32>} : memref<4x80x128xf32, #tpu.memory_space<vmem>>, vector<1x1x16xf32>,
        %swap3A_929 = vector.shape_cast %swap3A_928 : vector<1x1x16xf32> to vector<16xf32>
        %swap3A_930 = vector.shape_cast %broadcast_in_dim3A_71 : vector<16xf32> to vector<1x1x16xf32>
        tpu.vector_store %arg6[%swap3A_925, %swap3A_926, %swap3A_927], %swap3A_930 {strides = array<i32>} : memref<4x80x128xf32, #tpu.memory_space<vmem>>, vector<1x1x16xf32>,
        %swap3A_931 = arith.constant 3 : i32
        %swap3A_932 = arith.index_cast %swap3A_931 : i32 to index
        %swap3A_933 = arith.index_cast %scan3A_882 : i32 to index
        %swap3A_934 = arith.constant 112 : index
        %swap3A_935 = tpu.vector_load %arg6[%swap3A_932, %swap3A_933, %swap3A_934] {strides = array<i32>} : memref<4x80x128xf32, #tpu.memory_space<vmem>>, vector<1x1x16xf32>,
        %swap3A_936 = vector.shape_cast %swap3A_935 : vector<1x1x16xf32> to vector<16xf32>
        %swap3A_937 = vector.shape_cast %broadcast_in_dim3A_71 : vector<16xf32> to vector<1x1x16xf32>
        tpu.vector_store %arg6[%swap3A_932, %swap3A_933, %swap3A_934], %swap3A_937 {strides = array<i32>} : memref<4x80x128xf32, #tpu.memory_space<vmem>>, vector<1x1x16xf32>,
      }
      %scan3A_871 = arith.constant 80 : i32
      %scan3A_872 = arith.constant 0 : i32
      %scan3A_873 = arith.constant 0 : i32
      %scan3A_874 = arith.constant 12 : i32
      %scan3A_875 = arith.addi %scan3A_873, %scan3A_874 : i32
      %scan3A_876 = arith.constant 1 : i32
      scf.for %scan3A_882 = %scan3A_873 to %scan3A_875 step %scan3A_876  : i32 {
        %mul3A_883 = arith.constant 1000 : i32
        %mul3A_884 = arith.muli %arg1, %mul3A_883 : i32
        %mul3A_885 = arith.constant 80 : i32
        %mul3A_886 = arith.muli %scan3A_882, %mul3A_885 : i32
        %add3A_887 = arith.addi %mul3A_884, %mul3A_886 : i32
        %run_scoped3A_888 = arith.constant 3 : i32
        "tpu.region"() ({
          %run_scoped3A_889 = tpu.sem_alloc : memref<!tpu.dma_semaphore, #tpu.memory_space<semaphore_mem>>
          %dma_start3A_890 = arith.constant 0 : i32
          %dma_start3A_891 = arith.constant 0 : i32
          %dma_start3A_892 = tpu.memref_slice %arg6[%run_scoped3A_888, %dma_start3A_890, %dma_start3A_891] : memref<4x80x128xf32, #tpu.memory_space<vmem>> -> memref<1x80x128xf32, #tpu.memory_space<vmem>>
          %dma_start3A_893 = tpu.memref_squeeze %dma_start3A_892 : memref<1x80x128xf32, #tpu.memory_space<vmem>> -> memref<80x128xf32, #tpu.memory_space<vmem>>
          %dma_start3A_894 = arith.constant 0 : i32
          %dma_start3A_895 = tpu.memref_slice %arg7[%add3A_887, %dma_start3A_894] : memref<10000x128xf32, #tpu.memory_space<vmem_shared>> -> memref<80x128xf32, #tpu.memory_space<vmem_shared>>
          %dma_start3A_896 = arith.constant 0 : i32
          %dma_start3A_897 = tpu.memref_slice %arg7[%add3A_887, %dma_start3A_896] : memref<10000x128xf32, #tpu.memory_space<vmem_shared>> -> memref<80x128xf32, #tpu.memory_space<vmem_shared>>
          %dma_start3A_898 = arith.constant 0 : i32
          %dma_start3A_899 = arith.constant 0 : i32
          %dma_start3A_900 = tpu.memref_slice %arg6[%run_scoped3A_888, %dma_start3A_898, %dma_start3A_899] : memref<4x80x128xf32, #tpu.memory_space<vmem>> -> memref<1x80x128xf32, #tpu.memory_space<vmem>>
          %dma_start3A_901 = tpu.memref_squeeze %dma_start3A_900 : memref<1x80x128xf32, #tpu.memory_space<vmem>> -> memref<80x128xf32, #tpu.memory_space<vmem>>
          tpu.enqueue_dma source(%dma_start3A_901 : memref<80x128xf32, #tpu.memory_space<vmem>>) target(%dma_start3A_897 : memref<80x128xf32, #tpu.memory_space<vmem_shared>>) target_semaphore(%run_scoped3A_889 : memref<!tpu.dma_semaphore, #tpu.memory_space<semaphore_mem>>)
          %dma_wait3A_902 = arith.constant 0 : i32
          %dma_wait3A_903 = arith.constant 0 : i32
          %dma_wait3A_904 = tpu.memref_slice %arg6[%run_scoped3A_888, %dma_wait3A_902, %dma_wait3A_903] : memref<4x80x128xf32, #tpu.memory_space<vmem>> -> memref<1x80x128xf32, #tpu.memory_space<vmem>>
          %dma_wait3A_905 = tpu.memref_squeeze %dma_wait3A_904 : memref<1x80x128xf32, #tpu.memory_space<vmem>> -> memref<80x128xf32, #tpu.memory_space<vmem>>
          %dma_wait3A_906 = arith.constant 0 : i32
          %dma_wait3A_907 = tpu.memref_slice %arg7[%add3A_887, %dma_wait3A_906] : memref<10000x128xf32, #tpu.memory_space<vmem_shared>> -> memref<80x128xf32, #tpu.memory_space<vmem_shared>>
          %dma_wait3A_908 = arith.constant 0 : i32
          %dma_wait3A_909 = tpu.memref_slice %arg7[%add3A_887, %dma_wait3A_908] : memref<10000x128xf32, #tpu.memory_space<vmem_shared>> -> memref<80x128xf32, #tpu.memory_space<vmem_shared>>
          %dma_wait3A_910 = arith.constant 0 : i32
          %dma_wait3A_911 = arith.constant 0 : i32
          %dma_wait3A_912 = tpu.memref_slice %arg6[%run_scoped3A_888, %dma_wait3A_910, %dma_wait3A_911] : memref<4x80x128xf32, #tpu.memory_space<vmem>> -> memref<1x80x128xf32, #tpu.memory_space<vmem>>
          %dma_wait3A_913 = tpu.memref_squeeze %dma_wait3A_912 : memref<1x80x128xf32, #tpu.memory_space<vmem>> -> memref<80x128xf32, #tpu.memory_space<vmem>>
          tpu.wait_dma2 semaphore(%run_scoped3A_889 : memref<!tpu.dma_semaphore, #tpu.memory_space<semaphore_mem>>) src(%dma_wait3A_913 : memref<80x128xf32, #tpu.memory_space<vmem>>) dst(%dma_wait3A_909 : memref<80x128xf32, #tpu.memory_space<vmem_shared>>)
          tpu.yield
        }) : () -> ()
      }
      %scan3A_877 = arith.constant 12 : i32
      %mul3A_878 = arith.constant 1000 : i32
      %mul3A_879 = arith.muli %arg1, %mul3A_878 : i32
      %add3A_880 = arith.constant 960 : i32
      %add3A_881 = arith.addi %mul3A_879, %add3A_880 : i32
      %run_scoped3A = arith.constant 3 : i32
      "tpu.region"() ({
        %run_scoped3A_882 = tpu.sem_alloc : memref<!tpu.dma_semaphore, #tpu.memory_space<semaphore_mem>>
        %dma_start3A_883 = arith.constant 0 : i32
        %dma_start3A_884 = arith.constant 0 : i32
        %dma_start3A_885 = tpu.memref_slice %arg6[%run_scoped3A, %dma_start3A_883, %dma_start3A_884] : memref<4x80x128xf32, #tpu.memory_space<vmem>> -> memref<1x40x128xf32, #tpu.memory_space<vmem>>
        %dma_start3A_886 = tpu.memref_squeeze %dma_start3A_885 : memref<1x40x128xf32, #tpu.memory_space<vmem>> -> memref<40x128xf32, #tpu.memory_space<vmem>>
        %dma_start3A_887 = arith.constant 0 : i32
        %dma_start3A_888 = tpu.memref_slice %arg7[%add3A_881, %dma_start3A_887] : memref<10000x128xf32, #tpu.memory_space<vmem_shared>> -> memref<40x128xf32, #tpu.memory_space<vmem_shared>>
        %dma_start3A_889 = arith.constant 0 : i32
        %dma_start3A_890 = tpu.memref_slice %arg7[%add3A_881, %dma_start3A_889] : memref<10000x128xf32, #tpu.memory_space<vmem_shared>> -> memref<40x128xf32, #tpu.memory_space<vmem_shared>>
        %dma_start3A_891 = arith.constant 0 : i32
        %dma_start3A_892 = arith.constant 0 : i32
        %dma_start3A_893 = tpu.memref_slice %arg6[%run_scoped3A, %dma_start3A_891, %dma_start3A_892] : memref<4x80x128xf32, #tpu.memory_space<vmem>> -> memref<1x40x128xf32, #tpu.memory_space<vmem>>
        %dma_start3A_894 = tpu.memref_squeeze %dma_start3A_893 : memref<1x40x128xf32, #tpu.memory_space<vmem>> -> memref<40x128xf32, #tpu.memory_space<vmem>>
        tpu.enqueue_dma source(%dma_start3A_894 : memref<40x128xf32, #tpu.memory_space<vmem>>) target(%dma_start3A_890 : memref<40x128xf32, #tpu.memory_space<vmem_shared>>) target_semaphore(%run_scoped3A_882 : memref<!tpu.dma_semaphore, #tpu.memory_space<semaphore_mem>>)
        %dma_wait3A_895 = arith.constant 0 : i32
        %dma_wait3A_896 = arith.constant 0 : i32
        %dma_wait3A_897 = tpu.memref_slice %arg6[%run_scoped3A, %dma_wait3A_895, %dma_wait3A_896] : memref<4x80x128xf32, #tpu.memory_space<vmem>> -> memref<1x40x128xf32, #tpu.memory_space<vmem>>
        %dma_wait3A_898 = tpu.memref_squeeze %dma_wait3A_897 : memref<1x40x128xf32, #tpu.memory_space<vmem>> -> memref<40x128xf32, #tpu.memory_space<vmem>>
        %dma_wait3A_899 = arith.constant 0 : i32
        %dma_wait3A_900 = tpu.memref_slice %arg7[%add3A_881, %dma_wait3A_899] : memref<10000x128xf32, #tpu.memory_space<vmem_shared>> -> memref<40x128xf32, #tpu.memory_space<vmem_shared>>
        %dma_wait3A_901 = arith.constant 0 : i32
        %dma_wait3A_902 = tpu.memref_slice %arg7[%add3A_881, %dma_wait3A_901] : memref<10000x128xf32, #tpu.memory_space<vmem_shared>> -> memref<40x128xf32, #tpu.memory_space<vmem_shared>>
        %dma_wait3A_903 = arith.constant 0 : i32
        %dma_wait3A_904 = arith.constant 0 : i32
        %dma_wait3A_905 = tpu.memref_slice %arg6[%run_scoped3A, %dma_wait3A_903, %dma_wait3A_904] : memref<4x80x128xf32, #tpu.memory_space<vmem>> -> memref<1x40x128xf32, #tpu.memory_space<vmem>>
        %dma_wait3A_906 = tpu.memref_squeeze %dma_wait3A_905 : memref<1x40x128xf32, #tpu.memory_space<vmem>> -> memref<40x128xf32, #tpu.memory_space<vmem>>
        tpu.wait_dma2 semaphore(%run_scoped3A_882 : memref<!tpu.dma_semaphore, #tpu.memory_space<semaphore_mem>>) src(%dma_wait3A_906 : memref<40x128xf32, #tpu.memory_space<vmem>>) dst(%dma_wait3A_902 : memref<40x128xf32, #tpu.memory_space<vmem_shared>>)
        tpu.yield
      }) : () -> ()
    } else {
    }
    %barrier3A = arith.constant 0 : index
    tpu.barrier barrier_id(%barrier3A)
    %scan3A = arith.constant 0 : i32
    %scan3A_74 = arith.constant 0 : i32
    %scan3A_75 = arith.constant 7 : i32
    %scan3A_76 = arith.addi %scan3A_74, %scan3A_75 : i32
    %scan3A_77 = arith.constant 1 : i32
    scf.for %scan3A_866 = %scan3A_74 to %scan3A_76 step %scan3A_77  : i32 {
      %rem3A = arith.constant 2 : i32
      %rem3A_867 = arith.remsi %scan3A_866, %rem3A : i32
      %mul3A_868 = arith.constant 16 : i32
      %mul3A_869 = arith.muli %scan3A_866, %mul3A_868 : i32
      %dma_wait3A_870 = arith.constant 0 : i32
      %dma_wait3A_871 = arith.constant 0 : i32
      %dma_wait3A_872 = tpu.memref_slice %arg5[%rem3A_867, %dma_wait3A_870, %dma_wait3A_871] : memref<2x16x80xi32, #tpu.memory_space<vmem>> -> memref<1x16x80xi32, #tpu.memory_space<vmem>>
      %dma_wait3A_873 = tpu.memref_squeeze %dma_wait3A_872 : memref<1x16x80xi32, #tpu.memory_space<vmem>> -> memref<16x80xi32, #tpu.memory_space<vmem>>
      %dma_wait3A_874 = arith.constant 0 : i32
      %dma_wait3A_875 = tpu.memref_slice %arg3[%add3A, %mul3A_869, %dma_wait3A_874] : memref<32x125x80xi32, #tpu.memory_space<hbm>> -> memref<1x16x80xi32, #tpu.memory_space<hbm>>
      %dma_wait3A_876 = tpu.memref_squeeze %dma_wait3A_875 : memref<1x16x80xi32, #tpu.memory_space<hbm>> -> memref<16x80xi32, #tpu.memory_space<hbm>>
      %dma_wait3A_877 = arith.constant 0 : i32
      %dma_wait3A_878 = arith.constant 0 : i32
      %dma_wait3A_879 = tpu.memref_slice %arg5[%rem3A_867, %dma_wait3A_877, %dma_wait3A_878] : memref<2x16x80xi32, #tpu.memory_space<vmem>> -> memref<1x16x80xi32, #tpu.memory_space<vmem>>
      %dma_wait3A_880 = tpu.memref_squeeze %dma_wait3A_879 : memref<1x16x80xi32, #tpu.memory_space<vmem>> -> memref<16x80xi32, #tpu.memory_space<vmem>>
      %dma_wait3A_881 = arith.constant 0 : i32
      %dma_wait3A_882 = tpu.memref_slice %arg3[%add3A, %mul3A_869, %dma_wait3A_881] : memref<32x125x80xi32, #tpu.memory_space<hbm>> -> memref<1x16x80xi32, #tpu.memory_space<hbm>>
      %dma_wait3A_883 = tpu.memref_squeeze %dma_wait3A_882 : memref<1x16x80xi32, #tpu.memory_space<hbm>> -> memref<16x80xi32, #tpu.memory_space<hbm>>
      tpu.wait_dma2 semaphore(%arg12 : memref<!tpu.dma_semaphore, #tpu.memory_space<semaphore_mem>>) src(%dma_wait3A_883 : memref<16x80xi32, #tpu.memory_space<hbm>>) dst(%dma_wait3A_880 : memref<16x80xi32, #tpu.memory_space<vmem>>)
      %gt3A = arith.constant 0 : i32
      %gt3A_884 = arith.cmpi sgt, %scan3A_866, %gt3A : i32
      %convert_element_type3A_885 = arith.extui %gt3A_884 : i1 to i32
      %cond3A_886 = arith.constant 0 : i32
      %cond3A_887 = arith.cmpi ne, %convert_element_type3A_885, %cond3A_886 : i32
      scf.if %cond3A_887 {
        %dma_wait3A_1913 = arith.constant 3 : i32
        %dma_wait3A_1914 = arith.constant 0 : i32
        %dma_wait3A_1915 = arith.constant 0 : i32
        %dma_wait3A_1916 = arith.constant 0 : i32
        %dma_wait3A_1917 = tpu.memref_slice %arg6[%dma_wait3A_1913, %dma_wait3A_1915, %dma_wait3A_1916] : memref<4x80x128xf32, #tpu.memory_space<vmem>> -> memref<1x80x128xf32, #tpu.memory_space<vmem>>
        %dma_wait3A_1918 = tpu.memref_squeeze %dma_wait3A_1917 : memref<1x80x128xf32, #tpu.memory_space<vmem>> -> memref<80x128xf32, #tpu.memory_space<vmem>>
        %dma_wait3A_1919 = arith.constant 0 : i32
        %dma_wait3A_1920 = tpu.memref_slice %arg5[%rem3A_867, %dma_wait3A_1914, %dma_wait3A_1919] : memref<2x16x80xi32, #tpu.memory_space<vmem>> -> memref<1x1x80xi32, #tpu.memory_space<vmem>>
        %dma_wait3A_1921 = tpu.memref_squeeze %dma_wait3A_1920 : memref<1x1x80xi32, #tpu.memory_space<vmem>> -> memref<80xi32, #tpu.memory_space<vmem>>
        %dma_wait3A_1922 = arith.constant 0 : i32
        %dma_wait3A_1923 = arith.constant 0 : i32
        %dma_wait3A_1924 = tpu.memref_slice %arg7[%dma_wait3A_1922, %dma_wait3A_1923] : memref<10000x128xf32, #tpu.memory_space<vmem_shared>> -> memref<10000x128xf32, #tpu.memory_space<vmem_shared>>
        tpu.wait_indirect_dma semaphore(%arg16 : memref<!tpu.dma_semaphore, #tpu.memory_space<semaphore_mem>>) src(%dma_wait3A_1918 : memref<80x128xf32, #tpu.memory_space<vmem>>) dst(%dma_wait3A_1924 : memref<10000x128xf32, #tpu.memory_space<vmem_shared>>)
      } else {
      }
      %add3A_888 = arith.constant 1 : i32
      %add3A_889 = arith.addi %scan3A_866, %add3A_888 : i32
      %lt3A_890 = arith.constant 7 : i32
      %lt3A_891 = arith.cmpi slt, %add3A_889, %lt3A_890 : i32
      %convert_element_type3A_892 = arith.extui %lt3A_891 : i1 to i32
      %cond3A_893 = arith.constant 0 : i32
      %cond3A_894 = arith.cmpi ne, %convert_element_type3A_892, %cond3A_893 : i32
      scf.if %cond3A_894 {
        %add3A_1913 = arith.constant 1 : i32
        %add3A_1914 = arith.addi %scan3A_866, %add3A_1913 : i32
        %mul3A_1915 = arith.constant 16 : i32
        %mul3A_1916 = arith.muli %add3A_1914, %mul3A_1915 : i32
        %sub3A = arith.constant 1 : i32
        %sub3A_1917 = arith.subi %sub3A, %rem3A_867 : i32
        %dma_start3A_1918 = arith.constant 0 : i32
        %dma_start3A_1919 = arith.constant 0 : i32
        %dma_start3A_1920 = tpu.memref_slice %arg5[%sub3A_1917, %dma_start3A_1918, %dma_start3A_1919] : memref<2x16x80xi32, #tpu.memory_space<vmem>> -> memref<1x16x80xi32, #tpu.memory_space<vmem>>
        %dma_start3A_1921 = tpu.memref_squeeze %dma_start3A_1920 : memref<1x16x80xi32, #tpu.memory_space<vmem>> -> memref<16x80xi32, #tpu.memory_space<vmem>>
        %dma_start3A_1922 = arith.constant 0 : i32
        %dma_start3A_1923 = tpu.memref_slice %arg3[%add3A, %mul3A_1916, %dma_start3A_1922] : memref<32x125x80xi32, #tpu.memory_space<hbm>> -> memref<1x16x80xi32, #tpu.memory_space<hbm>>
        %dma_start3A_1924 = tpu.memref_squeeze %dma_start3A_1923 : memref<1x16x80xi32, #tpu.memory_space<hbm>> -> memref<16x80xi32, #tpu.memory_space<hbm>>
        %dma_start3A_1925 = arith.constant 0 : i32
        %dma_start3A_1926 = arith.constant 0 : i32
        %dma_start3A_1927 = tpu.memref_slice %arg5[%sub3A_1917, %dma_start3A_1925, %dma_start3A_1926] : memref<2x16x80xi32, #tpu.memory_space<vmem>> -> memref<1x16x80xi32, #tpu.memory_space<vmem>>
        %dma_start3A_1928 = tpu.memref_squeeze %dma_start3A_1927 : memref<1x16x80xi32, #tpu.memory_space<vmem>> -> memref<16x80xi32, #tpu.memory_space<vmem>>
        %dma_start3A_1929 = arith.constant 0 : i32
        %dma_start3A_1930 = tpu.memref_slice %arg3[%add3A, %mul3A_1916, %dma_start3A_1929] : memref<32x125x80xi32, #tpu.memory_space<hbm>> -> memref<1x16x80xi32, #tpu.memory_space<hbm>>
        %dma_start3A_1931 = tpu.memref_squeeze %dma_start3A_1930 : memref<1x16x80xi32, #tpu.memory_space<hbm>> -> memref<16x80xi32, #tpu.memory_space<hbm>>
        tpu.enqueue_dma source(%dma_start3A_1931 : memref<16x80xi32, #tpu.memory_space<hbm>>) target(%dma_start3A_1928 : memref<16x80xi32, #tpu.memory_space<vmem>>) target_semaphore(%arg12 : memref<!tpu.dma_semaphore, #tpu.memory_space<semaphore_mem>>)
      } else {
      }
      %add3A_895 = arith.constant 1 : i32
      %add3A_896 = arith.addi %scan3A_866, %add3A_895 : i32
      %eq3A = arith.constant 7 : i32
      %eq3A_897 = arith.cmpi eq, %add3A_896, %eq3A : i32
      %convert_element_type3A_898 = arith.extui %eq3A_897 : i1 to i32
      %cond3A_899 = arith.constant 0 : i32
      %cond3A_900 = arith.cmpi ne, %convert_element_type3A_898, %cond3A_899 : i32
      scf.if %cond3A_900 {
        %sub3A = arith.constant 1 : i32
        %sub3A_1913 = arith.subi %sub3A, %rem3A_867 : i32
        %dma_start3A_1914 = arith.constant 0 : i32
        %dma_start3A_1915 = arith.constant 0 : i32
        %dma_start3A_1916 = tpu.memref_slice %arg5[%sub3A_1913, %dma_start3A_1914, %dma_start3A_1915] : memref<2x16x80xi32, #tpu.memory_space<vmem>> -> memref<1x13x80xi32, #tpu.memory_space<vmem>>
        %dma_start3A_1917 = tpu.memref_squeeze %dma_start3A_1916 : memref<1x13x80xi32, #tpu.memory_space<vmem>> -> memref<13x80xi32, #tpu.memory_space<vmem>>
        %dma_start3A_1918 = arith.constant 112 : i32
        %dma_start3A_1919 = arith.constant 0 : i32
        %dma_start3A_1920 = tpu.memref_slice %arg3[%add3A, %dma_start3A_1918, %dma_start3A_1919] : memref<32x125x80xi32, #tpu.memory_space<hbm>> -> memref<1x13x80xi32, #tpu.memory_space<hbm>>
        %dma_start3A_1921 = tpu.memref_squeeze %dma_start3A_1920 : memref<1x13x80xi32, #tpu.memory_space<hbm>> -> memref<13x80xi32, #tpu.memory_space<hbm>>
        %dma_start3A_1922 = arith.constant 0 : i32
        %dma_start3A_1923 = arith.constant 0 : i32
        %dma_start3A_1924 = tpu.memref_slice %arg5[%sub3A_1913, %dma_start3A_1922, %dma_start3A_1923] : memref<2x16x80xi32, #tpu.memory_space<vmem>> -> memref<1x13x80xi32, #tpu.memory_space<vmem>>
        %dma_start3A_1925 = tpu.memref_squeeze %dma_start3A_1924 : memref<1x13x80xi32, #tpu.memory_space<vmem>> -> memref<13x80xi32, #tpu.memory_space<vmem>>
        %dma_start3A_1926 = arith.constant 112 : i32
        %dma_start3A_1927 = arith.constant 0 : i32
        %dma_start3A_1928 = tpu.memref_slice %arg3[%add3A, %dma_start3A_1926, %dma_start3A_1927] : memref<32x125x80xi32, #tpu.memory_space<hbm>> -> memref<1x13x80xi32, #tpu.memory_space<hbm>>
        %dma_start3A_1929 = tpu.memref_squeeze %dma_start3A_1928 : memref<1x13x80xi32, #tpu.memory_space<hbm>> -> memref<13x80xi32, #tpu.memory_space<hbm>>
        tpu.enqueue_dma source(%dma_start3A_1929 : memref<13x80xi32, #tpu.memory_space<hbm>>) target(%dma_start3A_1925 : memref<13x80xi32, #tpu.memory_space<vmem>>) target_semaphore(%arg12 : memref<!tpu.dma_semaphore, #tpu.memory_space<semaphore_mem>>)
      } else {
      }
      %mul3A_901 = arith.constant 16 : i32
      %mul3A_902 = arith.muli %scan3A_866, %mul3A_901 : i32
      %add3A_903 = arith.constant 0 : i32
      %add3A_904 = arith.addi %mul3A_902, %add3A_903 : i32
      %dma_wait3A_905 = arith.constant 0 : i32
      %dma_wait3A_906 = arith.constant 0 : i32
      %dma_wait3A_907 = arith.constant 0 : i32
      %dma_wait3A_908 = tpu.memref_slice %arg6[%dma_wait3A_905, %dma_wait3A_906, %dma_wait3A_907] : memref<4x80x128xf32, #tpu.memory_space<vmem>> -> memref<1x80x128xf32, #tpu.memory_space<vmem>>
      %dma_wait3A_909 = tpu.memref_squeeze %dma_wait3A_908 : memref<1x80x128xf32, #tpu.memory_space<vmem>> -> memref<80x128xf32, #tpu.memory_space<vmem>>
      %dma_wait3A_910 = arith.constant 0 : i32
      %dma_wait3A_911 = arith.constant 0 : i32
      %dma_wait3A_912 = tpu.memref_slice %arg2[%add3A, %add3A_904, %dma_wait3A_910, %dma_wait3A_911] : memref<32x125x80x128xf32, #tpu.memory_space<hbm>> -> memref<1x1x80x128xf32, #tpu.memory_space<hbm>>
      %dma_wait3A_913 = tpu.memref_squeeze %dma_wait3A_912 : memref<1x1x80x128xf32, #tpu.memory_space<hbm>> -> memref<80x128xf32, #tpu.memory_space<hbm>>
      %dma_wait3A_914 = arith.constant 0 : i32
      %dma_wait3A_915 = arith.constant 0 : i32
      %dma_wait3A_916 = tpu.memref_slice %arg6[%dma_wait3A_905, %dma_wait3A_914, %dma_wait3A_915] : memref<4x80x128xf32, #tpu.memory_space<vmem>> -> memref<1x80x128xf32, #tpu.memory_space<vmem>>
      %dma_wait3A_917 = tpu.memref_squeeze %dma_wait3A_916 : memref<1x80x128xf32, #tpu.memory_space<vmem>> -> memref<80x128xf32, #tpu.memory_space<vmem>>
      %dma_wait3A_918 = arith.constant 0 : i32
      %dma_wait3A_919 = arith.constant 0 : i32
      %dma_wait3A_920 = tpu.memref_slice %arg2[%add3A, %add3A_904, %dma_wait3A_918, %dma_wait3A_919] : memref<32x125x80x128xf32, #tpu.memory_space<hbm>> -> memref<1x1x80x128xf32, #tpu.memory_space<hbm>>
      %dma_wait3A_921 = tpu.memref_squeeze %dma_wait3A_920 : memref<1x1x80x128xf32, #tpu.memory_space<hbm>> -> memref<80x128xf32, #tpu.memory_space<hbm>>
      tpu.wait_dma2 semaphore(%arg8 : memref<!tpu.dma_semaphore, #tpu.memory_space<semaphore_mem>>) src(%dma_wait3A_921 : memref<80x128xf32, #tpu.memory_space<hbm>>) dst(%dma_wait3A_917 : memref<80x128xf32, #tpu.memory_space<vmem>>)
      %add3A_922 = arith.constant 3 : i32
      %add3A_923 = arith.addi %add3A_904, %add3A_922 : i32
      %dma_start3A_924 = arith.constant 3 : i32
      %dma_start3A_925 = arith.constant 0 : i32
      %dma_start3A_926 = arith.constant 0 : i32
      %dma_start3A_927 = tpu.memref_slice %arg6[%dma_start3A_924, %dma_start3A_925, %dma_start3A_926] : memref<4x80x128xf32, #tpu.memory_space<vmem>> -> memref<1x80x128xf32, #tpu.memory_space<vmem>>
      %dma_start3A_928 = tpu.memref_squeeze %dma_start3A_927 : memref<1x80x128xf32, #tpu.memory_space<vmem>> -> memref<80x128xf32, #tpu.memory_space<vmem>>
      %dma_start3A_929 = arith.constant 0 : i32
      %dma_start3A_930 = arith.constant 0 : i32
      %dma_start3A_931 = tpu.memref_slice %arg2[%add3A, %add3A_923, %dma_start3A_929, %dma_start3A_930] : memref<32x125x80x128xf32, #tpu.memory_space<hbm>> -> memref<1x1x80x128xf32, #tpu.memory_space<hbm>>
      %dma_start3A_932 = tpu.memref_squeeze %dma_start3A_931 : memref<1x1x80x128xf32, #tpu.memory_space<hbm>> -> memref<80x128xf32, #tpu.memory_space<hbm>>
      %dma_start3A_933 = arith.constant 0 : i32
      %dma_start3A_934 = arith.constant 0 : i32
      %dma_start3A_935 = tpu.memref_slice %arg6[%dma_start3A_924, %dma_start3A_933, %dma_start3A_934] : memref<4x80x128xf32, #tpu.memory_space<vmem>> -> memref<1x80x128xf32, #tpu.memory_space<vmem>>
      %dma_start3A_936 = tpu.memref_squeeze %dma_start3A_935 : memref<1x80x128xf32, #tpu.memory_space<vmem>> -> memref<80x128xf32, #tpu.memory_space<vmem>>
      %dma_start3A_937 = arith.constant 0 : i32
      %dma_start3A_938 = arith.constant 0 : i32
      %dma_start3A_939 = tpu.memref_slice %arg2[%add3A, %add3A_923, %dma_start3A_937, %dma_start3A_938] : memref<32x125x80x128xf32, #tpu.memory_space<hbm>> -> memref<1x1x80x128xf32, #tpu.memory_space<hbm>>
      %dma_start3A_940 = tpu.memref_squeeze %dma_start3A_939 : memref<1x1x80x128xf32, #tpu.memory_space<hbm>> -> memref<80x128xf32, #tpu.memory_space<hbm>>
      tpu.enqueue_dma source(%dma_start3A_940 : memref<80x128xf32, #tpu.memory_space<hbm>>) target(%dma_start3A_936 : memref<80x128xf32, #tpu.memory_space<vmem>>) target_semaphore(%arg11 : memref<!tpu.dma_semaphore, #tpu.memory_space<semaphore_mem>>)
      %dma_start3A_941 = arith.constant 0 : i32
      %dma_start3A_942 = arith.constant 0 : i32
      %dma_start3A_943 = arith.constant 0 : i32
      %dma_start3A_944 = arith.constant 0 : i32
      %dma_start3A_945 = tpu.memref_slice %arg6[%dma_start3A_941, %dma_start3A_943, %dma_start3A_944] : memref<4x80x128xf32, #tpu.memory_space<vmem>> -> memref<1x80x128xf32, #tpu.memory_space<vmem>>
      %dma_start3A_946 = tpu.memref_squeeze %dma_start3A_945 : memref<1x80x128xf32, #tpu.memory_space<vmem>> -> memref<80x128xf32, #tpu.memory_space<vmem>>
      %dma_start3A_947 = arith.constant 0 : i32
      %dma_start3A_948 = tpu.memref_slice %arg5[%rem3A_867, %dma_start3A_942, %dma_start3A_947] : memref<2x16x80xi32, #tpu.memory_space<vmem>> -> memref<1x1x80xi32, #tpu.memory_space<vmem>>
      %dma_start3A_949 = tpu.memref_squeeze %dma_start3A_948 : memref<1x1x80xi32, #tpu.memory_space<vmem>> -> memref<80xi32, #tpu.memory_space<vmem>>
      %dma_start3A_950 = arith.constant 0 : i32
      %dma_start3A_951 = arith.constant 0 : i32
      %dma_start3A_952 = tpu.memref_slice %arg7[%dma_start3A_950, %dma_start3A_951] : memref<10000x128xf32, #tpu.memory_space<vmem_shared>> -> memref<10000x128xf32, #tpu.memory_space<vmem_shared>>
      tpu.enqueue_indirect_dma source(%dma_start3A_946 : memref<80x128xf32, #tpu.memory_space<vmem>>) target(%dma_start3A_952 : memref<10000x128xf32, #tpu.memory_space<vmem_shared>>) offsets(%dma_start3A_949 : memref<80xi32, #tpu.memory_space<vmem>>) semaphore(%arg13 : memref<!tpu.dma_semaphore, #tpu.memory_space<semaphore_mem>>) {add = true}
      %mul3A_953 = arith.constant 16 : i32
      %mul3A_954 = arith.muli %scan3A_866, %mul3A_953 : i32
      %add3A_955 = arith.constant 1 : i32
      %add3A_956 = arith.addi %mul3A_954, %add3A_955 : i32
      %dma_wait3A_957 = arith.constant 1 : i32
      %dma_wait3A_958 = arith.constant 0 : i32
      %dma_wait3A_959 = arith.constant 0 : i32
      %dma_wait3A_960 = tpu.memref_slice %arg6[%dma_wait3A_957, %dma_wait3A_958, %dma_wait3A_959] : memref<4x80x128xf32, #tpu.memory_space<vmem>> -> memref<1x80x128xf32, #tpu.memory_space<vmem>>
      %dma_wait3A_961 = tpu.memref_squeeze %dma_wait3A_960 : memref<1x80x128xf32, #tpu.memory_space<vmem>> -> memref<80x128xf32, #tpu.memory_space<vmem>>
      %dma_wait3A_962 = arith.constant 0 : i32
      %dma_wait3A_963 = arith.constant 0 : i32
      %dma_wait3A_964 = tpu.memref_slice %arg2[%add3A, %add3A_956, %dma_wait3A_962, %dma_wait3A_963] : memref<32x125x80x128xf32, #tpu.memory_space<hbm>> -> memref<1x1x80x128xf32, #tpu.memory_space<hbm>>
      %dma_wait3A_965 = tpu.memref_squeeze %dma_wait3A_964 : memref<1x1x80x128xf32, #tpu.memory_space<hbm>> -> memref<80x128xf32, #tpu.memory_space<hbm>>
      %dma_wait3A_966 = arith.constant 0 : i32
      %dma_wait3A_967 = arith.constant 0 : i32
      %dma_wait3A_968 = tpu.memref_slice %arg6[%dma_wait3A_957, %dma_wait3A_966, %dma_wait3A_967] : memref<4x80x128xf32, #tpu.memory_space<vmem>> -> memref<1x80x128xf32, #tpu.memory_space<vmem>>
      %dma_wait3A_969 = tpu.memref_squeeze %dma_wait3A_968 : memref<1x80x128xf32, #tpu.memory_space<vmem>> -> memref<80x128xf32, #tpu.memory_space<vmem>>
      %dma_wait3A_970 = arith.constant 0 : i32
      %dma_wait3A_971 = arith.constant 0 : i32
      %dma_wait3A_972 = tpu.memref_slice %arg2[%add3A, %add3A_956, %dma_wait3A_970, %dma_wait3A_971] : memref<32x125x80x128xf32, #tpu.memory_space<hbm>> -> memref<1x1x80x128xf32, #tpu.memory_space<hbm>>
      %dma_wait3A_973 = tpu.memref_squeeze %dma_wait3A_972 : memref<1x1x80x128xf32, #tpu.memory_space<hbm>> -> memref<80x128xf32, #tpu.memory_space<hbm>>
      tpu.wait_dma2 semaphore(%arg9 : memref<!tpu.dma_semaphore, #tpu.memory_space<semaphore_mem>>) src(%dma_wait3A_973 : memref<80x128xf32, #tpu.memory_space<hbm>>) dst(%dma_wait3A_969 : memref<80x128xf32, #tpu.memory_space<vmem>>)
      %dma_wait3A_974 = arith.constant 0 : i32
      %dma_wait3A_975 = arith.constant 1 : i32
      %dma_wait3A_976 = arith.constant 0 : i32
      %dma_wait3A_977 = arith.constant 0 : i32
      %dma_wait3A_978 = tpu.memref_slice %arg6[%dma_wait3A_974, %dma_wait3A_976, %dma_wait3A_977] : memref<4x80x128xf32, #tpu.memory_space<vmem>> -> memref<1x80x128xf32, #tpu.memory_space<vmem>>
      %dma_wait3A_979 = tpu.memref_squeeze %dma_wait3A_978 : memref<1x80x128xf32, #tpu.memory_space<vmem>> -> memref<80x128xf32, #tpu.memory_space<vmem>>
      %dma_wait3A_980 = arith.constant 0 : i32
      %dma_wait3A_981 = tpu.memref_slice %arg5[%rem3A_867, %dma_wait3A_975, %dma_wait3A_980] : memref<2x16x80xi32, #tpu.memory_space<vmem>> -> memref<1x1x80xi32, #tpu.memory_space<vmem>>
      %dma_wait3A_982 = tpu.memref_squeeze %dma_wait3A_981 : memref<1x1x80xi32, #tpu.memory_space<vmem>> -> memref<80xi32, #tpu.memory_space<vmem>>
      %dma_wait3A_983 = arith.constant 0 : i32
      %dma_wait3A_984 = arith.constant 0 : i32
      %dma_wait3A_985 = tpu.memref_slice %arg7[%dma_wait3A_983, %dma_wait3A_984] : memref<10000x128xf32, #tpu.memory_space<vmem_shared>> -> memref<10000x128xf32, #tpu.memory_space<vmem_shared>>
      tpu.wait_indirect_dma semaphore(%arg13 : memref<!tpu.dma_semaphore, #tpu.memory_space<semaphore_mem>>) src(%dma_wait3A_979 : memref<80x128xf32, #tpu.memory_space<vmem>>) dst(%dma_wait3A_985 : memref<10000x128xf32, #tpu.memory_space<vmem_shared>>)
      %add3A_986 = arith.constant 3 : i32
      %add3A_987 = arith.addi %add3A_956, %add3A_986 : i32
      %dma_start3A_988 = arith.constant 0 : i32
      %dma_start3A_989 = arith.constant 0 : i32
      %dma_start3A_990 = arith.constant 0 : i32
      %dma_start3A_991 = tpu.memref_slice %arg6[%dma_start3A_988, %dma_start3A_989, %dma_start3A_990] : memref<4x80x128xf32, #tpu.memory_space<vmem>> -> memref<1x80x128xf32, #tpu.memory_space<vmem>>
      %dma_start3A_992 = tpu.memref_squeeze %dma_start3A_991 : memref<1x80x128xf32, #tpu.memory_space<vmem>> -> memref<80x128xf32, #tpu.memory_space<vmem>>
      %dma_start3A_993 = arith.constant 0 : i32
      %dma_start3A_994 = arith.constant 0 : i32
      %dma_start3A_995 = tpu.memref_slice %arg2[%add3A, %add3A_987, %dma_start3A_993, %dma_start3A_994] : memref<32x125x80x128xf32, #tpu.memory_space<hbm>> -> memref<1x1x80x128xf32, #tpu.memory_space<hbm>>
      %dma_start3A_996 = tpu.memref_squeeze %dma_start3A_995 : memref<1x1x80x128xf32, #tpu.memory_space<hbm>> -> memref<80x128xf32, #tpu.memory_space<hbm>>
      %dma_start3A_997 = arith.constant 0 : i32
      %dma_start3A_998 = arith.constant 0 : i32
      %dma_start3A_999 = tpu.memref_slice %arg6[%dma_start3A_988, %dma_start3A_997, %dma_start3A_998] : memref<4x80x128xf32, #tpu.memory_space<vmem>> -> memref<1x80x128xf32, #tpu.memory_space<vmem>>
      %dma_start3A_1000 = tpu.memref_squeeze %dma_start3A_999 : memref<1x80x128xf32, #tpu.memory_space<vmem>> -> memref<80x128xf32, #tpu.memory_space<vmem>>
      %dma_start3A_1001 = arith.constant 0 : i32
      %dma_start3A_1002 = arith.constant 0 : i32
      %dma_start3A_1003 = tpu.memref_slice %arg2[%add3A, %add3A_987, %dma_start3A_1001, %dma_start3A_1002] : memref<32x125x80x128xf32, #tpu.memory_space<hbm>> -> memref<1x1x80x128xf32, #tpu.memory_space<hbm>>
      %dma_start3A_1004 = tpu.memref_squeeze %dma_start3A_1003 : memref<1x1x80x128xf32, #tpu.memory_space<hbm>> -> memref<80x128xf32, #tpu.memory_space<hbm>>
      tpu.enqueue_dma source(%dma_start3A_1004 : memref<80x128xf32, #tpu.memory_space<hbm>>) target(%dma_start3A_1000 : memref<80x128xf32, #tpu.memory_space<vmem>>) target_semaphore(%arg8 : memref<!tpu.dma_semaphore, #tpu.memory_space<semaphore_mem>>)
      %dma_start3A_1005 = arith.constant 1 : i32
      %dma_start3A_1006 = arith.constant 1 : i32
      %dma_start3A_1007 = arith.constant 0 : i32
      %dma_start3A_1008 = arith.constant 0 : i32
      %dma_start3A_1009 = tpu.memref_slice %arg6[%dma_start3A_1005, %dma_start3A_1007, %dma_start3A_1008] : memref<4x80x128xf32, #tpu.memory_space<vmem>> -> memref<1x80x128xf32, #tpu.memory_space<vmem>>
      %dma_start3A_1010 = tpu.memref_squeeze %dma_start3A_1009 : memref<1x80x128xf32, #tpu.memory_space<vmem>> -> memref<80x128xf32, #tpu.memory_space<vmem>>
      %dma_start3A_1011 = arith.constant 0 : i32
      %dma_start3A_1012 = tpu.memref_slice %arg5[%rem3A_867, %dma_start3A_1006, %dma_start3A_1011] : memref<2x16x80xi32, #tpu.memory_space<vmem>> -> memref<1x1x80xi32, #tpu.memory_space<vmem>>
      %dma_start3A_1013 = tpu.memref_squeeze %dma_start3A_1012 : memref<1x1x80xi32, #tpu.memory_space<vmem>> -> memref<80xi32, #tpu.memory_space<vmem>>
      %dma_start3A_1014 = arith.constant 0 : i32
      %dma_start3A_1015 = arith.constant 0 : i32
      %dma_start3A_1016 = tpu.memref_slice %arg7[%dma_start3A_1014, %dma_start3A_1015] : memref<10000x128xf32, #tpu.memory_space<vmem_shared>> -> memref<10000x128xf32, #tpu.memory_space<vmem_shared>>
      tpu.enqueue_indirect_dma source(%dma_start3A_1010 : memref<80x128xf32, #tpu.memory_space<vmem>>) target(%dma_start3A_1016 : memref<10000x128xf32, #tpu.memory_space<vmem_shared>>) offsets(%dma_start3A_1013 : memref<80xi32, #tpu.memory_space<vmem>>) semaphore(%arg14 : memref<!tpu.dma_semaphore, #tpu.memory_space<semaphore_mem>>) {add = true}
      %mul3A_1017 = arith.constant 16 : i32
      %mul3A_1018 = arith.muli %scan3A_866, %mul3A_1017 : i32
      %add3A_1019 = arith.constant 2 : i32
      %add3A_1020 = arith.addi %mul3A_1018, %add3A_1019 : i32
      %dma_wait3A_1021 = arith.constant 2 : i32
      %dma_wait3A_1022 = arith.constant 0 : i32
      %dma_wait3A_1023 = arith.constant 0 : i32
      %dma_wait3A_1024 = tpu.memref_slice %arg6[%dma_wait3A_1021, %dma_wait3A_1022, %dma_wait3A_1023] : memref<4x80x128xf32, #tpu.memory_space<vmem>> -> memref<1x80x128xf32, #tpu.memory_space<vmem>>
      %dma_wait3A_1025 = tpu.memref_squeeze %dma_wait3A_1024 : memref<1x80x128xf32, #tpu.memory_space<vmem>> -> memref<80x128xf32, #tpu.memory_space<vmem>>
      %dma_wait3A_1026 = arith.constant 0 : i32
      %dma_wait3A_1027 = arith.constant 0 : i32
      %dma_wait3A_1028 = tpu.memref_slice %arg2[%add3A, %add3A_1020, %dma_wait3A_1026, %dma_wait3A_1027] : memref<32x125x80x128xf32, #tpu.memory_space<hbm>> -> memref<1x1x80x128xf32, #tpu.memory_space<hbm>>
      %dma_wait3A_1029 = tpu.memref_squeeze %dma_wait3A_1028 : memref<1x1x80x128xf32, #tpu.memory_space<hbm>> -> memref<80x128xf32, #tpu.memory_space<hbm>>
      %dma_wait3A_1030 = arith.constant 0 : i32
      %dma_wait3A_1031 = arith.constant 0 : i32
      %dma_wait3A_1032 = tpu.memref_slice %arg6[%dma_wait3A_1021, %dma_wait3A_1030, %dma_wait3A_1031] : memref<4x80x128xf32, #tpu.memory_space<vmem>> -> memref<1x80x128xf32, #tpu.memory_space<vmem>>
      %dma_wait3A_1033 = tpu.memref_squeeze %dma_wait3A_1032 : memref<1x80x128xf32, #tpu.memory_space<vmem>> -> memref<80x128xf32, #tpu.memory_space<vmem>>
      %dma_wait3A_1034 = arith.constant 0 : i32
      %dma_wait3A_1035 = arith.constant 0 : i32
      %dma_wait3A_1036 = tpu.memref_slice %arg2[%add3A, %add3A_1020, %dma_wait3A_1034, %dma_wait3A_1035] : memref<32x125x80x128xf32, #tpu.memory_space<hbm>> -> memref<1x1x80x128xf32, #tpu.memory_space<hbm>>
      %dma_wait3A_1037 = tpu.memref_squeeze %dma_wait3A_1036 : memref<1x1x80x128xf32, #tpu.memory_space<hbm>> -> memref<80x128xf32, #tpu.memory_space<hbm>>
      tpu.wait_dma2 semaphore(%arg10 : memref<!tpu.dma_semaphore, #tpu.memory_space<semaphore_mem>>) src(%dma_wait3A_1037 : memref<80x128xf32, #tpu.memory_space<hbm>>) dst(%dma_wait3A_1033 : memref<80x128xf32, #tpu.memory_space<vmem>>)
      %dma_wait3A_1038 = arith.constant 1 : i32
      %dma_wait3A_1039 = arith.constant 2 : i32
      %dma_wait3A_1040 = arith.constant 0 : i32
      %dma_wait3A_1041 = arith.constant 0 : i32
      %dma_wait3A_1042 = tpu.memref_slice %arg6[%dma_wait3A_1038, %dma_wait3A_1040, %dma_wait3A_1041] : memref<4x80x128xf32, #tpu.memory_space<vmem>> -> memref<1x80x128xf32, #tpu.memory_space<vmem>>
      %dma_wait3A_1043 = tpu.memref_squeeze %dma_wait3A_1042 : memref<1x80x128xf32, #tpu.memory_space<vmem>> -> memref<80x128xf32, #tpu.memory_space<vmem>>
      %dma_wait3A_1044 = arith.constant 0 : i32
      %dma_wait3A_1045 = tpu.memref_slice %arg5[%rem3A_867, %dma_wait3A_1039, %dma_wait3A_1044] : memref<2x16x80xi32, #tpu.memory_space<vmem>> -> memref<1x1x80xi32, #tpu.memory_space<vmem>>
      %dma_wait3A_1046 = tpu.memref_squeeze %dma_wait3A_1045 : memref<1x1x80xi32, #tpu.memory_space<vmem>> -> memref<80xi32, #tpu.memory_space<vmem>>
      %dma_wait3A_1047 = arith.constant 0 : i32
      %dma_wait3A_1048 = arith.constant 0 : i32
      %dma_wait3A_1049 = tpu.memref_slice %arg7[%dma_wait3A_1047, %dma_wait3A_1048] : memref<10000x128xf32, #tpu.memory_space<vmem_shared>> -> memref<10000x128xf32, #tpu.memory_space<vmem_shared>>
      tpu.wait_indirect_dma semaphore(%arg14 : memref<!tpu.dma_semaphore, #tpu.memory_space<semaphore_mem>>) src(%dma_wait3A_1043 : memref<80x128xf32, #tpu.memory_space<vmem>>) dst(%dma_wait3A_1049 : memref<10000x128xf32, #tpu.memory_space<vmem_shared>>)
      %add3A_1050 = arith.constant 3 : i32
      %add3A_1051 = arith.addi %add3A_1020, %add3A_1050 : i32
      %dma_start3A_1052 = arith.constant 1 : i32
      %dma_start3A_1053 = arith.constant 0 : i32
      %dma_start3A_1054 = arith.constant 0 : i32
      %dma_start3A_1055 = tpu.memref_slice %arg6[%dma_start3A_1052, %dma_start3A_1053, %dma_start3A_1054] : memref<4x80x128xf32, #tpu.memory_space<vmem>> -> memref<1x80x128xf32, #tpu.memory_space<vmem>>
      %dma_start3A_1056 = tpu.memref_squeeze %dma_start3A_1055 : memref<1x80x128xf32, #tpu.memory_space<vmem>> -> memref<80x128xf32, #tpu.memory_space<vmem>>
      %dma_start3A_1057 = arith.constant 0 : i32
      %dma_start3A_1058 = arith.constant 0 : i32
      %dma_start3A_1059 = tpu.memref_slice %arg2[%add3A, %add3A_1051, %dma_start3A_1057, %dma_start3A_1058] : memref<32x125x80x128xf32, #tpu.memory_space<hbm>> -> memref<1x1x80x128xf32, #tpu.memory_space<hbm>>
      %dma_start3A_1060 = tpu.memref_squeeze %dma_start3A_1059 : memref<1x1x80x128xf32, #tpu.memory_space<hbm>> -> memref<80x128xf32, #tpu.memory_space<hbm>>
      %dma_start3A_1061 = arith.constant 0 : i32
      %dma_start3A_1062 = arith.constant 0 : i32
      %dma_start3A_1063 = tpu.memref_slice %arg6[%dma_start3A_1052, %dma_start3A_1061, %dma_start3A_1062] : memref<4x80x128xf32, #tpu.memory_space<vmem>> -> memref<1x80x128xf32, #tpu.memory_space<vmem>>
      %dma_start3A_1064 = tpu.memref_squeeze %dma_start3A_1063 : memref<1x80x128xf32, #tpu.memory_space<vmem>> -> memref<80x128xf32, #tpu.memory_space<vmem>>
      %dma_start3A_1065 = arith.constant 0 : i32
      %dma_start3A_1066 = arith.constant 0 : i32
      %dma_start3A_1067 = tpu.memref_slice %arg2[%add3A, %add3A_1051, %dma_start3A_1065, %dma_start3A_1066] : memref<32x125x80x128xf32, #tpu.memory_space<hbm>> -> memref<1x1x80x128xf32, #tpu.memory_space<hbm>>
      %dma_start3A_1068 = tpu.memref_squeeze %dma_start3A_1067 : memref<1x1x80x128xf32, #tpu.memory_space<hbm>> -> memref<80x128xf32, #tpu.memory_space<hbm>>
      tpu.enqueue_dma source(%dma_start3A_1068 : memref<80x128xf32, #tpu.memory_space<hbm>>) target(%dma_start3A_1064 : memref<80x128xf32, #tpu.memory_space<vmem>>) target_semaphore(%arg9 : memref<!tpu.dma_semaphore, #tpu.memory_space<semaphore_mem>>)
      %dma_start3A_1069 = arith.constant 2 : i32
      %dma_start3A_1070 = arith.constant 2 : i32
      %dma_start3A_1071 = arith.constant 0 : i32
      %dma_start3A_1072 = arith.constant 0 : i32
      %dma_start3A_1073 = tpu.memref_slice %arg6[%dma_start3A_1069, %dma_start3A_1071, %dma_start3A_1072] : memref<4x80x128xf32, #tpu.memory_space<vmem>> -> memref<1x80x128xf32, #tpu.memory_space<vmem>>
      %dma_start3A_1074 = tpu.memref_squeeze %dma_start3A_1073 : memref<1x80x128xf32, #tpu.memory_space<vmem>> -> memref<80x128xf32, #tpu.memory_space<vmem>>
      %dma_start3A_1075 = arith.constant 0 : i32
      %dma_start3A_1076 = tpu.memref_slice %arg5[%rem3A_867, %dma_start3A_1070, %dma_start3A_1075] : memref<2x16x80xi32, #tpu.memory_space<vmem>> -> memref<1x1x80xi32, #tpu.memory_space<vmem>>
      %dma_start3A_1077 = tpu.memref_squeeze %dma_start3A_1076 : memref<1x1x80xi32, #tpu.memory_space<vmem>> -> memref<80xi32, #tpu.memory_space<vmem>>
      %dma_start3A_1078 = arith.constant 0 : i32
      %dma_start3A_1079 = arith.constant 0 : i32
      %dma_start3A_1080 = tpu.memref_slice %arg7[%dma_start3A_1078, %dma_start3A_1079] : memref<10000x128xf32, #tpu.memory_space<vmem_shared>> -> memref<10000x128xf32, #tpu.memory_space<vmem_shared>>
      tpu.enqueue_indirect_dma source(%dma_start3A_1074 : memref<80x128xf32, #tpu.memory_space<vmem>>) target(%dma_start3A_1080 : memref<10000x128xf32, #tpu.memory_space<vmem_shared>>) offsets(%dma_start3A_1077 : memref<80xi32, #tpu.memory_space<vmem>>) semaphore(%arg15 : memref<!tpu.dma_semaphore, #tpu.memory_space<semaphore_mem>>) {add = true}
      %mul3A_1081 = arith.constant 16 : i32
      %mul3A_1082 = arith.muli %scan3A_866, %mul3A_1081 : i32
      %add3A_1083 = arith.constant 3 : i32
      %add3A_1084 = arith.addi %mul3A_1082, %add3A_1083 : i32
      %dma_wait3A_1085 = arith.constant 3 : i32
      %dma_wait3A_1086 = arith.constant 0 : i32
      %dma_wait3A_1087 = arith.constant 0 : i32
      %dma_wait3A_1088 = tpu.memref_slice %arg6[%dma_wait3A_1085, %dma_wait3A_1086, %dma_wait3A_1087] : memref<4x80x128xf32, #tpu.memory_space<vmem>> -> memref<1x80x128xf32, #tpu.memory_space<vmem>>
      %dma_wait3A_1089 = tpu.memref_squeeze %dma_wait3A_1088 : memref<1x80x128xf32, #tpu.memory_space<vmem>> -> memref<80x128xf32, #tpu.memory_space<vmem>>
      %dma_wait3A_1090 = arith.constant 0 : i32
      %dma_wait3A_1091 = arith.constant 0 : i32
      %dma_wait3A_1092 = tpu.memref_slice %arg2[%add3A, %add3A_1084, %dma_wait3A_1090, %dma_wait3A_1091] : memref<32x125x80x128xf32, #tpu.memory_space<hbm>> -> memref<1x1x80x128xf32, #tpu.memory_space<hbm>>
      %dma_wait3A_1093 = tpu.memref_squeeze %dma_wait3A_1092 : memref<1x1x80x128xf32, #tpu.memory_space<hbm>> -> memref<80x128xf32, #tpu.memory_space<hbm>>
      %dma_wait3A_1094 = arith.constant 0 : i32
      %dma_wait3A_1095 = arith.constant 0 : i32
      %dma_wait3A_1096 = tpu.memref_slice %arg6[%dma_wait3A_1085, %dma_wait3A_1094, %dma_wait3A_1095] : memref<4x80x128xf32, #tpu.memory_space<vmem>> -> memref<1x80x128xf32, #tpu.memory_space<vmem>>
      %dma_wait3A_1097 = tpu.memref_squeeze %dma_wait3A_1096 : memref<1x80x128xf32, #tpu.memory_space<vmem>> -> memref<80x128xf32, #tpu.memory_space<vmem>>
      %dma_wait3A_1098 = arith.constant 0 : i32
      %dma_wait3A_1099 = arith.constant 0 : i32
      %dma_wait3A_1100 = tpu.memref_slice %arg2[%add3A, %add3A_1084, %dma_wait3A_1098, %dma_wait3A_1099] : memref<32x125x80x128xf32, #tpu.memory_space<hbm>> -> memref<1x1x80x128xf32, #tpu.memory_space<hbm>>
      %dma_wait3A_1101 = tpu.memref_squeeze %dma_wait3A_1100 : memref<1x1x80x128xf32, #tpu.memory_space<hbm>> -> memref<80x128xf32, #tpu.memory_space<hbm>>
      tpu.wait_dma2 semaphore(%arg11 : memref<!tpu.dma_semaphore, #tpu.memory_space<semaphore_mem>>) src(%dma_wait3A_1101 : memref<80x128xf32, #tpu.memory_space<hbm>>) dst(%dma_wait3A_1097 : memref<80x128xf32, #tpu.memory_space<vmem>>)
      %dma_wait3A_1102 = arith.constant 2 : i32
      %dma_wait3A_1103 = arith.constant 3 : i32
      %dma_wait3A_1104 = arith.constant 0 : i32
      %dma_wait3A_1105 = arith.constant 0 : i32
      %dma_wait3A_1106 = tpu.memref_slice %arg6[%dma_wait3A_1102, %dma_wait3A_1104, %dma_wait3A_1105] : memref<4x80x128xf32, #tpu.memory_space<vmem>> -> memref<1x80x128xf32, #tpu.memory_space<vmem>>
      %dma_wait3A_1107 = tpu.memref_squeeze %dma_wait3A_1106 : memref<1x80x128xf32, #tpu.memory_space<vmem>> -> memref<80x128xf32, #tpu.memory_space<vmem>>
      %dma_wait3A_1108 = arith.constant 0 : i32
      %dma_wait3A_1109 = tpu.memref_slice %arg5[%rem3A_867, %dma_wait3A_1103, %dma_wait3A_1108] : memref<2x16x80xi32, #tpu.memory_space<vmem>> -> memref<1x1x80xi32, #tpu.memory_space<vmem>>
      %dma_wait3A_1110 = tpu.memref_squeeze %dma_wait3A_1109 : memref<1x1x80xi32, #tpu.memory_space<vmem>> -> memref<80xi32, #tpu.memory_space<vmem>>
      %dma_wait3A_1111 = arith.constant 0 : i32
      %dma_wait3A_1112 = arith.constant 0 : i32
      %dma_wait3A_1113 = tpu.memref_slice %arg7[%dma_wait3A_1111, %dma_wait3A_1112] : memref<10000x128xf32, #tpu.memory_space<vmem_shared>> -> memref<10000x128xf32, #tpu.memory_space<vmem_shared>>
      tpu.wait_indirect_dma semaphore(%arg15 : memref<!tpu.dma_semaphore, #tpu.memory_space<semaphore_mem>>) src(%dma_wait3A_1107 : memref<80x128xf32, #tpu.memory_space<vmem>>) dst(%dma_wait3A_1113 : memref<10000x128xf32, #tpu.memory_space<vmem_shared>>)
      %add3A_1114 = arith.constant 3 : i32
      %add3A_1115 = arith.addi %add3A_1084, %add3A_1114 : i32
      %dma_start3A_1116 = arith.constant 2 : i32
      %dma_start3A_1117 = arith.constant 0 : i32
      %dma_start3A_1118 = arith.constant 0 : i32
      %dma_start3A_1119 = tpu.memref_slice %arg6[%dma_start3A_1116, %dma_start3A_1117, %dma_start3A_1118] : memref<4x80x128xf32, #tpu.memory_space<vmem>> -> memref<1x80x128xf32, #tpu.memory_space<vmem>>
      %dma_start3A_1120 = tpu.memref_squeeze %dma_start3A_1119 : memref<1x80x128xf32, #tpu.memory_space<vmem>> -> memref<80x128xf32, #tpu.memory_space<vmem>>
      %dma_start3A_1121 = arith.constant 0 : i32
      %dma_start3A_1122 = arith.constant 0 : i32
      %dma_start3A_1123 = tpu.memref_slice %arg2[%add3A, %add3A_1115, %dma_start3A_1121, %dma_start3A_1122] : memref<32x125x80x128xf32, #tpu.memory_space<hbm>> -> memref<1x1x80x128xf32, #tpu.memory_space<hbm>>
      %dma_start3A_1124 = tpu.memref_squeeze %dma_start3A_1123 : memref<1x1x80x128xf32, #tpu.memory_space<hbm>> -> memref<80x128xf32, #tpu.memory_space<hbm>>
      %dma_start3A_1125 = arith.constant 0 : i32
      %dma_start3A_1126 = arith.constant 0 : i32
      %dma_start3A_1127 = tpu.memref_slice %arg6[%dma_start3A_1116, %dma_start3A_1125, %dma_start3A_1126] : memref<4x80x128xf32, #tpu.memory_space<vmem>> -> memref<1x80x128xf32, #tpu.memory_space<vmem>>
      %dma_start3A_1128 = tpu.memref_squeeze %dma_start3A_1127 : memref<1x80x128xf32, #tpu.memory_space<vmem>> -> memref<80x128xf32, #tpu.memory_space<vmem>>
      %dma_start3A_1129 = arith.constant 0 : i32
      %dma_start3A_1130 = arith.constant 0 : i32
      %dma_start3A_1131 = tpu.memref_slice %arg2[%add3A, %add3A_1115, %dma_start3A_1129, %dma_start3A_1130] : memref<32x125x80x128xf32, #tpu.memory_space<hbm>> -> memref<1x1x80x128xf32, #tpu.memory_space<hbm>>
      %dma_start3A_1132 = tpu.memref_squeeze %dma_start3A_1131 : memref<1x1x80x128xf32, #tpu.memory_space<hbm>> -> memref<80x128xf32, #tpu.memory_space<hbm>>
      tpu.enqueue_dma source(%dma_start3A_1132 : memref<80x128xf32, #tpu.memory_space<hbm>>) target(%dma_start3A_1128 : memref<80x128xf32, #tpu.memory_space<vmem>>) target_semaphore(%arg10 : memref<!tpu.dma_semaphore, #tpu.memory_space<semaphore_mem>>)
      %dma_start3A_1133 = arith.constant 3 : i32
      %dma_start3A_1134 = arith.constant 3 : i32
      %dma_start3A_1135 = arith.constant 0 : i32
      %dma_start3A_1136 = arith.constant 0 : i32
      %dma_start3A_1137 = tpu.memref_slice %arg6[%dma_start3A_1133, %dma_start3A_1135, %dma_start3A_1136] : memref<4x80x128xf32, #tpu.memory_space<vmem>> -> memref<1x80x128xf32, #tpu.memory_space<vmem>>
      %dma_start3A_1138 = tpu.memref_squeeze %dma_start3A_1137 : memref<1x80x128xf32, #tpu.memory_space<vmem>> -> memref<80x128xf32, #tpu.memory_space<vmem>>
      %dma_start3A_1139 = arith.constant 0 : i32
      %dma_start3A_1140 = tpu.memref_slice %arg5[%rem3A_867, %dma_start3A_1134, %dma_start3A_1139] : memref<2x16x80xi32, #tpu.memory_space<vmem>> -> memref<1x1x80xi32, #tpu.memory_space<vmem>>
      %dma_start3A_1141 = tpu.memref_squeeze %dma_start3A_1140 : memref<1x1x80xi32, #tpu.memory_space<vmem>> -> memref<80xi32, #tpu.memory_space<vmem>>
      %dma_start3A_1142 = arith.constant 0 : i32
      %dma_start3A_1143 = arith.constant 0 : i32
      %dma_start3A_1144 = tpu.memref_slice %arg7[%dma_start3A_1142, %dma_start3A_1143] : memref<10000x128xf32, #tpu.memory_space<vmem_shared>> -> memref<10000x128xf32, #tpu.memory_space<vmem_shared>>
      tpu.enqueue_indirect_dma source(%dma_start3A_1138 : memref<80x128xf32, #tpu.memory_space<vmem>>) target(%dma_start3A_1144 : memref<10000x128xf32, #tpu.memory_space<vmem_shared>>) offsets(%dma_start3A_1141 : memref<80xi32, #tpu.memory_space<vmem>>) semaphore(%arg16 : memref<!tpu.dma_semaphore, #tpu.memory_space<semaphore_mem>>) {add = true}
      %mul3A_1145 = arith.constant 16 : i32
      %mul3A_1146 = arith.muli %scan3A_866, %mul3A_1145 : i32
      %add3A_1147 = arith.constant 4 : i32
      %add3A_1148 = arith.addi %mul3A_1146, %add3A_1147 : i32
      %dma_wait3A_1149 = arith.constant 0 : i32
      %dma_wait3A_1150 = arith.constant 0 : i32
      %dma_wait3A_1151 = arith.constant 0 : i32
      %dma_wait3A_1152 = tpu.memref_slice %arg6[%dma_wait3A_1149, %dma_wait3A_1150, %dma_wait3A_1151] : memref<4x80x128xf32, #tpu.memory_space<vmem>> -> memref<1x80x128xf32, #tpu.memory_space<vmem>>
      %dma_wait3A_1153 = tpu.memref_squeeze %dma_wait3A_1152 : memref<1x80x128xf32, #tpu.memory_space<vmem>> -> memref<80x128xf32, #tpu.memory_space<vmem>>
      %dma_wait3A_1154 = arith.constant 0 : i32
      %dma_wait3A_1155 = arith.constant 0 : i32
      %dma_wait3A_1156 = tpu.memref_slice %arg2[%add3A, %add3A_1148, %dma_wait3A_1154, %dma_wait3A_1155] : memref<32x125x80x128xf32, #tpu.memory_space<hbm>> -> memref<1x1x80x128xf32, #tpu.memory_space<hbm>>
      %dma_wait3A_1157 = tpu.memref_squeeze %dma_wait3A_1156 : memref<1x1x80x128xf32, #tpu.memory_space<hbm>> -> memref<80x128xf32, #tpu.memory_space<hbm>>
      %dma_wait3A_1158 = arith.constant 0 : i32
      %dma_wait3A_1159 = arith.constant 0 : i32
      %dma_wait3A_1160 = tpu.memref_slice %arg6[%dma_wait3A_1149, %dma_wait3A_1158, %dma_wait3A_1159] : memref<4x80x128xf32, #tpu.memory_space<vmem>> -> memref<1x80x128xf32, #tpu.memory_space<vmem>>
      %dma_wait3A_1161 = tpu.memref_squeeze %dma_wait3A_1160 : memref<1x80x128xf32, #tpu.memory_space<vmem>> -> memref<80x128xf32, #tpu.memory_space<vmem>>
      %dma_wait3A_1162 = arith.constant 0 : i32
      %dma_wait3A_1163 = arith.constant 0 : i32
      %dma_wait3A_1164 = tpu.memref_slice %arg2[%add3A, %add3A_1148, %dma_wait3A_1162, %dma_wait3A_1163] : memref<32x125x80x128xf32, #tpu.memory_space<hbm>> -> memref<1x1x80x128xf32, #tpu.memory_space<hbm>>
      %dma_wait3A_1165 = tpu.memref_squeeze %dma_wait3A_1164 : memref<1x1x80x128xf32, #tpu.memory_space<hbm>> -> memref<80x128xf32, #tpu.memory_space<hbm>>
      tpu.wait_dma2 semaphore(%arg8 : memref<!tpu.dma_semaphore, #tpu.memory_space<semaphore_mem>>) src(%dma_wait3A_1165 : memref<80x128xf32, #tpu.memory_space<hbm>>) dst(%dma_wait3A_1161 : memref<80x128xf32, #tpu.memory_space<vmem>>)
      %dma_wait3A_1166 = arith.constant 3 : i32
      %dma_wait3A_1167 = arith.constant 4 : i32
      %dma_wait3A_1168 = arith.constant 0 : i32
      %dma_wait3A_1169 = arith.constant 0 : i32
      %dma_wait3A_1170 = tpu.memref_slice %arg6[%dma_wait3A_1166, %dma_wait3A_1168, %dma_wait3A_1169] : memref<4x80x128xf32, #tpu.memory_space<vmem>> -> memref<1x80x128xf32, #tpu.memory_space<vmem>>
      %dma_wait3A_1171 = tpu.memref_squeeze %dma_wait3A_1170 : memref<1x80x128xf32, #tpu.memory_space<vmem>> -> memref<80x128xf32, #tpu.memory_space<vmem>>
      %dma_wait3A_1172 = arith.constant 0 : i32
      %dma_wait3A_1173 = tpu.memref_slice %arg5[%rem3A_867, %dma_wait3A_1167, %dma_wait3A_1172] : memref<2x16x80xi32, #tpu.memory_space<vmem>> -> memref<1x1x80xi32, #tpu.memory_space<vmem>>
      %dma_wait3A_1174 = tpu.memref_squeeze %dma_wait3A_1173 : memref<1x1x80xi32, #tpu.memory_space<vmem>> -> memref<80xi32, #tpu.memory_space<vmem>>
      %dma_wait3A_1175 = arith.constant 0 : i32
      %dma_wait3A_1176 = arith.constant 0 : i32
      %dma_wait3A_1177 = tpu.memref_slice %arg7[%dma_wait3A_1175, %dma_wait3A_1176] : memref<10000x128xf32, #tpu.memory_space<vmem_shared>> -> memref<10000x128xf32, #tpu.memory_space<vmem_shared>>
      tpu.wait_indirect_dma semaphore(%arg16 : memref<!tpu.dma_semaphore, #tpu.memory_space<semaphore_mem>>) src(%dma_wait3A_1171 : memref<80x128xf32, #tpu.memory_space<vmem>>) dst(%dma_wait3A_1177 : memref<10000x128xf32, #tpu.memory_space<vmem_shared>>)
      %add3A_1178 = arith.constant 3 : i32
      %add3A_1179 = arith.addi %add3A_1148, %add3A_1178 : i32
      %dma_start3A_1180 = arith.constant 3 : i32
      %dma_start3A_1181 = arith.constant 0 : i32
      %dma_start3A_1182 = arith.constant 0 : i32
      %dma_start3A_1183 = tpu.memref_slice %arg6[%dma_start3A_1180, %dma_start3A_1181, %dma_start3A_1182] : memref<4x80x128xf32, #tpu.memory_space<vmem>> -> memref<1x80x128xf32, #tpu.memory_space<vmem>>
      %dma_start3A_1184 = tpu.memref_squeeze %dma_start3A_1183 : memref<1x80x128xf32, #tpu.memory_space<vmem>> -> memref<80x128xf32, #tpu.memory_space<vmem>>
      %dma_start3A_1185 = arith.constant 0 : i32
      %dma_start3A_1186 = arith.constant 0 : i32
      %dma_start3A_1187 = tpu.memref_slice %arg2[%add3A, %add3A_1179, %dma_start3A_1185, %dma_start3A_1186] : memref<32x125x80x128xf32, #tpu.memory_space<hbm>> -> memref<1x1x80x128xf32, #tpu.memory_space<hbm>>
      %dma_start3A_1188 = tpu.memref_squeeze %dma_start3A_1187 : memref<1x1x80x128xf32, #tpu.memory_space<hbm>> -> memref<80x128xf32, #tpu.memory_space<hbm>>
      %dma_start3A_1189 = arith.constant 0 : i32
      %dma_start3A_1190 = arith.constant 0 : i32
      %dma_start3A_1191 = tpu.memref_slice %arg6[%dma_start3A_1180, %dma_start3A_1189, %dma_start3A_1190] : memref<4x80x128xf32, #tpu.memory_space<vmem>> -> memref<1x80x128xf32, #tpu.memory_space<vmem>>
      %dma_start3A_1192 = tpu.memref_squeeze %dma_start3A_1191 : memref<1x80x128xf32, #tpu.memory_space<vmem>> -> memref<80x128xf32, #tpu.memory_space<vmem>>
      %dma_start3A_1193 = arith.constant 0 : i32
      %dma_start3A_1194 = arith.constant 0 : i32
      %dma_start3A_1195 = tpu.memref_slice %arg2[%add3A, %add3A_1179, %dma_start3A_1193, %dma_start3A_1194] : memref<32x125x80x128xf32, #tpu.memory_space<hbm>> -> memref<1x1x80x128xf32, #tpu.memory_space<hbm>>
      %dma_start3A_1196 = tpu.memref_squeeze %dma_start3A_1195 : memref<1x1x80x128xf32, #tpu.memory_space<hbm>> -> memref<80x128xf32, #tpu.memory_space<hbm>>
      tpu.enqueue_dma source(%dma_start3A_1196 : memref<80x128xf32, #tpu.memory_space<hbm>>) target(%dma_start3A_1192 : memref<80x128xf32, #tpu.memory_space<vmem>>) target_semaphore(%arg11 : memref<!tpu.dma_semaphore, #tpu.memory_space<semaphore_mem>>)
      %dma_start3A_1197 = arith.constant 0 : i32
      %dma_start3A_1198 = arith.constant 4 : i32
      %dma_start3A_1199 = arith.constant 0 : i32
      %dma_start3A_1200 = arith.constant 0 : i32
      %dma_start3A_1201 = tpu.memref_slice %arg6[%dma_start3A_1197, %dma_start3A_1199, %dma_start3A_1200] : memref<4x80x128xf32, #tpu.memory_space<vmem>> -> memref<1x80x128xf32, #tpu.memory_space<vmem>>
      %dma_start3A_1202 = tpu.memref_squeeze %dma_start3A_1201 : memref<1x80x128xf32, #tpu.memory_space<vmem>> -> memref<80x128xf32, #tpu.memory_space<vmem>>
      %dma_start3A_1203 = arith.constant 0 : i32
      %dma_start3A_1204 = tpu.memref_slice %arg5[%rem3A_867, %dma_start3A_1198, %dma_start3A_1203] : memref<2x16x80xi32, #tpu.memory_space<vmem>> -> memref<1x1x80xi32, #tpu.memory_space<vmem>>
      %dma_start3A_1205 = tpu.memref_squeeze %dma_start3A_1204 : memref<1x1x80xi32, #tpu.memory_space<vmem>> -> memref<80xi32, #tpu.memory_space<vmem>>
      %dma_start3A_1206 = arith.constant 0 : i32
      %dma_start3A_1207 = arith.constant 0 : i32
      %dma_start3A_1208 = tpu.memref_slice %arg7[%dma_start3A_1206, %dma_start3A_1207] : memref<10000x128xf32, #tpu.memory_space<vmem_shared>> -> memref<10000x128xf32, #tpu.memory_space<vmem_shared>>
      tpu.enqueue_indirect_dma source(%dma_start3A_1202 : memref<80x128xf32, #tpu.memory_space<vmem>>) target(%dma_start3A_1208 : memref<10000x128xf32, #tpu.memory_space<vmem_shared>>) offsets(%dma_start3A_1205 : memref<80xi32, #tpu.memory_space<vmem>>) semaphore(%arg13 : memref<!tpu.dma_semaphore, #tpu.memory_space<semaphore_mem>>) {add = true}
      %mul3A_1209 = arith.constant 16 : i32
      %mul3A_1210 = arith.muli %scan3A_866, %mul3A_1209 : i32
      %add3A_1211 = arith.constant 5 : i32
      %add3A_1212 = arith.addi %mul3A_1210, %add3A_1211 : i32
      %dma_wait3A_1213 = arith.constant 1 : i32
      %dma_wait3A_1214 = arith.constant 0 : i32
      %dma_wait3A_1215 = arith.constant 0 : i32
      %dma_wait3A_1216 = tpu.memref_slice %arg6[%dma_wait3A_1213, %dma_wait3A_1214, %dma_wait3A_1215] : memref<4x80x128xf32, #tpu.memory_space<vmem>> -> memref<1x80x128xf32, #tpu.memory_space<vmem>>
      %dma_wait3A_1217 = tpu.memref_squeeze %dma_wait3A_1216 : memref<1x80x128xf32, #tpu.memory_space<vmem>> -> memref<80x128xf32, #tpu.memory_space<vmem>>
      %dma_wait3A_1218 = arith.constant 0 : i32
      %dma_wait3A_1219 = arith.constant 0 : i32
      %dma_wait3A_1220 = tpu.memref_slice %arg2[%add3A, %add3A_1212, %dma_wait3A_1218, %dma_wait3A_1219] : memref<32x125x80x128xf32, #tpu.memory_space<hbm>> -> memref<1x1x80x128xf32, #tpu.memory_space<hbm>>
      %dma_wait3A_1221 = tpu.memref_squeeze %dma_wait3A_1220 : memref<1x1x80x128xf32, #tpu.memory_space<hbm>> -> memref<80x128xf32, #tpu.memory_space<hbm>>
      %dma_wait3A_1222 = arith.constant 0 : i32
      %dma_wait3A_1223 = arith.constant 0 : i32
      %dma_wait3A_1224 = tpu.memref_slice %arg6[%dma_wait3A_1213, %dma_wait3A_1222, %dma_wait3A_1223] : memref<4x80x128xf32, #tpu.memory_space<vmem>> -> memref<1x80x128xf32, #tpu.memory_space<vmem>>
      %dma_wait3A_1225 = tpu.memref_squeeze %dma_wait3A_1224 : memref<1x80x128xf32, #tpu.memory_space<vmem>> -> memref<80x128xf32, #tpu.memory_space<vmem>>
      %dma_wait3A_1226 = arith.constant 0 : i32
      %dma_wait3A_1227 = arith.constant 0 : i32
      %dma_wait3A_1228 = tpu.memref_slice %arg2[%add3A, %add3A_1212, %dma_wait3A_1226, %dma_wait3A_1227] : memref<32x125x80x128xf32, #tpu.memory_space<hbm>> -> memref<1x1x80x128xf32, #tpu.memory_space<hbm>>
      %dma_wait3A_1229 = tpu.memref_squeeze %dma_wait3A_1228 : memref<1x1x80x128xf32, #tpu.memory_space<hbm>> -> memref<80x128xf32, #tpu.memory_space<hbm>>
      tpu.wait_dma2 semaphore(%arg9 : memref<!tpu.dma_semaphore, #tpu.memory_space<semaphore_mem>>) src(%dma_wait3A_1229 : memref<80x128xf32, #tpu.memory_space<hbm>>) dst(%dma_wait3A_1225 : memref<80x128xf32, #tpu.memory_space<vmem>>)
      %dma_wait3A_1230 = arith.constant 0 : i32
      %dma_wait3A_1231 = arith.constant 5 : i32
      %dma_wait3A_1232 = arith.constant 0 : i32
      %dma_wait3A_1233 = arith.constant 0 : i32
      %dma_wait3A_1234 = tpu.memref_slice %arg6[%dma_wait3A_1230, %dma_wait3A_1232, %dma_wait3A_1233] : memref<4x80x128xf32, #tpu.memory_space<vmem>> -> memref<1x80x128xf32, #tpu.memory_space<vmem>>
      %dma_wait3A_1235 = tpu.memref_squeeze %dma_wait3A_1234 : memref<1x80x128xf32, #tpu.memory_space<vmem>> -> memref<80x128xf32, #tpu.memory_space<vmem>>
      %dma_wait3A_1236 = arith.constant 0 : i32
      %dma_wait3A_1237 = tpu.memref_slice %arg5[%rem3A_867, %dma_wait3A_1231, %dma_wait3A_1236] : memref<2x16x80xi32, #tpu.memory_space<vmem>> -> memref<1x1x80xi32, #tpu.memory_space<vmem>>
      %dma_wait3A_1238 = tpu.memref_squeeze %dma_wait3A_1237 : memref<1x1x80xi32, #tpu.memory_space<vmem>> -> memref<80xi32, #tpu.memory_space<vmem>>
      %dma_wait3A_1239 = arith.constant 0 : i32
      %dma_wait3A_1240 = arith.constant 0 : i32
      %dma_wait3A_1241 = tpu.memref_slice %arg7[%dma_wait3A_1239, %dma_wait3A_1240] : memref<10000x128xf32, #tpu.memory_space<vmem_shared>> -> memref<10000x128xf32, #tpu.memory_space<vmem_shared>>
      tpu.wait_indirect_dma semaphore(%arg13 : memref<!tpu.dma_semaphore, #tpu.memory_space<semaphore_mem>>) src(%dma_wait3A_1235 : memref<80x128xf32, #tpu.memory_space<vmem>>) dst(%dma_wait3A_1241 : memref<10000x128xf32, #tpu.memory_space<vmem_shared>>)
      %add3A_1242 = arith.constant 3 : i32
      %add3A_1243 = arith.addi %add3A_1212, %add3A_1242 : i32
      %dma_start3A_1244 = arith.constant 0 : i32
      %dma_start3A_1245 = arith.constant 0 : i32
      %dma_start3A_1246 = arith.constant 0 : i32
      %dma_start3A_1247 = tpu.memref_slice %arg6[%dma_start3A_1244, %dma_start3A_1245, %dma_start3A_1246] : memref<4x80x128xf32, #tpu.memory_space<vmem>> -> memref<1x80x128xf32, #tpu.memory_space<vmem>>
      %dma_start3A_1248 = tpu.memref_squeeze %dma_start3A_1247 : memref<1x80x128xf32, #tpu.memory_space<vmem>> -> memref<80x128xf32, #tpu.memory_space<vmem>>
      %dma_start3A_1249 = arith.constant 0 : i32
      %dma_start3A_1250 = arith.constant 0 : i32
      %dma_start3A_1251 = tpu.memref_slice %arg2[%add3A, %add3A_1243, %dma_start3A_1249, %dma_start3A_1250] : memref<32x125x80x128xf32, #tpu.memory_space<hbm>> -> memref<1x1x80x128xf32, #tpu.memory_space<hbm>>
      %dma_start3A_1252 = tpu.memref_squeeze %dma_start3A_1251 : memref<1x1x80x128xf32, #tpu.memory_space<hbm>> -> memref<80x128xf32, #tpu.memory_space<hbm>>
      %dma_start3A_1253 = arith.constant 0 : i32
      %dma_start3A_1254 = arith.constant 0 : i32
      %dma_start3A_1255 = tpu.memref_slice %arg6[%dma_start3A_1244, %dma_start3A_1253, %dma_start3A_1254] : memref<4x80x128xf32, #tpu.memory_space<vmem>> -> memref<1x80x128xf32, #tpu.memory_space<vmem>>
      %dma_start3A_1256 = tpu.memref_squeeze %dma_start3A_1255 : memref<1x80x128xf32, #tpu.memory_space<vmem>> -> memref<80x128xf32, #tpu.memory_space<vmem>>
      %dma_start3A_1257 = arith.constant 0 : i32
      %dma_start3A_1258 = arith.constant 0 : i32
      %dma_start3A_1259 = tpu.memref_slice %arg2[%add3A, %add3A_1243, %dma_start3A_1257, %dma_start3A_1258] : memref<32x125x80x128xf32, #tpu.memory_space<hbm>> -> memref<1x1x80x128xf32, #tpu.memory_space<hbm>>
      %dma_start3A_1260 = tpu.memref_squeeze %dma_start3A_1259 : memref<1x1x80x128xf32, #tpu.memory_space<hbm>> -> memref<80x128xf32, #tpu.memory_space<hbm>>
      tpu.enqueue_dma source(%dma_start3A_1260 : memref<80x128xf32, #tpu.memory_space<hbm>>) target(%dma_start3A_1256 : memref<80x128xf32, #tpu.memory_space<vmem>>) target_semaphore(%arg8 : memref<!tpu.dma_semaphore, #tpu.memory_space<semaphore_mem>>)
      %dma_start3A_1261 = arith.constant 1 : i32
      %dma_start3A_1262 = arith.constant 5 : i32
      %dma_start3A_1263 = arith.constant 0 : i32
      %dma_start3A_1264 = arith.constant 0 : i32
      %dma_start3A_1265 = tpu.memref_slice %arg6[%dma_start3A_1261, %dma_start3A_1263, %dma_start3A_1264] : memref<4x80x128xf32, #tpu.memory_space<vmem>> -> memref<1x80x128xf32, #tpu.memory_space<vmem>>
      %dma_start3A_1266 = tpu.memref_squeeze %dma_start3A_1265 : memref<1x80x128xf32, #tpu.memory_space<vmem>> -> memref<80x128xf32, #tpu.memory_space<vmem>>
      %dma_start3A_1267 = arith.constant 0 : i32
      %dma_start3A_1268 = tpu.memref_slice %arg5[%rem3A_867, %dma_start3A_1262, %dma_start3A_1267] : memref<2x16x80xi32, #tpu.memory_space<vmem>> -> memref<1x1x80xi32, #tpu.memory_space<vmem>>
      %dma_start3A_1269 = tpu.memref_squeeze %dma_start3A_1268 : memref<1x1x80xi32, #tpu.memory_space<vmem>> -> memref<80xi32, #tpu.memory_space<vmem>>
      %dma_start3A_1270 = arith.constant 0 : i32
      %dma_start3A_1271 = arith.constant 0 : i32
      %dma_start3A_1272 = tpu.memref_slice %arg7[%dma_start3A_1270, %dma_start3A_1271] : memref<10000x128xf32, #tpu.memory_space<vmem_shared>> -> memref<10000x128xf32, #tpu.memory_space<vmem_shared>>
      tpu.enqueue_indirect_dma source(%dma_start3A_1266 : memref<80x128xf32, #tpu.memory_space<vmem>>) target(%dma_start3A_1272 : memref<10000x128xf32, #tpu.memory_space<vmem_shared>>) offsets(%dma_start3A_1269 : memref<80xi32, #tpu.memory_space<vmem>>) semaphore(%arg14 : memref<!tpu.dma_semaphore, #tpu.memory_space<semaphore_mem>>) {add = true}
      %mul3A_1273 = arith.constant 16 : i32
      %mul3A_1274 = arith.muli %scan3A_866, %mul3A_1273 : i32
      %add3A_1275 = arith.constant 6 : i32
      %add3A_1276 = arith.addi %mul3A_1274, %add3A_1275 : i32
      %dma_wait3A_1277 = arith.constant 2 : i32
      %dma_wait3A_1278 = arith.constant 0 : i32
      %dma_wait3A_1279 = arith.constant 0 : i32
      %dma_wait3A_1280 = tpu.memref_slice %arg6[%dma_wait3A_1277, %dma_wait3A_1278, %dma_wait3A_1279] : memref<4x80x128xf32, #tpu.memory_space<vmem>> -> memref<1x80x128xf32, #tpu.memory_space<vmem>>
      %dma_wait3A_1281 = tpu.memref_squeeze %dma_wait3A_1280 : memref<1x80x128xf32, #tpu.memory_space<vmem>> -> memref<80x128xf32, #tpu.memory_space<vmem>>
      %dma_wait3A_1282 = arith.constant 0 : i32
      %dma_wait3A_1283 = arith.constant 0 : i32
      %dma_wait3A_1284 = tpu.memref_slice %arg2[%add3A, %add3A_1276, %dma_wait3A_1282, %dma_wait3A_1283] : memref<32x125x80x128xf32, #tpu.memory_space<hbm>> -> memref<1x1x80x128xf32, #tpu.memory_space<hbm>>
      %dma_wait3A_1285 = tpu.memref_squeeze %dma_wait3A_1284 : memref<1x1x80x128xf32, #tpu.memory_space<hbm>> -> memref<80x128xf32, #tpu.memory_space<hbm>>
      %dma_wait3A_1286 = arith.constant 0 : i32
      %dma_wait3A_1287 = arith.constant 0 : i32
      %dma_wait3A_1288 = tpu.memref_slice %arg6[%dma_wait3A_1277, %dma_wait3A_1286, %dma_wait3A_1287] : memref<4x80x128xf32, #tpu.memory_space<vmem>> -> memref<1x80x128xf32, #tpu.memory_space<vmem>>
      %dma_wait3A_1289 = tpu.memref_squeeze %dma_wait3A_1288 : memref<1x80x128xf32, #tpu.memory_space<vmem>> -> memref<80x128xf32, #tpu.memory_space<vmem>>
      %dma_wait3A_1290 = arith.constant 0 : i32
      %dma_wait3A_1291 = arith.constant 0 : i32
      %dma_wait3A_1292 = tpu.memref_slice %arg2[%add3A, %add3A_1276, %dma_wait3A_1290, %dma_wait3A_1291] : memref<32x125x80x128xf32, #tpu.memory_space<hbm>> -> memref<1x1x80x128xf32, #tpu.memory_space<hbm>>
      %dma_wait3A_1293 = tpu.memref_squeeze %dma_wait3A_1292 : memref<1x1x80x128xf32, #tpu.memory_space<hbm>> -> memref<80x128xf32, #tpu.memory_space<hbm>>
      tpu.wait_dma2 semaphore(%arg10 : memref<!tpu.dma_semaphore, #tpu.memory_space<semaphore_mem>>) src(%dma_wait3A_1293 : memref<80x128xf32, #tpu.memory_space<hbm>>) dst(%dma_wait3A_1289 : memref<80x128xf32, #tpu.memory_space<vmem>>)
      %dma_wait3A_1294 = arith.constant 1 : i32
      %dma_wait3A_1295 = arith.constant 6 : i32
      %dma_wait3A_1296 = arith.constant 0 : i32
      %dma_wait3A_1297 = arith.constant 0 : i32
      %dma_wait3A_1298 = tpu.memref_slice %arg6[%dma_wait3A_1294, %dma_wait3A_1296, %dma_wait3A_1297] : memref<4x80x128xf32, #tpu.memory_space<vmem>> -> memref<1x80x128xf32, #tpu.memory_space<vmem>>
      %dma_wait3A_1299 = tpu.memref_squeeze %dma_wait3A_1298 : memref<1x80x128xf32, #tpu.memory_space<vmem>> -> memref<80x128xf32, #tpu.memory_space<vmem>>
      %dma_wait3A_1300 = arith.constant 0 : i32
      %dma_wait3A_1301 = tpu.memref_slice %arg5[%rem3A_867, %dma_wait3A_1295, %dma_wait3A_1300] : memref<2x16x80xi32, #tpu.memory_space<vmem>> -> memref<1x1x80xi32, #tpu.memory_space<vmem>>
      %dma_wait3A_1302 = tpu.memref_squeeze %dma_wait3A_1301 : memref<1x1x80xi32, #tpu.memory_space<vmem>> -> memref<80xi32, #tpu.memory_space<vmem>>
      %dma_wait3A_1303 = arith.constant 0 : i32
      %dma_wait3A_1304 = arith.constant 0 : i32
      %dma_wait3A_1305 = tpu.memref_slice %arg7[%dma_wait3A_1303, %dma_wait3A_1304] : memref<10000x128xf32, #tpu.memory_space<vmem_shared>> -> memref<10000x128xf32, #tpu.memory_space<vmem_shared>>
      tpu.wait_indirect_dma semaphore(%arg14 : memref<!tpu.dma_semaphore, #tpu.memory_space<semaphore_mem>>) src(%dma_wait3A_1299 : memref<80x128xf32, #tpu.memory_space<vmem>>) dst(%dma_wait3A_1305 : memref<10000x128xf32, #tpu.memory_space<vmem_shared>>)
      %add3A_1306 = arith.constant 3 : i32
      %add3A_1307 = arith.addi %add3A_1276, %add3A_1306 : i32
      %dma_start3A_1308 = arith.constant 1 : i32
      %dma_start3A_1309 = arith.constant 0 : i32
      %dma_start3A_1310 = arith.constant 0 : i32
      %dma_start3A_1311 = tpu.memref_slice %arg6[%dma_start3A_1308, %dma_start3A_1309, %dma_start3A_1310] : memref<4x80x128xf32, #tpu.memory_space<vmem>> -> memref<1x80x128xf32, #tpu.memory_space<vmem>>
      %dma_start3A_1312 = tpu.memref_squeeze %dma_start3A_1311 : memref<1x80x128xf32, #tpu.memory_space<vmem>> -> memref<80x128xf32, #tpu.memory_space<vmem>>
      %dma_start3A_1313 = arith.constant 0 : i32
      %dma_start3A_1314 = arith.constant 0 : i32
      %dma_start3A_1315 = tpu.memref_slice %arg2[%add3A, %add3A_1307, %dma_start3A_1313, %dma_start3A_1314] : memref<32x125x80x128xf32, #tpu.memory_space<hbm>> -> memref<1x1x80x128xf32, #tpu.memory_space<hbm>>
      %dma_start3A_1316 = tpu.memref_squeeze %dma_start3A_1315 : memref<1x1x80x128xf32, #tpu.memory_space<hbm>> -> memref<80x128xf32, #tpu.memory_space<hbm>>
      %dma_start3A_1317 = arith.constant 0 : i32
      %dma_start3A_1318 = arith.constant 0 : i32
      %dma_start3A_1319 = tpu.memref_slice %arg6[%dma_start3A_1308, %dma_start3A_1317, %dma_start3A_1318] : memref<4x80x128xf32, #tpu.memory_space<vmem>> -> memref<1x80x128xf32, #tpu.memory_space<vmem>>
      %dma_start3A_1320 = tpu.memref_squeeze %dma_start3A_1319 : memref<1x80x128xf32, #tpu.memory_space<vmem>> -> memref<80x128xf32, #tpu.memory_space<vmem>>
      %dma_start3A_1321 = arith.constant 0 : i32
      %dma_start3A_1322 = arith.constant 0 : i32
      %dma_start3A_1323 = tpu.memref_slice %arg2[%add3A, %add3A_1307, %dma_start3A_1321, %dma_start3A_1322] : memref<32x125x80x128xf32, #tpu.memory_space<hbm>> -> memref<1x1x80x128xf32, #tpu.memory_space<hbm>>
      %dma_start3A_1324 = tpu.memref_squeeze %dma_start3A_1323 : memref<1x1x80x128xf32, #tpu.memory_space<hbm>> -> memref<80x128xf32, #tpu.memory_space<hbm>>
      tpu.enqueue_dma source(%dma_start3A_1324 : memref<80x128xf32, #tpu.memory_space<hbm>>) target(%dma_start3A_1320 : memref<80x128xf32, #tpu.memory_space<vmem>>) target_semaphore(%arg9 : memref<!tpu.dma_semaphore, #tpu.memory_space<semaphore_mem>>)
      %dma_start3A_1325 = arith.constant 2 : i32
      %dma_start3A_1326 = arith.constant 6 : i32
      %dma_start3A_1327 = arith.constant 0 : i32
      %dma_start3A_1328 = arith.constant 0 : i32
      %dma_start3A_1329 = tpu.memref_slice %arg6[%dma_start3A_1325, %dma_start3A_1327, %dma_start3A_1328] : memref<4x80x128xf32, #tpu.memory_space<vmem>> -> memref<1x80x128xf32, #tpu.memory_space<vmem>>
      %dma_start3A_1330 = tpu.memref_squeeze %dma_start3A_1329 : memref<1x80x128xf32, #tpu.memory_space<vmem>> -> memref<80x128xf32, #tpu.memory_space<vmem>>
      %dma_start3A_1331 = arith.constant 0 : i32
      %dma_start3A_1332 = tpu.memref_slice %arg5[%rem3A_867, %dma_start3A_1326, %dma_start3A_1331] : memref<2x16x80xi32, #tpu.memory_space<vmem>> -> memref<1x1x80xi32, #tpu.memory_space<vmem>>
      %dma_start3A_1333 = tpu.memref_squeeze %dma_start3A_1332 : memref<1x1x80xi32, #tpu.memory_space<vmem>> -> memref<80xi32, #tpu.memory_space<vmem>>
      %dma_start3A_1334 = arith.constant 0 : i32
      %dma_start3A_1335 = arith.constant 0 : i32
      %dma_start3A_1336 = tpu.memref_slice %arg7[%dma_start3A_1334, %dma_start3A_1335] : memref<10000x128xf32, #tpu.memory_space<vmem_shared>> -> memref<10000x128xf32, #tpu.memory_space<vmem_shared>>
      tpu.enqueue_indirect_dma source(%dma_start3A_1330 : memref<80x128xf32, #tpu.memory_space<vmem>>) target(%dma_start3A_1336 : memref<10000x128xf32, #tpu.memory_space<vmem_shared>>) offsets(%dma_start3A_1333 : memref<80xi32, #tpu.memory_space<vmem>>) semaphore(%arg15 : memref<!tpu.dma_semaphore, #tpu.memory_space<semaphore_mem>>) {add = true}
      %mul3A_1337 = arith.constant 16 : i32
      %mul3A_1338 = arith.muli %scan3A_866, %mul3A_1337 : i32
      %add3A_1339 = arith.constant 7 : i32
      %add3A_1340 = arith.addi %mul3A_1338, %add3A_1339 : i32
      %dma_wait3A_1341 = arith.constant 3 : i32
      %dma_wait3A_1342 = arith.constant 0 : i32
      %dma_wait3A_1343 = arith.constant 0 : i32
      %dma_wait3A_1344 = tpu.memref_slice %arg6[%dma_wait3A_1341, %dma_wait3A_1342, %dma_wait3A_1343] : memref<4x80x128xf32, #tpu.memory_space<vmem>> -> memref<1x80x128xf32, #tpu.memory_space<vmem>>
      %dma_wait3A_1345 = tpu.memref_squeeze %dma_wait3A_1344 : memref<1x80x128xf32, #tpu.memory_space<vmem>> -> memref<80x128xf32, #tpu.memory_space<vmem>>
      %dma_wait3A_1346 = arith.constant 0 : i32
      %dma_wait3A_1347 = arith.constant 0 : i32
      %dma_wait3A_1348 = tpu.memref_slice %arg2[%add3A, %add3A_1340, %dma_wait3A_1346, %dma_wait3A_1347] : memref<32x125x80x128xf32, #tpu.memory_space<hbm>> -> memref<1x1x80x128xf32, #tpu.memory_space<hbm>>
      %dma_wait3A_1349 = tpu.memref_squeeze %dma_wait3A_1348 : memref<1x1x80x128xf32, #tpu.memory_space<hbm>> -> memref<80x128xf32, #tpu.memory_space<hbm>>
      %dma_wait3A_1350 = arith.constant 0 : i32
      %dma_wait3A_1351 = arith.constant 0 : i32
      %dma_wait3A_1352 = tpu.memref_slice %arg6[%dma_wait3A_1341, %dma_wait3A_1350, %dma_wait3A_1351] : memref<4x80x128xf32, #tpu.memory_space<vmem>> -> memref<1x80x128xf32, #tpu.memory_space<vmem>>
      %dma_wait3A_1353 = tpu.memref_squeeze %dma_wait3A_1352 : memref<1x80x128xf32, #tpu.memory_space<vmem>> -> memref<80x128xf32, #tpu.memory_space<vmem>>
      %dma_wait3A_1354 = arith.constant 0 : i32
      %dma_wait3A_1355 = arith.constant 0 : i32
      %dma_wait3A_1356 = tpu.memref_slice %arg2[%add3A, %add3A_1340, %dma_wait3A_1354, %dma_wait3A_1355] : memref<32x125x80x128xf32, #tpu.memory_space<hbm>> -> memref<1x1x80x128xf32, #tpu.memory_space<hbm>>
      %dma_wait3A_1357 = tpu.memref_squeeze %dma_wait3A_1356 : memref<1x1x80x128xf32, #tpu.memory_space<hbm>> -> memref<80x128xf32, #tpu.memory_space<hbm>>
      tpu.wait_dma2 semaphore(%arg11 : memref<!tpu.dma_semaphore, #tpu.memory_space<semaphore_mem>>) src(%dma_wait3A_1357 : memref<80x128xf32, #tpu.memory_space<hbm>>) dst(%dma_wait3A_1353 : memref<80x128xf32, #tpu.memory_space<vmem>>)
      %dma_wait3A_1358 = arith.constant 2 : i32
      %dma_wait3A_1359 = arith.constant 7 : i32
      %dma_wait3A_1360 = arith.constant 0 : i32
      %dma_wait3A_1361 = arith.constant 0 : i32
      %dma_wait3A_1362 = tpu.memref_slice %arg6[%dma_wait3A_1358, %dma_wait3A_1360, %dma_wait3A_1361] : memref<4x80x128xf32, #tpu.memory_space<vmem>> -> memref<1x80x128xf32, #tpu.memory_space<vmem>>
      %dma_wait3A_1363 = tpu.memref_squeeze %dma_wait3A_1362 : memref<1x80x128xf32, #tpu.memory_space<vmem>> -> memref<80x128xf32, #tpu.memory_space<vmem>>
      %dma_wait3A_1364 = arith.constant 0 : i32
      %dma_wait3A_1365 = tpu.memref_slice %arg5[%rem3A_867, %dma_wait3A_1359, %dma_wait3A_1364] : memref<2x16x80xi32, #tpu.memory_space<vmem>> -> memref<1x1x80xi32, #tpu.memory_space<vmem>>
      %dma_wait3A_1366 = tpu.memref_squeeze %dma_wait3A_1365 : memref<1x1x80xi32, #tpu.memory_space<vmem>> -> memref<80xi32, #tpu.memory_space<vmem>>
      %dma_wait3A_1367 = arith.constant 0 : i32
      %dma_wait3A_1368 = arith.constant 0 : i32
      %dma_wait3A_1369 = tpu.memref_slice %arg7[%dma_wait3A_1367, %dma_wait3A_1368] : memref<10000x128xf32, #tpu.memory_space<vmem_shared>> -> memref<10000x128xf32, #tpu.memory_space<vmem_shared>>
      tpu.wait_indirect_dma semaphore(%arg15 : memref<!tpu.dma_semaphore, #tpu.memory_space<semaphore_mem>>) src(%dma_wait3A_1363 : memref<80x128xf32, #tpu.memory_space<vmem>>) dst(%dma_wait3A_1369 : memref<10000x128xf32, #tpu.memory_space<vmem_shared>>)
      %add3A_1370 = arith.constant 3 : i32
      %add3A_1371 = arith.addi %add3A_1340, %add3A_1370 : i32
      %dma_start3A_1372 = arith.constant 2 : i32
      %dma_start3A_1373 = arith.constant 0 : i32
      %dma_start3A_1374 = arith.constant 0 : i32
      %dma_start3A_1375 = tpu.memref_slice %arg6[%dma_start3A_1372, %dma_start3A_1373, %dma_start3A_1374] : memref<4x80x128xf32, #tpu.memory_space<vmem>> -> memref<1x80x128xf32, #tpu.memory_space<vmem>>
      %dma_start3A_1376 = tpu.memref_squeeze %dma_start3A_1375 : memref<1x80x128xf32, #tpu.memory_space<vmem>> -> memref<80x128xf32, #tpu.memory_space<vmem>>
      %dma_start3A_1377 = arith.constant 0 : i32
      %dma_start3A_1378 = arith.constant 0 : i32
      %dma_start3A_1379 = tpu.memref_slice %arg2[%add3A, %add3A_1371, %dma_start3A_1377, %dma_start3A_1378] : memref<32x125x80x128xf32, #tpu.memory_space<hbm>> -> memref<1x1x80x128xf32, #tpu.memory_space<hbm>>
      %dma_start3A_1380 = tpu.memref_squeeze %dma_start3A_1379 : memref<1x1x80x128xf32, #tpu.memory_space<hbm>> -> memref<80x128xf32, #tpu.memory_space<hbm>>
      %dma_start3A_1381 = arith.constant 0 : i32
      %dma_start3A_1382 = arith.constant 0 : i32
      %dma_start3A_1383 = tpu.memref_slice %arg6[%dma_start3A_1372, %dma_start3A_1381, %dma_start3A_1382] : memref<4x80x128xf32, #tpu.memory_space<vmem>> -> memref<1x80x128xf32, #tpu.memory_space<vmem>>
      %dma_start3A_1384 = tpu.memref_squeeze %dma_start3A_1383 : memref<1x80x128xf32, #tpu.memory_space<vmem>> -> memref<80x128xf32, #tpu.memory_space<vmem>>
      %dma_start3A_1385 = arith.constant 0 : i32
      %dma_start3A_1386 = arith.constant 0 : i32
      %dma_start3A_1387 = tpu.memref_slice %arg2[%add3A, %add3A_1371, %dma_start3A_1385, %dma_start3A_1386] : memref<32x125x80x128xf32, #tpu.memory_space<hbm>> -> memref<1x1x80x128xf32, #tpu.memory_space<hbm>>
      %dma_start3A_1388 = tpu.memref_squeeze %dma_start3A_1387 : memref<1x1x80x128xf32, #tpu.memory_space<hbm>> -> memref<80x128xf32, #tpu.memory_space<hbm>>
      tpu.enqueue_dma source(%dma_start3A_1388 : memref<80x128xf32, #tpu.memory_space<hbm>>) target(%dma_start3A_1384 : memref<80x128xf32, #tpu.memory_space<vmem>>) target_semaphore(%arg10 : memref<!tpu.dma_semaphore, #tpu.memory_space<semaphore_mem>>)
      %dma_start3A_1389 = arith.constant 3 : i32
      %dma_start3A_1390 = arith.constant 7 : i32
      %dma_start3A_1391 = arith.constant 0 : i32
      %dma_start3A_1392 = arith.constant 0 : i32
      %dma_start3A_1393 = tpu.memref_slice %arg6[%dma_start3A_1389, %dma_start3A_1391, %dma_start3A_1392] : memref<4x80x128xf32, #tpu.memory_space<vmem>> -> memref<1x80x128xf32, #tpu.memory_space<vmem>>
      %dma_start3A_1394 = tpu.memref_squeeze %dma_start3A_1393 : memref<1x80x128xf32, #tpu.memory_space<vmem>> -> memref<80x128xf32, #tpu.memory_space<vmem>>
      %dma_start3A_1395 = arith.constant 0 : i32
      %dma_start3A_1396 = tpu.memref_slice %arg5[%rem3A_867, %dma_start3A_1390, %dma_start3A_1395] : memref<2x16x80xi32, #tpu.memory_space<vmem>> -> memref<1x1x80xi32, #tpu.memory_space<vmem>>
      %dma_start3A_1397 = tpu.memref_squeeze %dma_start3A_1396 : memref<1x1x80xi32, #tpu.memory_space<vmem>> -> memref<80xi32, #tpu.memory_space<vmem>>
      %dma_start3A_1398 = arith.constant 0 : i32
      %dma_start3A_1399 = arith.constant 0 : i32
      %dma_start3A_1400 = tpu.memref_slice %arg7[%dma_start3A_1398, %dma_start3A_1399] : memref<10000x128xf32, #tpu.memory_space<vmem_shared>> -> memref<10000x128xf32, #tpu.memory_space<vmem_shared>>
      tpu.enqueue_indirect_dma source(%dma_start3A_1394 : memref<80x128xf32, #tpu.memory_space<vmem>>) target(%dma_start3A_1400 : memref<10000x128xf32, #tpu.memory_space<vmem_shared>>) offsets(%dma_start3A_1397 : memref<80xi32, #tpu.memory_space<vmem>>) semaphore(%arg16 : memref<!tpu.dma_semaphore, #tpu.memory_space<semaphore_mem>>) {add = true}
      %mul3A_1401 = arith.constant 16 : i32
      %mul3A_1402 = arith.muli %scan3A_866, %mul3A_1401 : i32
      %add3A_1403 = arith.constant 8 : i32
      %add3A_1404 = arith.addi %mul3A_1402, %add3A_1403 : i32
      %dma_wait3A_1405 = arith.constant 0 : i32
      %dma_wait3A_1406 = arith.constant 0 : i32
      %dma_wait3A_1407 = arith.constant 0 : i32
      %dma_wait3A_1408 = tpu.memref_slice %arg6[%dma_wait3A_1405, %dma_wait3A_1406, %dma_wait3A_1407] : memref<4x80x128xf32, #tpu.memory_space<vmem>> -> memref<1x80x128xf32, #tpu.memory_space<vmem>>
      %dma_wait3A_1409 = tpu.memref_squeeze %dma_wait3A_1408 : memref<1x80x128xf32, #tpu.memory_space<vmem>> -> memref<80x128xf32, #tpu.memory_space<vmem>>
      %dma_wait3A_1410 = arith.constant 0 : i32
      %dma_wait3A_1411 = arith.constant 0 : i32
      %dma_wait3A_1412 = tpu.memref_slice %arg2[%add3A, %add3A_1404, %dma_wait3A_1410, %dma_wait3A_1411] : memref<32x125x80x128xf32, #tpu.memory_space<hbm>> -> memref<1x1x80x128xf32, #tpu.memory_space<hbm>>
      %dma_wait3A_1413 = tpu.memref_squeeze %dma_wait3A_1412 : memref<1x1x80x128xf32, #tpu.memory_space<hbm>> -> memref<80x128xf32, #tpu.memory_space<hbm>>
      %dma_wait3A_1414 = arith.constant 0 : i32
      %dma_wait3A_1415 = arith.constant 0 : i32
      %dma_wait3A_1416 = tpu.memref_slice %arg6[%dma_wait3A_1405, %dma_wait3A_1414, %dma_wait3A_1415] : memref<4x80x128xf32, #tpu.memory_space<vmem>> -> memref<1x80x128xf32, #tpu.memory_space<vmem>>
      %dma_wait3A_1417 = tpu.memref_squeeze %dma_wait3A_1416 : memref<1x80x128xf32, #tpu.memory_space<vmem>> -> memref<80x128xf32, #tpu.memory_space<vmem>>
      %dma_wait3A_1418 = arith.constant 0 : i32
      %dma_wait3A_1419 = arith.constant 0 : i32
      %dma_wait3A_1420 = tpu.memref_slice %arg2[%add3A, %add3A_1404, %dma_wait3A_1418, %dma_wait3A_1419] : memref<32x125x80x128xf32, #tpu.memory_space<hbm>> -> memref<1x1x80x128xf32, #tpu.memory_space<hbm>>
      %dma_wait3A_1421 = tpu.memref_squeeze %dma_wait3A_1420 : memref<1x1x80x128xf32, #tpu.memory_space<hbm>> -> memref<80x128xf32, #tpu.memory_space<hbm>>
      tpu.wait_dma2 semaphore(%arg8 : memref<!tpu.dma_semaphore, #tpu.memory_space<semaphore_mem>>) src(%dma_wait3A_1421 : memref<80x128xf32, #tpu.memory_space<hbm>>) dst(%dma_wait3A_1417 : memref<80x128xf32, #tpu.memory_space<vmem>>)
      %dma_wait3A_1422 = arith.constant 3 : i32
      %dma_wait3A_1423 = arith.constant 8 : i32
      %dma_wait3A_1424 = arith.constant 0 : i32
      %dma_wait3A_1425 = arith.constant 0 : i32
      %dma_wait3A_1426 = tpu.memref_slice %arg6[%dma_wait3A_1422, %dma_wait3A_1424, %dma_wait3A_1425] : memref<4x80x128xf32, #tpu.memory_space<vmem>> -> memref<1x80x128xf32, #tpu.memory_space<vmem>>
      %dma_wait3A_1427 = tpu.memref_squeeze %dma_wait3A_1426 : memref<1x80x128xf32, #tpu.memory_space<vmem>> -> memref<80x128xf32, #tpu.memory_space<vmem>>
      %dma_wait3A_1428 = arith.constant 0 : i32
      %dma_wait3A_1429 = tpu.memref_slice %arg5[%rem3A_867, %dma_wait3A_1423, %dma_wait3A_1428] : memref<2x16x80xi32, #tpu.memory_space<vmem>> -> memref<1x1x80xi32, #tpu.memory_space<vmem>>
      %dma_wait3A_1430 = tpu.memref_squeeze %dma_wait3A_1429 : memref<1x1x80xi32, #tpu.memory_space<vmem>> -> memref<80xi32, #tpu.memory_space<vmem>>
      %dma_wait3A_1431 = arith.constant 0 : i32
      %dma_wait3A_1432 = arith.constant 0 : i32
      %dma_wait3A_1433 = tpu.memref_slice %arg7[%dma_wait3A_1431, %dma_wait3A_1432] : memref<10000x128xf32, #tpu.memory_space<vmem_shared>> -> memref<10000x128xf32, #tpu.memory_space<vmem_shared>>
      tpu.wait_indirect_dma semaphore(%arg16 : memref<!tpu.dma_semaphore, #tpu.memory_space<semaphore_mem>>) src(%dma_wait3A_1427 : memref<80x128xf32, #tpu.memory_space<vmem>>) dst(%dma_wait3A_1433 : memref<10000x128xf32, #tpu.memory_space<vmem_shared>>)
      %add3A_1434 = arith.constant 3 : i32
      %add3A_1435 = arith.addi %add3A_1404, %add3A_1434 : i32
      %dma_start3A_1436 = arith.constant 3 : i32
      %dma_start3A_1437 = arith.constant 0 : i32
      %dma_start3A_1438 = arith.constant 0 : i32
      %dma_start3A_1439 = tpu.memref_slice %arg6[%dma_start3A_1436, %dma_start3A_1437, %dma_start3A_1438] : memref<4x80x128xf32, #tpu.memory_space<vmem>> -> memref<1x80x128xf32, #tpu.memory_space<vmem>>
      %dma_start3A_1440 = tpu.memref_squeeze %dma_start3A_1439 : memref<1x80x128xf32, #tpu.memory_space<vmem>> -> memref<80x128xf32, #tpu.memory_space<vmem>>
      %dma_start3A_1441 = arith.constant 0 : i32
      %dma_start3A_1442 = arith.constant 0 : i32
      %dma_start3A_1443 = tpu.memref_slice %arg2[%add3A, %add3A_1435, %dma_start3A_1441, %dma_start3A_1442] : memref<32x125x80x128xf32, #tpu.memory_space<hbm>> -> memref<1x1x80x128xf32, #tpu.memory_space<hbm>>
      %dma_start3A_1444 = tpu.memref_squeeze %dma_start3A_1443 : memref<1x1x80x128xf32, #tpu.memory_space<hbm>> -> memref<80x128xf32, #tpu.memory_space<hbm>>
      %dma_start3A_1445 = arith.constant 0 : i32
      %dma_start3A_1446 = arith.constant 0 : i32
      %dma_start3A_1447 = tpu.memref_slice %arg6[%dma_start3A_1436, %dma_start3A_1445, %dma_start3A_1446] : memref<4x80x128xf32, #tpu.memory_space<vmem>> -> memref<1x80x128xf32, #tpu.memory_space<vmem>>
      %dma_start3A_1448 = tpu.memref_squeeze %dma_start3A_1447 : memref<1x80x128xf32, #tpu.memory_space<vmem>> -> memref<80x128xf32, #tpu.memory_space<vmem>>
      %dma_start3A_1449 = arith.constant 0 : i32
      %dma_start3A_1450 = arith.constant 0 : i32
      %dma_start3A_1451 = tpu.memref_slice %arg2[%add3A, %add3A_1435, %dma_start3A_1449, %dma_start3A_1450] : memref<32x125x80x128xf32, #tpu.memory_space<hbm>> -> memref<1x1x80x128xf32, #tpu.memory_space<hbm>>
      %dma_start3A_1452 = tpu.memref_squeeze %dma_start3A_1451 : memref<1x1x80x128xf32, #tpu.memory_space<hbm>> -> memref<80x128xf32, #tpu.memory_space<hbm>>
      tpu.enqueue_dma source(%dma_start3A_1452 : memref<80x128xf32, #tpu.memory_space<hbm>>) target(%dma_start3A_1448 : memref<80x128xf32, #tpu.memory_space<vmem>>) target_semaphore(%arg11 : memref<!tpu.dma_semaphore, #tpu.memory_space<semaphore_mem>>)
      %dma_start3A_1453 = arith.constant 0 : i32
      %dma_start3A_1454 = arith.constant 8 : i32
      %dma_start3A_1455 = arith.constant 0 : i32
      %dma_start3A_1456 = arith.constant 0 : i32
      %dma_start3A_1457 = tpu.memref_slice %arg6[%dma_start3A_1453, %dma_start3A_1455, %dma_start3A_1456] : memref<4x80x128xf32, #tpu.memory_space<vmem>> -> memref<1x80x128xf32, #tpu.memory_space<vmem>>
      %dma_start3A_1458 = tpu.memref_squeeze %dma_start3A_1457 : memref<1x80x128xf32, #tpu.memory_space<vmem>> -> memref<80x128xf32, #tpu.memory_space<vmem>>
      %dma_start3A_1459 = arith.constant 0 : i32
      %dma_start3A_1460 = tpu.memref_slice %arg5[%rem3A_867, %dma_start3A_1454, %dma_start3A_1459] : memref<2x16x80xi32, #tpu.memory_space<vmem>> -> memref<1x1x80xi32, #tpu.memory_space<vmem>>
      %dma_start3A_1461 = tpu.memref_squeeze %dma_start3A_1460 : memref<1x1x80xi32, #tpu.memory_space<vmem>> -> memref<80xi32, #tpu.memory_space<vmem>>
      %dma_start3A_1462 = arith.constant 0 : i32
      %dma_start3A_1463 = arith.constant 0 : i32
      %dma_start3A_1464 = tpu.memref_slice %arg7[%dma_start3A_1462, %dma_start3A_1463] : memref<10000x128xf32, #tpu.memory_space<vmem_shared>> -> memref<10000x128xf32, #tpu.memory_space<vmem_shared>>
      tpu.enqueue_indirect_dma source(%dma_start3A_1458 : memref<80x128xf32, #tpu.memory_space<vmem>>) target(%dma_start3A_1464 : memref<10000x128xf32, #tpu.memory_space<vmem_shared>>) offsets(%dma_start3A_1461 : memref<80xi32, #tpu.memory_space<vmem>>) semaphore(%arg13 : memref<!tpu.dma_semaphore, #tpu.memory_space<semaphore_mem>>) {add = true}
      %mul3A_1465 = arith.constant 16 : i32
      %mul3A_1466 = arith.muli %scan3A_866, %mul3A_1465 : i32
      %add3A_1467 = arith.constant 9 : i32
      %add3A_1468 = arith.addi %mul3A_1466, %add3A_1467 : i32
      %dma_wait3A_1469 = arith.constant 1 : i32
      %dma_wait3A_1470 = arith.constant 0 : i32
      %dma_wait3A_1471 = arith.constant 0 : i32
      %dma_wait3A_1472 = tpu.memref_slice %arg6[%dma_wait3A_1469, %dma_wait3A_1470, %dma_wait3A_1471] : memref<4x80x128xf32, #tpu.memory_space<vmem>> -> memref<1x80x128xf32, #tpu.memory_space<vmem>>
      %dma_wait3A_1473 = tpu.memref_squeeze %dma_wait3A_1472 : memref<1x80x128xf32, #tpu.memory_space<vmem>> -> memref<80x128xf32, #tpu.memory_space<vmem>>
      %dma_wait3A_1474 = arith.constant 0 : i32
      %dma_wait3A_1475 = arith.constant 0 : i32
      %dma_wait3A_1476 = tpu.memref_slice %arg2[%add3A, %add3A_1468, %dma_wait3A_1474, %dma_wait3A_1475] : memref<32x125x80x128xf32, #tpu.memory_space<hbm>> -> memref<1x1x80x128xf32, #tpu.memory_space<hbm>>
      %dma_wait3A_1477 = tpu.memref_squeeze %dma_wait3A_1476 : memref<1x1x80x128xf32, #tpu.memory_space<hbm>> -> memref<80x128xf32, #tpu.memory_space<hbm>>
      %dma_wait3A_1478 = arith.constant 0 : i32
      %dma_wait3A_1479 = arith.constant 0 : i32
      %dma_wait3A_1480 = tpu.memref_slice %arg6[%dma_wait3A_1469, %dma_wait3A_1478, %dma_wait3A_1479] : memref<4x80x128xf32, #tpu.memory_space<vmem>> -> memref<1x80x128xf32, #tpu.memory_space<vmem>>
      %dma_wait3A_1481 = tpu.memref_squeeze %dma_wait3A_1480 : memref<1x80x128xf32, #tpu.memory_space<vmem>> -> memref<80x128xf32, #tpu.memory_space<vmem>>
      %dma_wait3A_1482 = arith.constant 0 : i32
      %dma_wait3A_1483 = arith.constant 0 : i32
      %dma_wait3A_1484 = tpu.memref_slice %arg2[%add3A, %add3A_1468, %dma_wait3A_1482, %dma_wait3A_1483] : memref<32x125x80x128xf32, #tpu.memory_space<hbm>> -> memref<1x1x80x128xf32, #tpu.memory_space<hbm>>
      %dma_wait3A_1485 = tpu.memref_squeeze %dma_wait3A_1484 : memref<1x1x80x128xf32, #tpu.memory_space<hbm>> -> memref<80x128xf32, #tpu.memory_space<hbm>>
      tpu.wait_dma2 semaphore(%arg9 : memref<!tpu.dma_semaphore, #tpu.memory_space<semaphore_mem>>) src(%dma_wait3A_1485 : memref<80x128xf32, #tpu.memory_space<hbm>>) dst(%dma_wait3A_1481 : memref<80x128xf32, #tpu.memory_space<vmem>>)
      %dma_wait3A_1486 = arith.constant 0 : i32
      %dma_wait3A_1487 = arith.constant 9 : i32
      %dma_wait3A_1488 = arith.constant 0 : i32
      %dma_wait3A_1489 = arith.constant 0 : i32
      %dma_wait3A_1490 = tpu.memref_slice %arg6[%dma_wait3A_1486, %dma_wait3A_1488, %dma_wait3A_1489] : memref<4x80x128xf32, #tpu.memory_space<vmem>> -> memref<1x80x128xf32, #tpu.memory_space<vmem>>
      %dma_wait3A_1491 = tpu.memref_squeeze %dma_wait3A_1490 : memref<1x80x128xf32, #tpu.memory_space<vmem>> -> memref<80x128xf32, #tpu.memory_space<vmem>>
      %dma_wait3A_1492 = arith.constant 0 : i32
      %dma_wait3A_1493 = tpu.memref_slice %arg5[%rem3A_867, %dma_wait3A_1487, %dma_wait3A_1492] : memref<2x16x80xi32, #tpu.memory_space<vmem>> -> memref<1x1x80xi32, #tpu.memory_space<vmem>>
      %dma_wait3A_1494 = tpu.memref_squeeze %dma_wait3A_1493 : memref<1x1x80xi32, #tpu.memory_space<vmem>> -> memref<80xi32, #tpu.memory_space<vmem>>
      %dma_wait3A_1495 = arith.constant 0 : i32
      %dma_wait3A_1496 = arith.constant 0 : i32
      %dma_wait3A_1497 = tpu.memref_slice %arg7[%dma_wait3A_1495, %dma_wait3A_1496] : memref<10000x128xf32, #tpu.memory_space<vmem_shared>> -> memref<10000x128xf32, #tpu.memory_space<vmem_shared>>
      tpu.wait_indirect_dma semaphore(%arg13 : memref<!tpu.dma_semaphore, #tpu.memory_space<semaphore_mem>>) src(%dma_wait3A_1491 : memref<80x128xf32, #tpu.memory_space<vmem>>) dst(%dma_wait3A_1497 : memref<10000x128xf32, #tpu.memory_space<vmem_shared>>)
      %add3A_1498 = arith.constant 3 : i32
      %add3A_1499 = arith.addi %add3A_1468, %add3A_1498 : i32
      %dma_start3A_1500 = arith.constant 0 : i32
      %dma_start3A_1501 = arith.constant 0 : i32
      %dma_start3A_1502 = arith.constant 0 : i32
      %dma_start3A_1503 = tpu.memref_slice %arg6[%dma_start3A_1500, %dma_start3A_1501, %dma_start3A_1502] : memref<4x80x128xf32, #tpu.memory_space<vmem>> -> memref<1x80x128xf32, #tpu.memory_space<vmem>>
      %dma_start3A_1504 = tpu.memref_squeeze %dma_start3A_1503 : memref<1x80x128xf32, #tpu.memory_space<vmem>> -> memref<80x128xf32, #tpu.memory_space<vmem>>
      %dma_start3A_1505 = arith.constant 0 : i32
      %dma_start3A_1506 = arith.constant 0 : i32
      %dma_start3A_1507 = tpu.memref_slice %arg2[%add3A, %add3A_1499, %dma_start3A_1505, %dma_start3A_1506] : memref<32x125x80x128xf32, #tpu.memory_space<hbm>> -> memref<1x1x80x128xf32, #tpu.memory_space<hbm>>
      %dma_start3A_1508 = tpu.memref_squeeze %dma_start3A_1507 : memref<1x1x80x128xf32, #tpu.memory_space<hbm>> -> memref<80x128xf32, #tpu.memory_space<hbm>>
      %dma_start3A_1509 = arith.constant 0 : i32
      %dma_start3A_1510 = arith.constant 0 : i32
      %dma_start3A_1511 = tpu.memref_slice %arg6[%dma_start3A_1500, %dma_start3A_1509, %dma_start3A_1510] : memref<4x80x128xf32, #tpu.memory_space<vmem>> -> memref<1x80x128xf32, #tpu.memory_space<vmem>>
      %dma_start3A_1512 = tpu.memref_squeeze %dma_start3A_1511 : memref<1x80x128xf32, #tpu.memory_space<vmem>> -> memref<80x128xf32, #tpu.memory_space<vmem>>
      %dma_start3A_1513 = arith.constant 0 : i32
      %dma_start3A_1514 = arith.constant 0 : i32
      %dma_start3A_1515 = tpu.memref_slice %arg2[%add3A, %add3A_1499, %dma_start3A_1513, %dma_start3A_1514] : memref<32x125x80x128xf32, #tpu.memory_space<hbm>> -> memref<1x1x80x128xf32, #tpu.memory_space<hbm>>
      %dma_start3A_1516 = tpu.memref_squeeze %dma_start3A_1515 : memref<1x1x80x128xf32, #tpu.memory_space<hbm>> -> memref<80x128xf32, #tpu.memory_space<hbm>>
      tpu.enqueue_dma source(%dma_start3A_1516 : memref<80x128xf32, #tpu.memory_space<hbm>>) target(%dma_start3A_1512 : memref<80x128xf32, #tpu.memory_space<vmem>>) target_semaphore(%arg8 : memref<!tpu.dma_semaphore, #tpu.memory_space<semaphore_mem>>)
      %dma_start3A_1517 = arith.constant 1 : i32
      %dma_start3A_1518 = arith.constant 9 : i32
      %dma_start3A_1519 = arith.constant 0 : i32
      %dma_start3A_1520 = arith.constant 0 : i32
      %dma_start3A_1521 = tpu.memref_slice %arg6[%dma_start3A_1517, %dma_start3A_1519, %dma_start3A_1520] : memref<4x80x128xf32, #tpu.memory_space<vmem>> -> memref<1x80x128xf32, #tpu.memory_space<vmem>>
      %dma_start3A_1522 = tpu.memref_squeeze %dma_start3A_1521 : memref<1x80x128xf32, #tpu.memory_space<vmem>> -> memref<80x128xf32, #tpu.memory_space<vmem>>
      %dma_start3A_1523 = arith.constant 0 : i32
      %dma_start3A_1524 = tpu.memref_slice %arg5[%rem3A_867, %dma_start3A_1518, %dma_start3A_1523] : memref<2x16x80xi32, #tpu.memory_space<vmem>> -> memref<1x1x80xi32, #tpu.memory_space<vmem>>
      %dma_start3A_1525 = tpu.memref_squeeze %dma_start3A_1524 : memref<1x1x80xi32, #tpu.memory_space<vmem>> -> memref<80xi32, #tpu.memory_space<vmem>>
      %dma_start3A_1526 = arith.constant 0 : i32
      %dma_start3A_1527 = arith.constant 0 : i32
      %dma_start3A_1528 = tpu.memref_slice %arg7[%dma_start3A_1526, %dma_start3A_1527] : memref<10000x128xf32, #tpu.memory_space<vmem_shared>> -> memref<10000x128xf32, #tpu.memory_space<vmem_shared>>
      tpu.enqueue_indirect_dma source(%dma_start3A_1522 : memref<80x128xf32, #tpu.memory_space<vmem>>) target(%dma_start3A_1528 : memref<10000x128xf32, #tpu.memory_space<vmem_shared>>) offsets(%dma_start3A_1525 : memref<80xi32, #tpu.memory_space<vmem>>) semaphore(%arg14 : memref<!tpu.dma_semaphore, #tpu.memory_space<semaphore_mem>>) {add = true}
      %mul3A_1529 = arith.constant 16 : i32
      %mul3A_1530 = arith.muli %scan3A_866, %mul3A_1529 : i32
      %add3A_1531 = arith.constant 10 : i32
      %add3A_1532 = arith.addi %mul3A_1530, %add3A_1531 : i32
      %dma_wait3A_1533 = arith.constant 2 : i32
      %dma_wait3A_1534 = arith.constant 0 : i32
      %dma_wait3A_1535 = arith.constant 0 : i32
      %dma_wait3A_1536 = tpu.memref_slice %arg6[%dma_wait3A_1533, %dma_wait3A_1534, %dma_wait3A_1535] : memref<4x80x128xf32, #tpu.memory_space<vmem>> -> memref<1x80x128xf32, #tpu.memory_space<vmem>>
      %dma_wait3A_1537 = tpu.memref_squeeze %dma_wait3A_1536 : memref<1x80x128xf32, #tpu.memory_space<vmem>> -> memref<80x128xf32, #tpu.memory_space<vmem>>
      %dma_wait3A_1538 = arith.constant 0 : i32
      %dma_wait3A_1539 = arith.constant 0 : i32
      %dma_wait3A_1540 = tpu.memref_slice %arg2[%add3A, %add3A_1532, %dma_wait3A_1538, %dma_wait3A_1539] : memref<32x125x80x128xf32, #tpu.memory_space<hbm>> -> memref<1x1x80x128xf32, #tpu.memory_space<hbm>>
      %dma_wait3A_1541 = tpu.memref_squeeze %dma_wait3A_1540 : memref<1x1x80x128xf32, #tpu.memory_space<hbm>> -> memref<80x128xf32, #tpu.memory_space<hbm>>
      %dma_wait3A_1542 = arith.constant 0 : i32
      %dma_wait3A_1543 = arith.constant 0 : i32
      %dma_wait3A_1544 = tpu.memref_slice %arg6[%dma_wait3A_1533, %dma_wait3A_1542, %dma_wait3A_1543] : memref<4x80x128xf32, #tpu.memory_space<vmem>> -> memref<1x80x128xf32, #tpu.memory_space<vmem>>
      %dma_wait3A_1545 = tpu.memref_squeeze %dma_wait3A_1544 : memref<1x80x128xf32, #tpu.memory_space<vmem>> -> memref<80x128xf32, #tpu.memory_space<vmem>>
      %dma_wait3A_1546 = arith.constant 0 : i32
      %dma_wait3A_1547 = arith.constant 0 : i32
      %dma_wait3A_1548 = tpu.memref_slice %arg2[%add3A, %add3A_1532, %dma_wait3A_1546, %dma_wait3A_1547] : memref<32x125x80x128xf32, #tpu.memory_space<hbm>> -> memref<1x1x80x128xf32, #tpu.memory_space<hbm>>
      %dma_wait3A_1549 = tpu.memref_squeeze %dma_wait3A_1548 : memref<1x1x80x128xf32, #tpu.memory_space<hbm>> -> memref<80x128xf32, #tpu.memory_space<hbm>>
      tpu.wait_dma2 semaphore(%arg10 : memref<!tpu.dma_semaphore, #tpu.memory_space<semaphore_mem>>) src(%dma_wait3A_1549 : memref<80x128xf32, #tpu.memory_space<hbm>>) dst(%dma_wait3A_1545 : memref<80x128xf32, #tpu.memory_space<vmem>>)
      %dma_wait3A_1550 = arith.constant 1 : i32
      %dma_wait3A_1551 = arith.constant 10 : i32
      %dma_wait3A_1552 = arith.constant 0 : i32
      %dma_wait3A_1553 = arith.constant 0 : i32
      %dma_wait3A_1554 = tpu.memref_slice %arg6[%dma_wait3A_1550, %dma_wait3A_1552, %dma_wait3A_1553] : memref<4x80x128xf32, #tpu.memory_space<vmem>> -> memref<1x80x128xf32, #tpu.memory_space<vmem>>
      %dma_wait3A_1555 = tpu.memref_squeeze %dma_wait3A_1554 : memref<1x80x128xf32, #tpu.memory_space<vmem>> -> memref<80x128xf32, #tpu.memory_space<vmem>>
      %dma_wait3A_1556 = arith.constant 0 : i32
      %dma_wait3A_1557 = tpu.memref_slice %arg5[%rem3A_867, %dma_wait3A_1551, %dma_wait3A_1556] : memref<2x16x80xi32, #tpu.memory_space<vmem>> -> memref<1x1x80xi32, #tpu.memory_space<vmem>>
      %dma_wait3A_1558 = tpu.memref_squeeze %dma_wait3A_1557 : memref<1x1x80xi32, #tpu.memory_space<vmem>> -> memref<80xi32, #tpu.memory_space<vmem>>
      %dma_wait3A_1559 = arith.constant 0 : i32
      %dma_wait3A_1560 = arith.constant 0 : i32
      %dma_wait3A_1561 = tpu.memref_slice %arg7[%dma_wait3A_1559, %dma_wait3A_1560] : memref<10000x128xf32, #tpu.memory_space<vmem_shared>> -> memref<10000x128xf32, #tpu.memory_space<vmem_shared>>
      tpu.wait_indirect_dma semaphore(%arg14 : memref<!tpu.dma_semaphore, #tpu.memory_space<semaphore_mem>>) src(%dma_wait3A_1555 : memref<80x128xf32, #tpu.memory_space<vmem>>) dst(%dma_wait3A_1561 : memref<10000x128xf32, #tpu.memory_space<vmem_shared>>)
      %add3A_1562 = arith.constant 3 : i32
      %add3A_1563 = arith.addi %add3A_1532, %add3A_1562 : i32
      %dma_start3A_1564 = arith.constant 1 : i32
      %dma_start3A_1565 = arith.constant 0 : i32
      %dma_start3A_1566 = arith.constant 0 : i32
      %dma_start3A_1567 = tpu.memref_slice %arg6[%dma_start3A_1564, %dma_start3A_1565, %dma_start3A_1566] : memref<4x80x128xf32, #tpu.memory_space<vmem>> -> memref<1x80x128xf32, #tpu.memory_space<vmem>>
      %dma_start3A_1568 = tpu.memref_squeeze %dma_start3A_1567 : memref<1x80x128xf32, #tpu.memory_space<vmem>> -> memref<80x128xf32, #tpu.memory_space<vmem>>
      %dma_start3A_1569 = arith.constant 0 : i32
      %dma_start3A_1570 = arith.constant 0 : i32
      %dma_start3A_1571 = tpu.memref_slice %arg2[%add3A, %add3A_1563, %dma_start3A_1569, %dma_start3A_1570] : memref<32x125x80x128xf32, #tpu.memory_space<hbm>> -> memref<1x1x80x128xf32, #tpu.memory_space<hbm>>
      %dma_start3A_1572 = tpu.memref_squeeze %dma_start3A_1571 : memref<1x1x80x128xf32, #tpu.memory_space<hbm>> -> memref<80x128xf32, #tpu.memory_space<hbm>>
      %dma_start3A_1573 = arith.constant 0 : i32
      %dma_start3A_1574 = arith.constant 0 : i32
      %dma_start3A_1575 = tpu.memref_slice %arg6[%dma_start3A_1564, %dma_start3A_1573, %dma_start3A_1574] : memref<4x80x128xf32, #tpu.memory_space<vmem>> -> memref<1x80x128xf32, #tpu.memory_space<vmem>>
      %dma_start3A_1576 = tpu.memref_squeeze %dma_start3A_1575 : memref<1x80x128xf32, #tpu.memory_space<vmem>> -> memref<80x128xf32, #tpu.memory_space<vmem>>
      %dma_start3A_1577 = arith.constant 0 : i32
      %dma_start3A_1578 = arith.constant 0 : i32
      %dma_start3A_1579 = tpu.memref_slice %arg2[%add3A, %add3A_1563, %dma_start3A_1577, %dma_start3A_1578] : memref<32x125x80x128xf32, #tpu.memory_space<hbm>> -> memref<1x1x80x128xf32, #tpu.memory_space<hbm>>
      %dma_start3A_1580 = tpu.memref_squeeze %dma_start3A_1579 : memref<1x1x80x128xf32, #tpu.memory_space<hbm>> -> memref<80x128xf32, #tpu.memory_space<hbm>>
      tpu.enqueue_dma source(%dma_start3A_1580 : memref<80x128xf32, #tpu.memory_space<hbm>>) target(%dma_start3A_1576 : memref<80x128xf32, #tpu.memory_space<vmem>>) target_semaphore(%arg9 : memref<!tpu.dma_semaphore, #tpu.memory_space<semaphore_mem>>)
      %dma_start3A_1581 = arith.constant 2 : i32
      %dma_start3A_1582 = arith.constant 10 : i32
      %dma_start3A_1583 = arith.constant 0 : i32
      %dma_start3A_1584 = arith.constant 0 : i32
      %dma_start3A_1585 = tpu.memref_slice %arg6[%dma_start3A_1581, %dma_start3A_1583, %dma_start3A_1584] : memref<4x80x128xf32, #tpu.memory_space<vmem>> -> memref<1x80x128xf32, #tpu.memory_space<vmem>>
      %dma_start3A_1586 = tpu.memref_squeeze %dma_start3A_1585 : memref<1x80x128xf32, #tpu.memory_space<vmem>> -> memref<80x128xf32, #tpu.memory_space<vmem>>
      %dma_start3A_1587 = arith.constant 0 : i32
      %dma_start3A_1588 = tpu.memref_slice %arg5[%rem3A_867, %dma_start3A_1582, %dma_start3A_1587] : memref<2x16x80xi32, #tpu.memory_space<vmem>> -> memref<1x1x80xi32, #tpu.memory_space<vmem>>
      %dma_start3A_1589 = tpu.memref_squeeze %dma_start3A_1588 : memref<1x1x80xi32, #tpu.memory_space<vmem>> -> memref<80xi32, #tpu.memory_space<vmem>>
      %dma_start3A_1590 = arith.constant 0 : i32
      %dma_start3A_1591 = arith.constant 0 : i32
      %dma_start3A_1592 = tpu.memref_slice %arg7[%dma_start3A_1590, %dma_start3A_1591] : memref<10000x128xf32, #tpu.memory_space<vmem_shared>> -> memref<10000x128xf32, #tpu.memory_space<vmem_shared>>
      tpu.enqueue_indirect_dma source(%dma_start3A_1586 : memref<80x128xf32, #tpu.memory_space<vmem>>) target(%dma_start3A_1592 : memref<10000x128xf32, #tpu.memory_space<vmem_shared>>) offsets(%dma_start3A_1589 : memref<80xi32, #tpu.memory_space<vmem>>) semaphore(%arg15 : memref<!tpu.dma_semaphore, #tpu.memory_space<semaphore_mem>>) {add = true}
      %mul3A_1593 = arith.constant 16 : i32
      %mul3A_1594 = arith.muli %scan3A_866, %mul3A_1593 : i32
      %add3A_1595 = arith.constant 11 : i32
      %add3A_1596 = arith.addi %mul3A_1594, %add3A_1595 : i32
      %dma_wait3A_1597 = arith.constant 3 : i32
      %dma_wait3A_1598 = arith.constant 0 : i32
      %dma_wait3A_1599 = arith.constant 0 : i32
      %dma_wait3A_1600 = tpu.memref_slice %arg6[%dma_wait3A_1597, %dma_wait3A_1598, %dma_wait3A_1599] : memref<4x80x128xf32, #tpu.memory_space<vmem>> -> memref<1x80x128xf32, #tpu.memory_space<vmem>>
      %dma_wait3A_1601 = tpu.memref_squeeze %dma_wait3A_1600 : memref<1x80x128xf32, #tpu.memory_space<vmem>> -> memref<80x128xf32, #tpu.memory_space<vmem>>
      %dma_wait3A_1602 = arith.constant 0 : i32
      %dma_wait3A_1603 = arith.constant 0 : i32
      %dma_wait3A_1604 = tpu.memref_slice %arg2[%add3A, %add3A_1596, %dma_wait3A_1602, %dma_wait3A_1603] : memref<32x125x80x128xf32, #tpu.memory_space<hbm>> -> memref<1x1x80x128xf32, #tpu.memory_space<hbm>>
      %dma_wait3A_1605 = tpu.memref_squeeze %dma_wait3A_1604 : memref<1x1x80x128xf32, #tpu.memory_space<hbm>> -> memref<80x128xf32, #tpu.memory_space<hbm>>
      %dma_wait3A_1606 = arith.constant 0 : i32
      %dma_wait3A_1607 = arith.constant 0 : i32
      %dma_wait3A_1608 = tpu.memref_slice %arg6[%dma_wait3A_1597, %dma_wait3A_1606, %dma_wait3A_1607] : memref<4x80x128xf32, #tpu.memory_space<vmem>> -> memref<1x80x128xf32, #tpu.memory_space<vmem>>
      %dma_wait3A_1609 = tpu.memref_squeeze %dma_wait3A_1608 : memref<1x80x128xf32, #tpu.memory_space<vmem>> -> memref<80x128xf32, #tpu.memory_space<vmem>>
      %dma_wait3A_1610 = arith.constant 0 : i32
      %dma_wait3A_1611 = arith.constant 0 : i32
      %dma_wait3A_1612 = tpu.memref_slice %arg2[%add3A, %add3A_1596, %dma_wait3A_1610, %dma_wait3A_1611] : memref<32x125x80x128xf32, #tpu.memory_space<hbm>> -> memref<1x1x80x128xf32, #tpu.memory_space<hbm>>
      %dma_wait3A_1613 = tpu.memref_squeeze %dma_wait3A_1612 : memref<1x1x80x128xf32, #tpu.memory_space<hbm>> -> memref<80x128xf32, #tpu.memory_space<hbm>>
      tpu.wait_dma2 semaphore(%arg11 : memref<!tpu.dma_semaphore, #tpu.memory_space<semaphore_mem>>) src(%dma_wait3A_1613 : memref<80x128xf32, #tpu.memory_space<hbm>>) dst(%dma_wait3A_1609 : memref<80x128xf32, #tpu.memory_space<vmem>>)
      %dma_wait3A_1614 = arith.constant 2 : i32
      %dma_wait3A_1615 = arith.constant 11 : i32
      %dma_wait3A_1616 = arith.constant 0 : i32
      %dma_wait3A_1617 = arith.constant 0 : i32
      %dma_wait3A_1618 = tpu.memref_slice %arg6[%dma_wait3A_1614, %dma_wait3A_1616, %dma_wait3A_1617] : memref<4x80x128xf32, #tpu.memory_space<vmem>> -> memref<1x80x128xf32, #tpu.memory_space<vmem>>
      %dma_wait3A_1619 = tpu.memref_squeeze %dma_wait3A_1618 : memref<1x80x128xf32, #tpu.memory_space<vmem>> -> memref<80x128xf32, #tpu.memory_space<vmem>>
      %dma_wait3A_1620 = arith.constant 0 : i32
      %dma_wait3A_1621 = tpu.memref_slice %arg5[%rem3A_867, %dma_wait3A_1615, %dma_wait3A_1620] : memref<2x16x80xi32, #tpu.memory_space<vmem>> -> memref<1x1x80xi32, #tpu.memory_space<vmem>>
      %dma_wait3A_1622 = tpu.memref_squeeze %dma_wait3A_1621 : memref<1x1x80xi32, #tpu.memory_space<vmem>> -> memref<80xi32, #tpu.memory_space<vmem>>
      %dma_wait3A_1623 = arith.constant 0 : i32
      %dma_wait3A_1624 = arith.constant 0 : i32
      %dma_wait3A_1625 = tpu.memref_slice %arg7[%dma_wait3A_1623, %dma_wait3A_1624] : memref<10000x128xf32, #tpu.memory_space<vmem_shared>> -> memref<10000x128xf32, #tpu.memory_space<vmem_shared>>
      tpu.wait_indirect_dma semaphore(%arg15 : memref<!tpu.dma_semaphore, #tpu.memory_space<semaphore_mem>>) src(%dma_wait3A_1619 : memref<80x128xf32, #tpu.memory_space<vmem>>) dst(%dma_wait3A_1625 : memref<10000x128xf32, #tpu.memory_space<vmem_shared>>)
      %add3A_1626 = arith.constant 3 : i32
      %add3A_1627 = arith.addi %add3A_1596, %add3A_1626 : i32
      %dma_start3A_1628 = arith.constant 2 : i32
      %dma_start3A_1629 = arith.constant 0 : i32
      %dma_start3A_1630 = arith.constant 0 : i32
      %dma_start3A_1631 = tpu.memref_slice %arg6[%dma_start3A_1628, %dma_start3A_1629, %dma_start3A_1630] : memref<4x80x128xf32, #tpu.memory_space<vmem>> -> memref<1x80x128xf32, #tpu.memory_space<vmem>>
      %dma_start3A_1632 = tpu.memref_squeeze %dma_start3A_1631 : memref<1x80x128xf32, #tpu.memory_space<vmem>> -> memref<80x128xf32, #tpu.memory_space<vmem>>
      %dma_start3A_1633 = arith.constant 0 : i32
      %dma_start3A_1634 = arith.constant 0 : i32
      %dma_start3A_1635 = tpu.memref_slice %arg2[%add3A, %add3A_1627, %dma_start3A_1633, %dma_start3A_1634] : memref<32x125x80x128xf32, #tpu.memory_space<hbm>> -> memref<1x1x80x128xf32, #tpu.memory_space<hbm>>
      %dma_start3A_1636 = tpu.memref_squeeze %dma_start3A_1635 : memref<1x1x80x128xf32, #tpu.memory_space<hbm>> -> memref<80x128xf32, #tpu.memory_space<hbm>>
      %dma_start3A_1637 = arith.constant 0 : i32
      %dma_start3A_1638 = arith.constant 0 : i32
      %dma_start3A_1639 = tpu.memref_slice %arg6[%dma_start3A_1628, %dma_start3A_1637, %dma_start3A_1638] : memref<4x80x128xf32, #tpu.memory_space<vmem>> -> memref<1x80x128xf32, #tpu.memory_space<vmem>>
      %dma_start3A_1640 = tpu.memref_squeeze %dma_start3A_1639 : memref<1x80x128xf32, #tpu.memory_space<vmem>> -> memref<80x128xf32, #tpu.memory_space<vmem>>
      %dma_start3A_1641 = arith.constant 0 : i32
      %dma_start3A_1642 = arith.constant 0 : i32
      %dma_start3A_1643 = tpu.memref_slice %arg2[%add3A, %add3A_1627, %dma_start3A_1641, %dma_start3A_1642] : memref<32x125x80x128xf32, #tpu.memory_space<hbm>> -> memref<1x1x80x128xf32, #tpu.memory_space<hbm>>
      %dma_start3A_1644 = tpu.memref_squeeze %dma_start3A_1643 : memref<1x1x80x128xf32, #tpu.memory_space<hbm>> -> memref<80x128xf32, #tpu.memory_space<hbm>>
      tpu.enqueue_dma source(%dma_start3A_1644 : memref<80x128xf32, #tpu.memory_space<hbm>>) target(%dma_start3A_1640 : memref<80x128xf32, #tpu.memory_space<vmem>>) target_semaphore(%arg10 : memref<!tpu.dma_semaphore, #tpu.memory_space<semaphore_mem>>)
      %dma_start3A_1645 = arith.constant 3 : i32
      %dma_start3A_1646 = arith.constant 11 : i32
      %dma_start3A_1647 = arith.constant 0 : i32
      %dma_start3A_1648 = arith.constant 0 : i32
      %dma_start3A_1649 = tpu.memref_slice %arg6[%dma_start3A_1645, %dma_start3A_1647, %dma_start3A_1648] : memref<4x80x128xf32, #tpu.memory_space<vmem>> -> memref<1x80x128xf32, #tpu.memory_space<vmem>>
      %dma_start3A_1650 = tpu.memref_squeeze %dma_start3A_1649 : memref<1x80x128xf32, #tpu.memory_space<vmem>> -> memref<80x128xf32, #tpu.memory_space<vmem>>
      %dma_start3A_1651 = arith.constant 0 : i32
      %dma_start3A_1652 = tpu.memref_slice %arg5[%rem3A_867, %dma_start3A_1646, %dma_start3A_1651] : memref<2x16x80xi32, #tpu.memory_space<vmem>> -> memref<1x1x80xi32, #tpu.memory_space<vmem>>
      %dma_start3A_1653 = tpu.memref_squeeze %dma_start3A_1652 : memref<1x1x80xi32, #tpu.memory_space<vmem>> -> memref<80xi32, #tpu.memory_space<vmem>>
      %dma_start3A_1654 = arith.constant 0 : i32
      %dma_start3A_1655 = arith.constant 0 : i32
      %dma_start3A_1656 = tpu.memref_slice %arg7[%dma_start3A_1654, %dma_start3A_1655] : memref<10000x128xf32, #tpu.memory_space<vmem_shared>> -> memref<10000x128xf32, #tpu.memory_space<vmem_shared>>
      tpu.enqueue_indirect_dma source(%dma_start3A_1650 : memref<80x128xf32, #tpu.memory_space<vmem>>) target(%dma_start3A_1656 : memref<10000x128xf32, #tpu.memory_space<vmem_shared>>) offsets(%dma_start3A_1653 : memref<80xi32, #tpu.memory_space<vmem>>) semaphore(%arg16 : memref<!tpu.dma_semaphore, #tpu.memory_space<semaphore_mem>>) {add = true}
      %mul3A_1657 = arith.constant 16 : i32
      %mul3A_1658 = arith.muli %scan3A_866, %mul3A_1657 : i32
      %add3A_1659 = arith.constant 12 : i32
      %add3A_1660 = arith.addi %mul3A_1658, %add3A_1659 : i32
      %dma_wait3A_1661 = arith.constant 0 : i32
      %dma_wait3A_1662 = arith.constant 0 : i32
      %dma_wait3A_1663 = arith.constant 0 : i32
      %dma_wait3A_1664 = tpu.memref_slice %arg6[%dma_wait3A_1661, %dma_wait3A_1662, %dma_wait3A_1663] : memref<4x80x128xf32, #tpu.memory_space<vmem>> -> memref<1x80x128xf32, #tpu.memory_space<vmem>>
      %dma_wait3A_1665 = tpu.memref_squeeze %dma_wait3A_1664 : memref<1x80x128xf32, #tpu.memory_space<vmem>> -> memref<80x128xf32, #tpu.memory_space<vmem>>
      %dma_wait3A_1666 = arith.constant 0 : i32
      %dma_wait3A_1667 = arith.constant 0 : i32
      %dma_wait3A_1668 = tpu.memref_slice %arg2[%add3A, %add3A_1660, %dma_wait3A_1666, %dma_wait3A_1667] : memref<32x125x80x128xf32, #tpu.memory_space<hbm>> -> memref<1x1x80x128xf32, #tpu.memory_space<hbm>>
      %dma_wait3A_1669 = tpu.memref_squeeze %dma_wait3A_1668 : memref<1x1x80x128xf32, #tpu.memory_space<hbm>> -> memref<80x128xf32, #tpu.memory_space<hbm>>
      %dma_wait3A_1670 = arith.constant 0 : i32
      %dma_wait3A_1671 = arith.constant 0 : i32
      %dma_wait3A_1672 = tpu.memref_slice %arg6[%dma_wait3A_1661, %dma_wait3A_1670, %dma_wait3A_1671] : memref<4x80x128xf32, #tpu.memory_space<vmem>> -> memref<1x80x128xf32, #tpu.memory_space<vmem>>
      %dma_wait3A_1673 = tpu.memref_squeeze %dma_wait3A_1672 : memref<1x80x128xf32, #tpu.memory_space<vmem>> -> memref<80x128xf32, #tpu.memory_space<vmem>>
      %dma_wait3A_1674 = arith.constant 0 : i32
      %dma_wait3A_1675 = arith.constant 0 : i32
      %dma_wait3A_1676 = tpu.memref_slice %arg2[%add3A, %add3A_1660, %dma_wait3A_1674, %dma_wait3A_1675] : memref<32x125x80x128xf32, #tpu.memory_space<hbm>> -> memref<1x1x80x128xf32, #tpu.memory_space<hbm>>
      %dma_wait3A_1677 = tpu.memref_squeeze %dma_wait3A_1676 : memref<1x1x80x128xf32, #tpu.memory_space<hbm>> -> memref<80x128xf32, #tpu.memory_space<hbm>>
      tpu.wait_dma2 semaphore(%arg8 : memref<!tpu.dma_semaphore, #tpu.memory_space<semaphore_mem>>) src(%dma_wait3A_1677 : memref<80x128xf32, #tpu.memory_space<hbm>>) dst(%dma_wait3A_1673 : memref<80x128xf32, #tpu.memory_space<vmem>>)
      %dma_wait3A_1678 = arith.constant 3 : i32
      %dma_wait3A_1679 = arith.constant 12 : i32
      %dma_wait3A_1680 = arith.constant 0 : i32
      %dma_wait3A_1681 = arith.constant 0 : i32
      %dma_wait3A_1682 = tpu.memref_slice %arg6[%dma_wait3A_1678, %dma_wait3A_1680, %dma_wait3A_1681] : memref<4x80x128xf32, #tpu.memory_space<vmem>> -> memref<1x80x128xf32, #tpu.memory_space<vmem>>
      %dma_wait3A_1683 = tpu.memref_squeeze %dma_wait3A_1682 : memref<1x80x128xf32, #tpu.memory_space<vmem>> -> memref<80x128xf32, #tpu.memory_space<vmem>>
      %dma_wait3A_1684 = arith.constant 0 : i32
      %dma_wait3A_1685 = tpu.memref_slice %arg5[%rem3A_867, %dma_wait3A_1679, %dma_wait3A_1684] : memref<2x16x80xi32, #tpu.memory_space<vmem>> -> memref<1x1x80xi32, #tpu.memory_space<vmem>>
      %dma_wait3A_1686 = tpu.memref_squeeze %dma_wait3A_1685 : memref<1x1x80xi32, #tpu.memory_space<vmem>> -> memref<80xi32, #tpu.memory_space<vmem>>
      %dma_wait3A_1687 = arith.constant 0 : i32
      %dma_wait3A_1688 = arith.constant 0 : i32
      %dma_wait3A_1689 = tpu.memref_slice %arg7[%dma_wait3A_1687, %dma_wait3A_1688] : memref<10000x128xf32, #tpu.memory_space<vmem_shared>> -> memref<10000x128xf32, #tpu.memory_space<vmem_shared>>
      tpu.wait_indirect_dma semaphore(%arg16 : memref<!tpu.dma_semaphore, #tpu.memory_space<semaphore_mem>>) src(%dma_wait3A_1683 : memref<80x128xf32, #tpu.memory_space<vmem>>) dst(%dma_wait3A_1689 : memref<10000x128xf32, #tpu.memory_space<vmem_shared>>)
      %add3A_1690 = arith.constant 3 : i32
      %add3A_1691 = arith.addi %add3A_1660, %add3A_1690 : i32
      %dma_start3A_1692 = arith.constant 3 : i32
      %dma_start3A_1693 = arith.constant 0 : i32
      %dma_start3A_1694 = arith.constant 0 : i32
      %dma_start3A_1695 = tpu.memref_slice %arg6[%dma_start3A_1692, %dma_start3A_1693, %dma_start3A_1694] : memref<4x80x128xf32, #tpu.memory_space<vmem>> -> memref<1x80x128xf32, #tpu.memory_space<vmem>>
      %dma_start3A_1696 = tpu.memref_squeeze %dma_start3A_1695 : memref<1x80x128xf32, #tpu.memory_space<vmem>> -> memref<80x128xf32, #tpu.memory_space<vmem>>
      %dma_start3A_1697 = arith.constant 0 : i32
      %dma_start3A_1698 = arith.constant 0 : i32
      %dma_start3A_1699 = tpu.memref_slice %arg2[%add3A, %add3A_1691, %dma_start3A_1697, %dma_start3A_1698] : memref<32x125x80x128xf32, #tpu.memory_space<hbm>> -> memref<1x1x80x128xf32, #tpu.memory_space<hbm>>
      %dma_start3A_1700 = tpu.memref_squeeze %dma_start3A_1699 : memref<1x1x80x128xf32, #tpu.memory_space<hbm>> -> memref<80x128xf32, #tpu.memory_space<hbm>>
      %dma_start3A_1701 = arith.constant 0 : i32
      %dma_start3A_1702 = arith.constant 0 : i32
      %dma_start3A_1703 = tpu.memref_slice %arg6[%dma_start3A_1692, %dma_start3A_1701, %dma_start3A_1702] : memref<4x80x128xf32, #tpu.memory_space<vmem>> -> memref<1x80x128xf32, #tpu.memory_space<vmem>>
      %dma_start3A_1704 = tpu.memref_squeeze %dma_start3A_1703 : memref<1x80x128xf32, #tpu.memory_space<vmem>> -> memref<80x128xf32, #tpu.memory_space<vmem>>
      %dma_start3A_1705 = arith.constant 0 : i32
      %dma_start3A_1706 = arith.constant 0 : i32
      %dma_start3A_1707 = tpu.memref_slice %arg2[%add3A, %add3A_1691, %dma_start3A_1705, %dma_start3A_1706] : memref<32x125x80x128xf32, #tpu.memory_space<hbm>> -> memref<1x1x80x128xf32, #tpu.memory_space<hbm>>
      %dma_start3A_1708 = tpu.memref_squeeze %dma_start3A_1707 : memref<1x1x80x128xf32, #tpu.memory_space<hbm>> -> memref<80x128xf32, #tpu.memory_space<hbm>>
      tpu.enqueue_dma source(%dma_start3A_1708 : memref<80x128xf32, #tpu.memory_space<hbm>>) target(%dma_start3A_1704 : memref<80x128xf32, #tpu.memory_space<vmem>>) target_semaphore(%arg11 : memref<!tpu.dma_semaphore, #tpu.memory_space<semaphore_mem>>)
      %dma_start3A_1709 = arith.constant 0 : i32
      %dma_start3A_1710 = arith.constant 12 : i32
      %dma_start3A_1711 = arith.constant 0 : i32
      %dma_start3A_1712 = arith.constant 0 : i32
      %dma_start3A_1713 = tpu.memref_slice %arg6[%dma_start3A_1709, %dma_start3A_1711, %dma_start3A_1712] : memref<4x80x128xf32, #tpu.memory_space<vmem>> -> memref<1x80x128xf32, #tpu.memory_space<vmem>>
      %dma_start3A_1714 = tpu.memref_squeeze %dma_start3A_1713 : memref<1x80x128xf32, #tpu.memory_space<vmem>> -> memref<80x128xf32, #tpu.memory_space<vmem>>
      %dma_start3A_1715 = arith.constant 0 : i32
      %dma_start3A_1716 = tpu.memref_slice %arg5[%rem3A_867, %dma_start3A_1710, %dma_start3A_1715] : memref<2x16x80xi32, #tpu.memory_space<vmem>> -> memref<1x1x80xi32, #tpu.memory_space<vmem>>
      %dma_start3A_1717 = tpu.memref_squeeze %dma_start3A_1716 : memref<1x1x80xi32, #tpu.memory_space<vmem>> -> memref<80xi32, #tpu.memory_space<vmem>>
      %dma_start3A_1718 = arith.constant 0 : i32
      %dma_start3A_1719 = arith.constant 0 : i32
      %dma_start3A_1720 = tpu.memref_slice %arg7[%dma_start3A_1718, %dma_start3A_1719] : memref<10000x128xf32, #tpu.memory_space<vmem_shared>> -> memref<10000x128xf32, #tpu.memory_space<vmem_shared>>
      tpu.enqueue_indirect_dma source(%dma_start3A_1714 : memref<80x128xf32, #tpu.memory_space<vmem>>) target(%dma_start3A_1720 : memref<10000x128xf32, #tpu.memory_space<vmem_shared>>) offsets(%dma_start3A_1717 : memref<80xi32, #tpu.memory_space<vmem>>) semaphore(%arg13 : memref<!tpu.dma_semaphore, #tpu.memory_space<semaphore_mem>>) {add = true}
      %mul3A_1721 = arith.constant 16 : i32
      %mul3A_1722 = arith.muli %scan3A_866, %mul3A_1721 : i32
      %add3A_1723 = arith.constant 13 : i32
      %add3A_1724 = arith.addi %mul3A_1722, %add3A_1723 : i32
      %dma_wait3A_1725 = arith.constant 1 : i32
      %dma_wait3A_1726 = arith.constant 0 : i32
      %dma_wait3A_1727 = arith.constant 0 : i32
      %dma_wait3A_1728 = tpu.memref_slice %arg6[%dma_wait3A_1725, %dma_wait3A_1726, %dma_wait3A_1727] : memref<4x80x128xf32, #tpu.memory_space<vmem>> -> memref<1x80x128xf32, #tpu.memory_space<vmem>>
      %dma_wait3A_1729 = tpu.memref_squeeze %dma_wait3A_1728 : memref<1x80x128xf32, #tpu.memory_space<vmem>> -> memref<80x128xf32, #tpu.memory_space<vmem>>
      %dma_wait3A_1730 = arith.constant 0 : i32
      %dma_wait3A_1731 = arith.constant 0 : i32
      %dma_wait3A_1732 = tpu.memref_slice %arg2[%add3A, %add3A_1724, %dma_wait3A_1730, %dma_wait3A_1731] : memref<32x125x80x128xf32, #tpu.memory_space<hbm>> -> memref<1x1x80x128xf32, #tpu.memory_space<hbm>>
      %dma_wait3A_1733 = tpu.memref_squeeze %dma_wait3A_1732 : memref<1x1x80x128xf32, #tpu.memory_space<hbm>> -> memref<80x128xf32, #tpu.memory_space<hbm>>
      %dma_wait3A_1734 = arith.constant 0 : i32
      %dma_wait3A_1735 = arith.constant 0 : i32
      %dma_wait3A_1736 = tpu.memref_slice %arg6[%dma_wait3A_1725, %dma_wait3A_1734, %dma_wait3A_1735] : memref<4x80x128xf32, #tpu.memory_space<vmem>> -> memref<1x80x128xf32, #tpu.memory_space<vmem>>
      %dma_wait3A_1737 = tpu.memref_squeeze %dma_wait3A_1736 : memref<1x80x128xf32, #tpu.memory_space<vmem>> -> memref<80x128xf32, #tpu.memory_space<vmem>>
      %dma_wait3A_1738 = arith.constant 0 : i32
      %dma_wait3A_1739 = arith.constant 0 : i32
      %dma_wait3A_1740 = tpu.memref_slice %arg2[%add3A, %add3A_1724, %dma_wait3A_1738, %dma_wait3A_1739] : memref<32x125x80x128xf32, #tpu.memory_space<hbm>> -> memref<1x1x80x128xf32, #tpu.memory_space<hbm>>
      %dma_wait3A_1741 = tpu.memref_squeeze %dma_wait3A_1740 : memref<1x1x80x128xf32, #tpu.memory_space<hbm>> -> memref<80x128xf32, #tpu.memory_space<hbm>>
      tpu.wait_dma2 semaphore(%arg9 : memref<!tpu.dma_semaphore, #tpu.memory_space<semaphore_mem>>) src(%dma_wait3A_1741 : memref<80x128xf32, #tpu.memory_space<hbm>>) dst(%dma_wait3A_1737 : memref<80x128xf32, #tpu.memory_space<vmem>>)
      %dma_wait3A_1742 = arith.constant 0 : i32
      %dma_wait3A_1743 = arith.constant 13 : i32
      %dma_wait3A_1744 = arith.constant 0 : i32
      %dma_wait3A_1745 = arith.constant 0 : i32
      %dma_wait3A_1746 = tpu.memref_slice %arg6[%dma_wait3A_1742, %dma_wait3A_1744, %dma_wait3A_1745] : memref<4x80x128xf32, #tpu.memory_space<vmem>> -> memref<1x80x128xf32, #tpu.memory_space<vmem>>
      %dma_wait3A_1747 = tpu.memref_squeeze %dma_wait3A_1746 : memref<1x80x128xf32, #tpu.memory_space<vmem>> -> memref<80x128xf32, #tpu.memory_space<vmem>>
      %dma_wait3A_1748 = arith.constant 0 : i32
      %dma_wait3A_1749 = tpu.memref_slice %arg5[%rem3A_867, %dma_wait3A_1743, %dma_wait3A_1748] : memref<2x16x80xi32, #tpu.memory_space<vmem>> -> memref<1x1x80xi32, #tpu.memory_space<vmem>>
      %dma_wait3A_1750 = tpu.memref_squeeze %dma_wait3A_1749 : memref<1x1x80xi32, #tpu.memory_space<vmem>> -> memref<80xi32, #tpu.memory_space<vmem>>
      %dma_wait3A_1751 = arith.constant 0 : i32
      %dma_wait3A_1752 = arith.constant 0 : i32
      %dma_wait3A_1753 = tpu.memref_slice %arg7[%dma_wait3A_1751, %dma_wait3A_1752] : memref<10000x128xf32, #tpu.memory_space<vmem_shared>> -> memref<10000x128xf32, #tpu.memory_space<vmem_shared>>
      tpu.wait_indirect_dma semaphore(%arg13 : memref<!tpu.dma_semaphore, #tpu.memory_space<semaphore_mem>>) src(%dma_wait3A_1747 : memref<80x128xf32, #tpu.memory_space<vmem>>) dst(%dma_wait3A_1753 : memref<10000x128xf32, #tpu.memory_space<vmem_shared>>)
      %add3A_1754 = arith.constant 3 : i32
      %add3A_1755 = arith.addi %add3A_1724, %add3A_1754 : i32
      %dma_start3A_1756 = arith.constant 0 : i32
      %dma_start3A_1757 = arith.constant 0 : i32
      %dma_start3A_1758 = arith.constant 0 : i32
      %dma_start3A_1759 = tpu.memref_slice %arg6[%dma_start3A_1756, %dma_start3A_1757, %dma_start3A_1758] : memref<4x80x128xf32, #tpu.memory_space<vmem>> -> memref<1x80x128xf32, #tpu.memory_space<vmem>>
      %dma_start3A_1760 = tpu.memref_squeeze %dma_start3A_1759 : memref<1x80x128xf32, #tpu.memory_space<vmem>> -> memref<80x128xf32, #tpu.memory_space<vmem>>
      %dma_start3A_1761 = arith.constant 0 : i32
      %dma_start3A_1762 = arith.constant 0 : i32
      %dma_start3A_1763 = tpu.memref_slice %arg2[%add3A, %add3A_1755, %dma_start3A_1761, %dma_start3A_1762] : memref<32x125x80x128xf32, #tpu.memory_space<hbm>> -> memref<1x1x80x128xf32, #tpu.memory_space<hbm>>
      %dma_start3A_1764 = tpu.memref_squeeze %dma_start3A_1763 : memref<1x1x80x128xf32, #tpu.memory_space<hbm>> -> memref<80x128xf32, #tpu.memory_space<hbm>>
      %dma_start3A_1765 = arith.constant 0 : i32
      %dma_start3A_1766 = arith.constant 0 : i32
      %dma_start3A_1767 = tpu.memref_slice %arg6[%dma_start3A_1756, %dma_start3A_1765, %dma_start3A_1766] : memref<4x80x128xf32, #tpu.memory_space<vmem>> -> memref<1x80x128xf32, #tpu.memory_space<vmem>>
      %dma_start3A_1768 = tpu.memref_squeeze %dma_start3A_1767 : memref<1x80x128xf32, #tpu.memory_space<vmem>> -> memref<80x128xf32, #tpu.memory_space<vmem>>
      %dma_start3A_1769 = arith.constant 0 : i32
      %dma_start3A_1770 = arith.constant 0 : i32
      %dma_start3A_1771 = tpu.memref_slice %arg2[%add3A, %add3A_1755, %dma_start3A_1769, %dma_start3A_1770] : memref<32x125x80x128xf32, #tpu.memory_space<hbm>> -> memref<1x1x80x128xf32, #tpu.memory_space<hbm>>
      %dma_start3A_1772 = tpu.memref_squeeze %dma_start3A_1771 : memref<1x1x80x128xf32, #tpu.memory_space<hbm>> -> memref<80x128xf32, #tpu.memory_space<hbm>>
      tpu.enqueue_dma source(%dma_start3A_1772 : memref<80x128xf32, #tpu.memory_space<hbm>>) target(%dma_start3A_1768 : memref<80x128xf32, #tpu.memory_space<vmem>>) target_semaphore(%arg8 : memref<!tpu.dma_semaphore, #tpu.memory_space<semaphore_mem>>)
      %dma_start3A_1773 = arith.constant 1 : i32
      %dma_start3A_1774 = arith.constant 13 : i32
      %dma_start3A_1775 = arith.constant 0 : i32
      %dma_start3A_1776 = arith.constant 0 : i32
      %dma_start3A_1777 = tpu.memref_slice %arg6[%dma_start3A_1773, %dma_start3A_1775, %dma_start3A_1776] : memref<4x80x128xf32, #tpu.memory_space<vmem>> -> memref<1x80x128xf32, #tpu.memory_space<vmem>>
      %dma_start3A_1778 = tpu.memref_squeeze %dma_start3A_1777 : memref<1x80x128xf32, #tpu.memory_space<vmem>> -> memref<80x128xf32, #tpu.memory_space<vmem>>
      %dma_start3A_1779 = arith.constant 0 : i32
      %dma_start3A_1780 = tpu.memref_slice %arg5[%rem3A_867, %dma_start3A_1774, %dma_start3A_1779] : memref<2x16x80xi32, #tpu.memory_space<vmem>> -> memref<1x1x80xi32, #tpu.memory_space<vmem>>
      %dma_start3A_1781 = tpu.memref_squeeze %dma_start3A_1780 : memref<1x1x80xi32, #tpu.memory_space<vmem>> -> memref<80xi32, #tpu.memory_space<vmem>>
      %dma_start3A_1782 = arith.constant 0 : i32
      %dma_start3A_1783 = arith.constant 0 : i32
      %dma_start3A_1784 = tpu.memref_slice %arg7[%dma_start3A_1782, %dma_start3A_1783] : memref<10000x128xf32, #tpu.memory_space<vmem_shared>> -> memref<10000x128xf32, #tpu.memory_space<vmem_shared>>
      tpu.enqueue_indirect_dma source(%dma_start3A_1778 : memref<80x128xf32, #tpu.memory_space<vmem>>) target(%dma_start3A_1784 : memref<10000x128xf32, #tpu.memory_space<vmem_shared>>) offsets(%dma_start3A_1781 : memref<80xi32, #tpu.memory_space<vmem>>) semaphore(%arg14 : memref<!tpu.dma_semaphore, #tpu.memory_space<semaphore_mem>>) {add = true}
      %mul3A_1785 = arith.constant 16 : i32
      %mul3A_1786 = arith.muli %scan3A_866, %mul3A_1785 : i32
      %add3A_1787 = arith.constant 14 : i32
      %add3A_1788 = arith.addi %mul3A_1786, %add3A_1787 : i32
      %dma_wait3A_1789 = arith.constant 2 : i32
      %dma_wait3A_1790 = arith.constant 0 : i32
      %dma_wait3A_1791 = arith.constant 0 : i32
      %dma_wait3A_1792 = tpu.memref_slice %arg6[%dma_wait3A_1789, %dma_wait3A_1790, %dma_wait3A_1791] : memref<4x80x128xf32, #tpu.memory_space<vmem>> -> memref<1x80x128xf32, #tpu.memory_space<vmem>>
      %dma_wait3A_1793 = tpu.memref_squeeze %dma_wait3A_1792 : memref<1x80x128xf32, #tpu.memory_space<vmem>> -> memref<80x128xf32, #tpu.memory_space<vmem>>
      %dma_wait3A_1794 = arith.constant 0 : i32
      %dma_wait3A_1795 = arith.constant 0 : i32
      %dma_wait3A_1796 = tpu.memref_slice %arg2[%add3A, %add3A_1788, %dma_wait3A_1794, %dma_wait3A_1795] : memref<32x125x80x128xf32, #tpu.memory_space<hbm>> -> memref<1x1x80x128xf32, #tpu.memory_space<hbm>>
      %dma_wait3A_1797 = tpu.memref_squeeze %dma_wait3A_1796 : memref<1x1x80x128xf32, #tpu.memory_space<hbm>> -> memref<80x128xf32, #tpu.memory_space<hbm>>
      %dma_wait3A_1798 = arith.constant 0 : i32
      %dma_wait3A_1799 = arith.constant 0 : i32
      %dma_wait3A_1800 = tpu.memref_slice %arg6[%dma_wait3A_1789, %dma_wait3A_1798, %dma_wait3A_1799] : memref<4x80x128xf32, #tpu.memory_space<vmem>> -> memref<1x80x128xf32, #tpu.memory_space<vmem>>
      %dma_wait3A_1801 = tpu.memref_squeeze %dma_wait3A_1800 : memref<1x80x128xf32, #tpu.memory_space<vmem>> -> memref<80x128xf32, #tpu.memory_space<vmem>>
      %dma_wait3A_1802 = arith.constant 0 : i32
      %dma_wait3A_1803 = arith.constant 0 : i32
      %dma_wait3A_1804 = tpu.memref_slice %arg2[%add3A, %add3A_1788, %dma_wait3A_1802, %dma_wait3A_1803] : memref<32x125x80x128xf32, #tpu.memory_space<hbm>> -> memref<1x1x80x128xf32, #tpu.memory_space<hbm>>
      %dma_wait3A_1805 = tpu.memref_squeeze %dma_wait3A_1804 : memref<1x1x80x128xf32, #tpu.memory_space<hbm>> -> memref<80x128xf32, #tpu.memory_space<hbm>>
      tpu.wait_dma2 semaphore(%arg10 : memref<!tpu.dma_semaphore, #tpu.memory_space<semaphore_mem>>) src(%dma_wait3A_1805 : memref<80x128xf32, #tpu.memory_space<hbm>>) dst(%dma_wait3A_1801 : memref<80x128xf32, #tpu.memory_space<vmem>>)
      %dma_wait3A_1806 = arith.constant 1 : i32
      %dma_wait3A_1807 = arith.constant 14 : i32
      %dma_wait3A_1808 = arith.constant 0 : i32
      %dma_wait3A_1809 = arith.constant 0 : i32
      %dma_wait3A_1810 = tpu.memref_slice %arg6[%dma_wait3A_1806, %dma_wait3A_1808, %dma_wait3A_1809] : memref<4x80x128xf32, #tpu.memory_space<vmem>> -> memref<1x80x128xf32, #tpu.memory_space<vmem>>
      %dma_wait3A_1811 = tpu.memref_squeeze %dma_wait3A_1810 : memref<1x80x128xf32, #tpu.memory_space<vmem>> -> memref<80x128xf32, #tpu.memory_space<vmem>>
      %dma_wait3A_1812 = arith.constant 0 : i32
      %dma_wait3A_1813 = tpu.memref_slice %arg5[%rem3A_867, %dma_wait3A_1807, %dma_wait3A_1812] : memref<2x16x80xi32, #tpu.memory_space<vmem>> -> memref<1x1x80xi32, #tpu.memory_space<vmem>>
      %dma_wait3A_1814 = tpu.memref_squeeze %dma_wait3A_1813 : memref<1x1x80xi32, #tpu.memory_space<vmem>> -> memref<80xi32, #tpu.memory_space<vmem>>
      %dma_wait3A_1815 = arith.constant 0 : i32
      %dma_wait3A_1816 = arith.constant 0 : i32
      %dma_wait3A_1817 = tpu.memref_slice %arg7[%dma_wait3A_1815, %dma_wait3A_1816] : memref<10000x128xf32, #tpu.memory_space<vmem_shared>> -> memref<10000x128xf32, #tpu.memory_space<vmem_shared>>
      tpu.wait_indirect_dma semaphore(%arg14 : memref<!tpu.dma_semaphore, #tpu.memory_space<semaphore_mem>>) src(%dma_wait3A_1811 : memref<80x128xf32, #tpu.memory_space<vmem>>) dst(%dma_wait3A_1817 : memref<10000x128xf32, #tpu.memory_space<vmem_shared>>)
      %add3A_1818 = arith.constant 3 : i32
      %add3A_1819 = arith.addi %add3A_1788, %add3A_1818 : i32
      %dma_start3A_1820 = arith.constant 1 : i32
      %dma_start3A_1821 = arith.constant 0 : i32
      %dma_start3A_1822 = arith.constant 0 : i32
      %dma_start3A_1823 = tpu.memref_slice %arg6[%dma_start3A_1820, %dma_start3A_1821, %dma_start3A_1822] : memref<4x80x128xf32, #tpu.memory_space<vmem>> -> memref<1x80x128xf32, #tpu.memory_space<vmem>>
      %dma_start3A_1824 = tpu.memref_squeeze %dma_start3A_1823 : memref<1x80x128xf32, #tpu.memory_space<vmem>> -> memref<80x128xf32, #tpu.memory_space<vmem>>
      %dma_start3A_1825 = arith.constant 0 : i32
      %dma_start3A_1826 = arith.constant 0 : i32
      %dma_start3A_1827 = tpu.memref_slice %arg2[%add3A, %add3A_1819, %dma_start3A_1825, %dma_start3A_1826] : memref<32x125x80x128xf32, #tpu.memory_space<hbm>> -> memref<1x1x80x128xf32, #tpu.memory_space<hbm>>
      %dma_start3A_1828 = tpu.memref_squeeze %dma_start3A_1827 : memref<1x1x80x128xf32, #tpu.memory_space<hbm>> -> memref<80x128xf32, #tpu.memory_space<hbm>>
      %dma_start3A_1829 = arith.constant 0 : i32
      %dma_start3A_1830 = arith.constant 0 : i32
      %dma_start3A_1831 = tpu.memref_slice %arg6[%dma_start3A_1820, %dma_start3A_1829, %dma_start3A_1830] : memref<4x80x128xf32, #tpu.memory_space<vmem>> -> memref<1x80x128xf32, #tpu.memory_space<vmem>>
      %dma_start3A_1832 = tpu.memref_squeeze %dma_start3A_1831 : memref<1x80x128xf32, #tpu.memory_space<vmem>> -> memref<80x128xf32, #tpu.memory_space<vmem>>
      %dma_start3A_1833 = arith.constant 0 : i32
      %dma_start3A_1834 = arith.constant 0 : i32
      %dma_start3A_1835 = tpu.memref_slice %arg2[%add3A, %add3A_1819, %dma_start3A_1833, %dma_start3A_1834] : memref<32x125x80x128xf32, #tpu.memory_space<hbm>> -> memref<1x1x80x128xf32, #tpu.memory_space<hbm>>
      %dma_start3A_1836 = tpu.memref_squeeze %dma_start3A_1835 : memref<1x1x80x128xf32, #tpu.memory_space<hbm>> -> memref<80x128xf32, #tpu.memory_space<hbm>>
      tpu.enqueue_dma source(%dma_start3A_1836 : memref<80x128xf32, #tpu.memory_space<hbm>>) target(%dma_start3A_1832 : memref<80x128xf32, #tpu.memory_space<vmem>>) target_semaphore(%arg9 : memref<!tpu.dma_semaphore, #tpu.memory_space<semaphore_mem>>)
      %dma_start3A_1837 = arith.constant 2 : i32
      %dma_start3A_1838 = arith.constant 14 : i32
      %dma_start3A_1839 = arith.constant 0 : i32
      %dma_start3A_1840 = arith.constant 0 : i32
      %dma_start3A_1841 = tpu.memref_slice %arg6[%dma_start3A_1837, %dma_start3A_1839, %dma_start3A_1840] : memref<4x80x128xf32, #tpu.memory_space<vmem>> -> memref<1x80x128xf32, #tpu.memory_space<vmem>>
      %dma_start3A_1842 = tpu.memref_squeeze %dma_start3A_1841 : memref<1x80x128xf32, #tpu.memory_space<vmem>> -> memref<80x128xf32, #tpu.memory_space<vmem>>
      %dma_start3A_1843 = arith.constant 0 : i32
      %dma_start3A_1844 = tpu.memref_slice %arg5[%rem3A_867, %dma_start3A_1838, %dma_start3A_1843] : memref<2x16x80xi32, #tpu.memory_space<vmem>> -> memref<1x1x80xi32, #tpu.memory_space<vmem>>
      %dma_start3A_1845 = tpu.memref_squeeze %dma_start3A_1844 : memref<1x1x80xi32, #tpu.memory_space<vmem>> -> memref<80xi32, #tpu.memory_space<vmem>>
      %dma_start3A_1846 = arith.constant 0 : i32
      %dma_start3A_1847 = arith.constant 0 : i32
      %dma_start3A_1848 = tpu.memref_slice %arg7[%dma_start3A_1846, %dma_start3A_1847] : memref<10000x128xf32, #tpu.memory_space<vmem_shared>> -> memref<10000x128xf32, #tpu.memory_space<vmem_shared>>
      tpu.enqueue_indirect_dma source(%dma_start3A_1842 : memref<80x128xf32, #tpu.memory_space<vmem>>) target(%dma_start3A_1848 : memref<10000x128xf32, #tpu.memory_space<vmem_shared>>) offsets(%dma_start3A_1845 : memref<80xi32, #tpu.memory_space<vmem>>) semaphore(%arg15 : memref<!tpu.dma_semaphore, #tpu.memory_space<semaphore_mem>>) {add = true}
      %mul3A_1849 = arith.constant 16 : i32
      %mul3A_1850 = arith.muli %scan3A_866, %mul3A_1849 : i32
      %add3A_1851 = arith.constant 15 : i32
      %add3A_1852 = arith.addi %mul3A_1850, %add3A_1851 : i32
      %dma_wait3A_1853 = arith.constant 3 : i32
      %dma_wait3A_1854 = arith.constant 0 : i32
      %dma_wait3A_1855 = arith.constant 0 : i32
      %dma_wait3A_1856 = tpu.memref_slice %arg6[%dma_wait3A_1853, %dma_wait3A_1854, %dma_wait3A_1855] : memref<4x80x128xf32, #tpu.memory_space<vmem>> -> memref<1x80x128xf32, #tpu.memory_space<vmem>>
      %dma_wait3A_1857 = tpu.memref_squeeze %dma_wait3A_1856 : memref<1x80x128xf32, #tpu.memory_space<vmem>> -> memref<80x128xf32, #tpu.memory_space<vmem>>
      %dma_wait3A_1858 = arith.constant 0 : i32
      %dma_wait3A_1859 = arith.constant 0 : i32
      %dma_wait3A_1860 = tpu.memref_slice %arg2[%add3A, %add3A_1852, %dma_wait3A_1858, %dma_wait3A_1859] : memref<32x125x80x128xf32, #tpu.memory_space<hbm>> -> memref<1x1x80x128xf32, #tpu.memory_space<hbm>>
      %dma_wait3A_1861 = tpu.memref_squeeze %dma_wait3A_1860 : memref<1x1x80x128xf32, #tpu.memory_space<hbm>> -> memref<80x128xf32, #tpu.memory_space<hbm>>
      %dma_wait3A_1862 = arith.constant 0 : i32
      %dma_wait3A_1863 = arith.constant 0 : i32
      %dma_wait3A_1864 = tpu.memref_slice %arg6[%dma_wait3A_1853, %dma_wait3A_1862, %dma_wait3A_1863] : memref<4x80x128xf32, #tpu.memory_space<vmem>> -> memref<1x80x128xf32, #tpu.memory_space<vmem>>
      %dma_wait3A_1865 = tpu.memref_squeeze %dma_wait3A_1864 : memref<1x80x128xf32, #tpu.memory_space<vmem>> -> memref<80x128xf32, #tpu.memory_space<vmem>>
      %dma_wait3A_1866 = arith.constant 0 : i32
      %dma_wait3A_1867 = arith.constant 0 : i32
      %dma_wait3A_1868 = tpu.memref_slice %arg2[%add3A, %add3A_1852, %dma_wait3A_1866, %dma_wait3A_1867] : memref<32x125x80x128xf32, #tpu.memory_space<hbm>> -> memref<1x1x80x128xf32, #tpu.memory_space<hbm>>
      %dma_wait3A_1869 = tpu.memref_squeeze %dma_wait3A_1868 : memref<1x1x80x128xf32, #tpu.memory_space<hbm>> -> memref<80x128xf32, #tpu.memory_space<hbm>>
      tpu.wait_dma2 semaphore(%arg11 : memref<!tpu.dma_semaphore, #tpu.memory_space<semaphore_mem>>) src(%dma_wait3A_1869 : memref<80x128xf32, #tpu.memory_space<hbm>>) dst(%dma_wait3A_1865 : memref<80x128xf32, #tpu.memory_space<vmem>>)
      %dma_wait3A_1870 = arith.constant 2 : i32
      %dma_wait3A_1871 = arith.constant 15 : i32
      %dma_wait3A_1872 = arith.constant 0 : i32
      %dma_wait3A_1873 = arith.constant 0 : i32
      %dma_wait3A_1874 = tpu.memref_slice %arg6[%dma_wait3A_1870, %dma_wait3A_1872, %dma_wait3A_1873] : memref<4x80x128xf32, #tpu.memory_space<vmem>> -> memref<1x80x128xf32, #tpu.memory_space<vmem>>
      %dma_wait3A_1875 = tpu.memref_squeeze %dma_wait3A_1874 : memref<1x80x128xf32, #tpu.memory_space<vmem>> -> memref<80x128xf32, #tpu.memory_space<vmem>>
      %dma_wait3A_1876 = arith.constant 0 : i32
      %dma_wait3A_1877 = tpu.memref_slice %arg5[%rem3A_867, %dma_wait3A_1871, %dma_wait3A_1876] : memref<2x16x80xi32, #tpu.memory_space<vmem>> -> memref<1x1x80xi32, #tpu.memory_space<vmem>>
      %dma_wait3A_1878 = tpu.memref_squeeze %dma_wait3A_1877 : memref<1x1x80xi32, #tpu.memory_space<vmem>> -> memref<80xi32, #tpu.memory_space<vmem>>
      %dma_wait3A_1879 = arith.constant 0 : i32
      %dma_wait3A_1880 = arith.constant 0 : i32
      %dma_wait3A_1881 = tpu.memref_slice %arg7[%dma_wait3A_1879, %dma_wait3A_1880] : memref<10000x128xf32, #tpu.memory_space<vmem_shared>> -> memref<10000x128xf32, #tpu.memory_space<vmem_shared>>
      tpu.wait_indirect_dma semaphore(%arg15 : memref<!tpu.dma_semaphore, #tpu.memory_space<semaphore_mem>>) src(%dma_wait3A_1875 : memref<80x128xf32, #tpu.memory_space<vmem>>) dst(%dma_wait3A_1881 : memref<10000x128xf32, #tpu.memory_space<vmem_shared>>)
      %add3A_1882 = arith.constant 3 : i32
      %add3A_1883 = arith.addi %add3A_1852, %add3A_1882 : i32
      %dma_start3A_1884 = arith.constant 2 : i32
      %dma_start3A_1885 = arith.constant 0 : i32
      %dma_start3A_1886 = arith.constant 0 : i32
      %dma_start3A_1887 = tpu.memref_slice %arg6[%dma_start3A_1884, %dma_start3A_1885, %dma_start3A_1886] : memref<4x80x128xf32, #tpu.memory_space<vmem>> -> memref<1x80x128xf32, #tpu.memory_space<vmem>>
      %dma_start3A_1888 = tpu.memref_squeeze %dma_start3A_1887 : memref<1x80x128xf32, #tpu.memory_space<vmem>> -> memref<80x128xf32, #tpu.memory_space<vmem>>
      %dma_start3A_1889 = arith.constant 0 : i32
      %dma_start3A_1890 = arith.constant 0 : i32
      %dma_start3A_1891 = tpu.memref_slice %arg2[%add3A, %add3A_1883, %dma_start3A_1889, %dma_start3A_1890] : memref<32x125x80x128xf32, #tpu.memory_space<hbm>> -> memref<1x1x80x128xf32, #tpu.memory_space<hbm>>
      %dma_start3A_1892 = tpu.memref_squeeze %dma_start3A_1891 : memref<1x1x80x128xf32, #tpu.memory_space<hbm>> -> memref<80x128xf32, #tpu.memory_space<hbm>>
      %dma_start3A_1893 = arith.constant 0 : i32
      %dma_start3A_1894 = arith.constant 0 : i32
      %dma_start3A_1895 = tpu.memref_slice %arg6[%dma_start3A_1884, %dma_start3A_1893, %dma_start3A_1894] : memref<4x80x128xf32, #tpu.memory_space<vmem>> -> memref<1x80x128xf32, #tpu.memory_space<vmem>>
      %dma_start3A_1896 = tpu.memref_squeeze %dma_start3A_1895 : memref<1x80x128xf32, #tpu.memory_space<vmem>> -> memref<80x128xf32, #tpu.memory_space<vmem>>
      %dma_start3A_1897 = arith.constant 0 : i32
      %dma_start3A_1898 = arith.constant 0 : i32
      %dma_start3A_1899 = tpu.memref_slice %arg2[%add3A, %add3A_1883, %dma_start3A_1897, %dma_start3A_1898] : memref<32x125x80x128xf32, #tpu.memory_space<hbm>> -> memref<1x1x80x128xf32, #tpu.memory_space<hbm>>
      %dma_start3A_1900 = tpu.memref_squeeze %dma_start3A_1899 : memref<1x1x80x128xf32, #tpu.memory_space<hbm>> -> memref<80x128xf32, #tpu.memory_space<hbm>>
      tpu.enqueue_dma source(%dma_start3A_1900 : memref<80x128xf32, #tpu.memory_space<hbm>>) target(%dma_start3A_1896 : memref<80x128xf32, #tpu.memory_space<vmem>>) target_semaphore(%arg10 : memref<!tpu.dma_semaphore, #tpu.memory_space<semaphore_mem>>)
      %dma_start3A_1901 = arith.constant 3 : i32
      %dma_start3A_1902 = arith.constant 15 : i32
      %dma_start3A_1903 = arith.constant 0 : i32
      %dma_start3A_1904 = arith.constant 0 : i32
      %dma_start3A_1905 = tpu.memref_slice %arg6[%dma_start3A_1901, %dma_start3A_1903, %dma_start3A_1904] : memref<4x80x128xf32, #tpu.memory_space<vmem>> -> memref<1x80x128xf32, #tpu.memory_space<vmem>>
      %dma_start3A_1906 = tpu.memref_squeeze %dma_start3A_1905 : memref<1x80x128xf32, #tpu.memory_space<vmem>> -> memref<80x128xf32, #tpu.memory_space<vmem>>
      %dma_start3A_1907 = arith.constant 0 : i32
      %dma_start3A_1908 = tpu.memref_slice %arg5[%rem3A_867, %dma_start3A_1902, %dma_start3A_1907] : memref<2x16x80xi32, #tpu.memory_space<vmem>> -> memref<1x1x80xi32, #tpu.memory_space<vmem>>
      %dma_start3A_1909 = tpu.memref_squeeze %dma_start3A_1908 : memref<1x1x80xi32, #tpu.memory_space<vmem>> -> memref<80xi32, #tpu.memory_space<vmem>>
      %dma_start3A_1910 = arith.constant 0 : i32
      %dma_start3A_1911 = arith.constant 0 : i32
      %dma_start3A_1912 = tpu.memref_slice %arg7[%dma_start3A_1910, %dma_start3A_1911] : memref<10000x128xf32, #tpu.memory_space<vmem_shared>> -> memref<10000x128xf32, #tpu.memory_space<vmem_shared>>
      tpu.enqueue_indirect_dma source(%dma_start3A_1906 : memref<80x128xf32, #tpu.memory_space<vmem>>) target(%dma_start3A_1912 : memref<10000x128xf32, #tpu.memory_space<vmem_shared>>) offsets(%dma_start3A_1909 : memref<80xi32, #tpu.memory_space<vmem>>) semaphore(%arg16 : memref<!tpu.dma_semaphore, #tpu.memory_space<semaphore_mem>>) {add = true}
    }
    %scan3A_78 = arith.constant 7 : i32
    %dma_wait3A = arith.constant 1 : i32
    %dma_wait3A_79 = arith.constant 0 : i32
    %dma_wait3A_80 = arith.constant 0 : i32
    %dma_wait3A_81 = tpu.memref_slice %arg5[%dma_wait3A, %dma_wait3A_79, %dma_wait3A_80] : memref<2x16x80xi32, #tpu.memory_space<vmem>> -> memref<1x13x80xi32, #tpu.memory_space<vmem>>
    %dma_wait3A_82 = tpu.memref_squeeze %dma_wait3A_81 : memref<1x13x80xi32, #tpu.memory_space<vmem>> -> memref<13x80xi32, #tpu.memory_space<vmem>>
    %dma_wait3A_83 = arith.constant 112 : i32
    %dma_wait3A_84 = arith.constant 0 : i32
    %dma_wait3A_85 = tpu.memref_slice %arg3[%add3A, %dma_wait3A_83, %dma_wait3A_84] : memref<32x125x80xi32, #tpu.memory_space<hbm>> -> memref<1x13x80xi32, #tpu.memory_space<hbm>>
    %dma_wait3A_86 = tpu.memref_squeeze %dma_wait3A_85 : memref<1x13x80xi32, #tpu.memory_space<hbm>> -> memref<13x80xi32, #tpu.memory_space<hbm>>
    %dma_wait3A_87 = arith.constant 0 : i32
    %dma_wait3A_88 = arith.constant 0 : i32
    %dma_wait3A_89 = tpu.memref_slice %arg5[%dma_wait3A, %dma_wait3A_87, %dma_wait3A_88] : memref<2x16x80xi32, #tpu.memory_space<vmem>> -> memref<1x13x80xi32, #tpu.memory_space<vmem>>
    %dma_wait3A_90 = tpu.memref_squeeze %dma_wait3A_89 : memref<1x13x80xi32, #tpu.memory_space<vmem>> -> memref<13x80xi32, #tpu.memory_space<vmem>>
    %dma_wait3A_91 = arith.constant 112 : i32
    %dma_wait3A_92 = arith.constant 0 : i32
    %dma_wait3A_93 = tpu.memref_slice %arg3[%add3A, %dma_wait3A_91, %dma_wait3A_92] : memref<32x125x80xi32, #tpu.memory_space<hbm>> -> memref<1x13x80xi32, #tpu.memory_space<hbm>>
    %dma_wait3A_94 = tpu.memref_squeeze %dma_wait3A_93 : memref<1x13x80xi32, #tpu.memory_space<hbm>> -> memref<13x80xi32, #tpu.memory_space<hbm>>
    tpu.wait_dma2 semaphore(%arg12 : memref<!tpu.dma_semaphore, #tpu.memory_space<semaphore_mem>>) src(%dma_wait3A_94 : memref<13x80xi32, #tpu.memory_space<hbm>>) dst(%dma_wait3A_90 : memref<13x80xi32, #tpu.memory_space<vmem>>)
    %dma_wait3A_95 = arith.constant 112 : i32
    %dma_wait3A_96 = arith.constant 0 : i32
    %dma_wait3A_97 = arith.constant 0 : i32
    %dma_wait3A_98 = arith.constant 0 : i32
    %dma_wait3A_99 = tpu.memref_slice %arg6[%dma_wait3A_96, %dma_wait3A_97, %dma_wait3A_98] : memref<4x80x128xf32, #tpu.memory_space<vmem>> -> memref<1x80x128xf32, #tpu.memory_space<vmem>>
    %dma_wait3A_100 = tpu.memref_squeeze %dma_wait3A_99 : memref<1x80x128xf32, #tpu.memory_space<vmem>> -> memref<80x128xf32, #tpu.memory_space<vmem>>
    %dma_wait3A_101 = arith.constant 0 : i32
    %dma_wait3A_102 = arith.constant 0 : i32
    %dma_wait3A_103 = tpu.memref_slice %arg2[%add3A, %dma_wait3A_95, %dma_wait3A_101, %dma_wait3A_102] : memref<32x125x80x128xf32, #tpu.memory_space<hbm>> -> memref<1x1x80x128xf32, #tpu.memory_space<hbm>>
    %dma_wait3A_104 = tpu.memref_squeeze %dma_wait3A_103 : memref<1x1x80x128xf32, #tpu.memory_space<hbm>> -> memref<80x128xf32, #tpu.memory_space<hbm>>
    %dma_wait3A_105 = arith.constant 0 : i32
    %dma_wait3A_106 = arith.constant 0 : i32
    %dma_wait3A_107 = tpu.memref_slice %arg6[%dma_wait3A_96, %dma_wait3A_105, %dma_wait3A_106] : memref<4x80x128xf32, #tpu.memory_space<vmem>> -> memref<1x80x128xf32, #tpu.memory_space<vmem>>
    %dma_wait3A_108 = tpu.memref_squeeze %dma_wait3A_107 : memref<1x80x128xf32, #tpu.memory_space<vmem>> -> memref<80x128xf32, #tpu.memory_space<vmem>>
    %dma_wait3A_109 = arith.constant 0 : i32
    %dma_wait3A_110 = arith.constant 0 : i32
    %dma_wait3A_111 = tpu.memref_slice %arg2[%add3A, %dma_wait3A_95, %dma_wait3A_109, %dma_wait3A_110] : memref<32x125x80x128xf32, #tpu.memory_space<hbm>> -> memref<1x1x80x128xf32, #tpu.memory_space<hbm>>
    %dma_wait3A_112 = tpu.memref_squeeze %dma_wait3A_111 : memref<1x1x80x128xf32, #tpu.memory_space<hbm>> -> memref<80x128xf32, #tpu.memory_space<hbm>>
    tpu.wait_dma2 semaphore(%arg8 : memref<!tpu.dma_semaphore, #tpu.memory_space<semaphore_mem>>) src(%dma_wait3A_112 : memref<80x128xf32, #tpu.memory_space<hbm>>) dst(%dma_wait3A_108 : memref<80x128xf32, #tpu.memory_space<vmem>>)
    %dma_wait3A_113 = arith.constant 3 : i32
    %dma_wait3A_114 = arith.constant 1 : i32
    %dma_wait3A_115 = arith.constant 0 : i32
    %dma_wait3A_116 = arith.constant 0 : i32
    %dma_wait3A_117 = arith.constant 0 : i32
    %dma_wait3A_118 = tpu.memref_slice %arg6[%dma_wait3A_113, %dma_wait3A_116, %dma_wait3A_117] : memref<4x80x128xf32, #tpu.memory_space<vmem>> -> memref<1x80x128xf32, #tpu.memory_space<vmem>>
    %dma_wait3A_119 = tpu.memref_squeeze %dma_wait3A_118 : memref<1x80x128xf32, #tpu.memory_space<vmem>> -> memref<80x128xf32, #tpu.memory_space<vmem>>
    %dma_wait3A_120 = arith.constant 0 : i32
    %dma_wait3A_121 = tpu.memref_slice %arg5[%dma_wait3A_114, %dma_wait3A_115, %dma_wait3A_120] : memref<2x16x80xi32, #tpu.memory_space<vmem>> -> memref<1x1x80xi32, #tpu.memory_space<vmem>>
    %dma_wait3A_122 = tpu.memref_squeeze %dma_wait3A_121 : memref<1x1x80xi32, #tpu.memory_space<vmem>> -> memref<80xi32, #tpu.memory_space<vmem>>
    %dma_wait3A_123 = arith.constant 0 : i32
    %dma_wait3A_124 = arith.constant 0 : i32
    %dma_wait3A_125 = tpu.memref_slice %arg7[%dma_wait3A_123, %dma_wait3A_124] : memref<10000x128xf32, #tpu.memory_space<vmem_shared>> -> memref<10000x128xf32, #tpu.memory_space<vmem_shared>>
    tpu.wait_indirect_dma semaphore(%arg16 : memref<!tpu.dma_semaphore, #tpu.memory_space<semaphore_mem>>) src(%dma_wait3A_119 : memref<80x128xf32, #tpu.memory_space<vmem>>) dst(%dma_wait3A_125 : memref<10000x128xf32, #tpu.memory_space<vmem_shared>>)
    %dma_start3A_126 = arith.constant 115 : i32
    %dma_start3A_127 = arith.constant 3 : i32
    %dma_start3A_128 = arith.constant 0 : i32
    %dma_start3A_129 = arith.constant 0 : i32
    %dma_start3A_130 = tpu.memref_slice %arg6[%dma_start3A_127, %dma_start3A_128, %dma_start3A_129] : memref<4x80x128xf32, #tpu.memory_space<vmem>> -> memref<1x80x128xf32, #tpu.memory_space<vmem>>
    %dma_start3A_131 = tpu.memref_squeeze %dma_start3A_130 : memref<1x80x128xf32, #tpu.memory_space<vmem>> -> memref<80x128xf32, #tpu.memory_space<vmem>>
    %dma_start3A_132 = arith.constant 0 : i32
    %dma_start3A_133 = arith.constant 0 : i32
    %dma_start3A_134 = tpu.memref_slice %arg2[%add3A, %dma_start3A_126, %dma_start3A_132, %dma_start3A_133] : memref<32x125x80x128xf32, #tpu.memory_space<hbm>> -> memref<1x1x80x128xf32, #tpu.memory_space<hbm>>
    %dma_start3A_135 = tpu.memref_squeeze %dma_start3A_134 : memref<1x1x80x128xf32, #tpu.memory_space<hbm>> -> memref<80x128xf32, #tpu.memory_space<hbm>>
    %dma_start3A_136 = arith.constant 0 : i32
    %dma_start3A_137 = arith.constant 0 : i32
    %dma_start3A_138 = tpu.memref_slice %arg6[%dma_start3A_127, %dma_start3A_136, %dma_start3A_137] : memref<4x80x128xf32, #tpu.memory_space<vmem>> -> memref<1x80x128xf32, #tpu.memory_space<vmem>>
    %dma_start3A_139 = tpu.memref_squeeze %dma_start3A_138 : memref<1x80x128xf32, #tpu.memory_space<vmem>> -> memref<80x128xf32, #tpu.memory_space<vmem>>
    %dma_start3A_140 = arith.constant 0 : i32
    %dma_start3A_141 = arith.constant 0 : i32
    %dma_start3A_142 = tpu.memref_slice %arg2[%add3A, %dma_start3A_126, %dma_start3A_140, %dma_start3A_141] : memref<32x125x80x128xf32, #tpu.memory_space<hbm>> -> memref<1x1x80x128xf32, #tpu.memory_space<hbm>>
    %dma_start3A_143 = tpu.memref_squeeze %dma_start3A_142 : memref<1x1x80x128xf32, #tpu.memory_space<hbm>> -> memref<80x128xf32, #tpu.memory_space<hbm>>
    tpu.enqueue_dma source(%dma_start3A_143 : memref<80x128xf32, #tpu.memory_space<hbm>>) target(%dma_start3A_139 : memref<80x128xf32, #tpu.memory_space<vmem>>) target_semaphore(%arg11 : memref<!tpu.dma_semaphore, #tpu.memory_space<semaphore_mem>>)
    %dma_start3A_144 = arith.constant 0 : i32
    %dma_start3A_145 = arith.constant 1 : i32
    %dma_start3A_146 = arith.constant 0 : i32
    %dma_start3A_147 = arith.constant 0 : i32
    %dma_start3A_148 = arith.constant 0 : i32
    %dma_start3A_149 = tpu.memref_slice %arg6[%dma_start3A_144, %dma_start3A_147, %dma_start3A_148] : memref<4x80x128xf32, #tpu.memory_space<vmem>> -> memref<1x80x128xf32, #tpu.memory_space<vmem>>
    %dma_start3A_150 = tpu.memref_squeeze %dma_start3A_149 : memref<1x80x128xf32, #tpu.memory_space<vmem>> -> memref<80x128xf32, #tpu.memory_space<vmem>>
    %dma_start3A_151 = arith.constant 0 : i32
    %dma_start3A_152 = tpu.memref_slice %arg5[%dma_start3A_145, %dma_start3A_146, %dma_start3A_151] : memref<2x16x80xi32, #tpu.memory_space<vmem>> -> memref<1x1x80xi32, #tpu.memory_space<vmem>>
    %dma_start3A_153 = tpu.memref_squeeze %dma_start3A_152 : memref<1x1x80xi32, #tpu.memory_space<vmem>> -> memref<80xi32, #tpu.memory_space<vmem>>
    %dma_start3A_154 = arith.constant 0 : i32
    %dma_start3A_155 = arith.constant 0 : i32
    %dma_start3A_156 = tpu.memref_slice %arg7[%dma_start3A_154, %dma_start3A_155] : memref<10000x128xf32, #tpu.memory_space<vmem_shared>> -> memref<10000x128xf32, #tpu.memory_space<vmem_shared>>
    tpu.enqueue_indirect_dma source(%dma_start3A_150 : memref<80x128xf32, #tpu.memory_space<vmem>>) target(%dma_start3A_156 : memref<10000x128xf32, #tpu.memory_space<vmem_shared>>) offsets(%dma_start3A_153 : memref<80xi32, #tpu.memory_space<vmem>>) semaphore(%arg13 : memref<!tpu.dma_semaphore, #tpu.memory_space<semaphore_mem>>) {add = true}
    %dma_wait3A_157 = arith.constant 113 : i32
    %dma_wait3A_158 = arith.constant 1 : i32
    %dma_wait3A_159 = arith.constant 0 : i32
    %dma_wait3A_160 = arith.constant 0 : i32
    %dma_wait3A_161 = tpu.memref_slice %arg6[%dma_wait3A_158, %dma_wait3A_159, %dma_wait3A_160] : memref<4x80x128xf32, #tpu.memory_space<vmem>> -> memref<1x80x128xf32, #tpu.memory_space<vmem>>
    %dma_wait3A_162 = tpu.memref_squeeze %dma_wait3A_161 : memref<1x80x128xf32, #tpu.memory_space<vmem>> -> memref<80x128xf32, #tpu.memory_space<vmem>>
    %dma_wait3A_163 = arith.constant 0 : i32
    %dma_wait3A_164 = arith.constant 0 : i32
    %dma_wait3A_165 = tpu.memref_slice %arg2[%add3A, %dma_wait3A_157, %dma_wait3A_163, %dma_wait3A_164] : memref<32x125x80x128xf32, #tpu.memory_space<hbm>> -> memref<1x1x80x128xf32, #tpu.memory_space<hbm>>
    %dma_wait3A_166 = tpu.memref_squeeze %dma_wait3A_165 : memref<1x1x80x128xf32, #tpu.memory_space<hbm>> -> memref<80x128xf32, #tpu.memory_space<hbm>>
    %dma_wait3A_167 = arith.constant 0 : i32
    %dma_wait3A_168 = arith.constant 0 : i32
    %dma_wait3A_169 = tpu.memref_slice %arg6[%dma_wait3A_158, %dma_wait3A_167, %dma_wait3A_168] : memref<4x80x128xf32, #tpu.memory_space<vmem>> -> memref<1x80x128xf32, #tpu.memory_space<vmem>>
    %dma_wait3A_170 = tpu.memref_squeeze %dma_wait3A_169 : memref<1x80x128xf32, #tpu.memory_space<vmem>> -> memref<80x128xf32, #tpu.memory_space<vmem>>
    %dma_wait3A_171 = arith.constant 0 : i32
    %dma_wait3A_172 = arith.constant 0 : i32
    %dma_wait3A_173 = tpu.memref_slice %arg2[%add3A, %dma_wait3A_157, %dma_wait3A_171, %dma_wait3A_172] : memref<32x125x80x128xf32, #tpu.memory_space<hbm>> -> memref<1x1x80x128xf32, #tpu.memory_space<hbm>>
    %dma_wait3A_174 = tpu.memref_squeeze %dma_wait3A_173 : memref<1x1x80x128xf32, #tpu.memory_space<hbm>> -> memref<80x128xf32, #tpu.memory_space<hbm>>
    tpu.wait_dma2 semaphore(%arg9 : memref<!tpu.dma_semaphore, #tpu.memory_space<semaphore_mem>>) src(%dma_wait3A_174 : memref<80x128xf32, #tpu.memory_space<hbm>>) dst(%dma_wait3A_170 : memref<80x128xf32, #tpu.memory_space<vmem>>)
    %dma_wait3A_175 = arith.constant 0 : i32
    %dma_wait3A_176 = arith.constant 1 : i32
    %dma_wait3A_177 = arith.constant 1 : i32
    %dma_wait3A_178 = arith.constant 0 : i32
    %dma_wait3A_179 = arith.constant 0 : i32
    %dma_wait3A_180 = tpu.memref_slice %arg6[%dma_wait3A_175, %dma_wait3A_178, %dma_wait3A_179] : memref<4x80x128xf32, #tpu.memory_space<vmem>> -> memref<1x80x128xf32, #tpu.memory_space<vmem>>
    %dma_wait3A_181 = tpu.memref_squeeze %dma_wait3A_180 : memref<1x80x128xf32, #tpu.memory_space<vmem>> -> memref<80x128xf32, #tpu.memory_space<vmem>>
    %dma_wait3A_182 = arith.constant 0 : i32
    %dma_wait3A_183 = tpu.memref_slice %arg5[%dma_wait3A_176, %dma_wait3A_177, %dma_wait3A_182] : memref<2x16x80xi32, #tpu.memory_space<vmem>> -> memref<1x1x80xi32, #tpu.memory_space<vmem>>
    %dma_wait3A_184 = tpu.memref_squeeze %dma_wait3A_183 : memref<1x1x80xi32, #tpu.memory_space<vmem>> -> memref<80xi32, #tpu.memory_space<vmem>>
    %dma_wait3A_185 = arith.constant 0 : i32
    %dma_wait3A_186 = arith.constant 0 : i32
    %dma_wait3A_187 = tpu.memref_slice %arg7[%dma_wait3A_185, %dma_wait3A_186] : memref<10000x128xf32, #tpu.memory_space<vmem_shared>> -> memref<10000x128xf32, #tpu.memory_space<vmem_shared>>
    tpu.wait_indirect_dma semaphore(%arg13 : memref<!tpu.dma_semaphore, #tpu.memory_space<semaphore_mem>>) src(%dma_wait3A_181 : memref<80x128xf32, #tpu.memory_space<vmem>>) dst(%dma_wait3A_187 : memref<10000x128xf32, #tpu.memory_space<vmem_shared>>)
    %dma_start3A_188 = arith.constant 116 : i32
    %dma_start3A_189 = arith.constant 0 : i32
    %dma_start3A_190 = arith.constant 0 : i32
    %dma_start3A_191 = arith.constant 0 : i32
    %dma_start3A_192 = tpu.memref_slice %arg6[%dma_start3A_189, %dma_start3A_190, %dma_start3A_191] : memref<4x80x128xf32, #tpu.memory_space<vmem>> -> memref<1x80x128xf32, #tpu.memory_space<vmem>>
    %dma_start3A_193 = tpu.memref_squeeze %dma_start3A_192 : memref<1x80x128xf32, #tpu.memory_space<vmem>> -> memref<80x128xf32, #tpu.memory_space<vmem>>
    %dma_start3A_194 = arith.constant 0 : i32
    %dma_start3A_195 = arith.constant 0 : i32
    %dma_start3A_196 = tpu.memref_slice %arg2[%add3A, %dma_start3A_188, %dma_start3A_194, %dma_start3A_195] : memref<32x125x80x128xf32, #tpu.memory_space<hbm>> -> memref<1x1x80x128xf32, #tpu.memory_space<hbm>>
    %dma_start3A_197 = tpu.memref_squeeze %dma_start3A_196 : memref<1x1x80x128xf32, #tpu.memory_space<hbm>> -> memref<80x128xf32, #tpu.memory_space<hbm>>
    %dma_start3A_198 = arith.constant 0 : i32
    %dma_start3A_199 = arith.constant 0 : i32
    %dma_start3A_200 = tpu.memref_slice %arg6[%dma_start3A_189, %dma_start3A_198, %dma_start3A_199] : memref<4x80x128xf32, #tpu.memory_space<vmem>> -> memref<1x80x128xf32, #tpu.memory_space<vmem>>
    %dma_start3A_201 = tpu.memref_squeeze %dma_start3A_200 : memref<1x80x128xf32, #tpu.memory_space<vmem>> -> memref<80x128xf32, #tpu.memory_space<vmem>>
    %dma_start3A_202 = arith.constant 0 : i32
    %dma_start3A_203 = arith.constant 0 : i32
    %dma_start3A_204 = tpu.memref_slice %arg2[%add3A, %dma_start3A_188, %dma_start3A_202, %dma_start3A_203] : memref<32x125x80x128xf32, #tpu.memory_space<hbm>> -> memref<1x1x80x128xf32, #tpu.memory_space<hbm>>
    %dma_start3A_205 = tpu.memref_squeeze %dma_start3A_204 : memref<1x1x80x128xf32, #tpu.memory_space<hbm>> -> memref<80x128xf32, #tpu.memory_space<hbm>>
    tpu.enqueue_dma source(%dma_start3A_205 : memref<80x128xf32, #tpu.memory_space<hbm>>) target(%dma_start3A_201 : memref<80x128xf32, #tpu.memory_space<vmem>>) target_semaphore(%arg8 : memref<!tpu.dma_semaphore, #tpu.memory_space<semaphore_mem>>)
    %dma_start3A_206 = arith.constant 1 : i32
    %dma_start3A_207 = arith.constant 1 : i32
    %dma_start3A_208 = arith.constant 1 : i32
    %dma_start3A_209 = arith.constant 0 : i32
    %dma_start3A_210 = arith.constant 0 : i32
    %dma_start3A_211 = tpu.memref_slice %arg6[%dma_start3A_206, %dma_start3A_209, %dma_start3A_210] : memref<4x80x128xf32, #tpu.memory_space<vmem>> -> memref<1x80x128xf32, #tpu.memory_space<vmem>>
    %dma_start3A_212 = tpu.memref_squeeze %dma_start3A_211 : memref<1x80x128xf32, #tpu.memory_space<vmem>> -> memref<80x128xf32, #tpu.memory_space<vmem>>
    %dma_start3A_213 = arith.constant 0 : i32
    %dma_start3A_214 = tpu.memref_slice %arg5[%dma_start3A_207, %dma_start3A_208, %dma_start3A_213] : memref<2x16x80xi32, #tpu.memory_space<vmem>> -> memref<1x1x80xi32, #tpu.memory_space<vmem>>
    %dma_start3A_215 = tpu.memref_squeeze %dma_start3A_214 : memref<1x1x80xi32, #tpu.memory_space<vmem>> -> memref<80xi32, #tpu.memory_space<vmem>>
    %dma_start3A_216 = arith.constant 0 : i32
    %dma_start3A_217 = arith.constant 0 : i32
    %dma_start3A_218 = tpu.memref_slice %arg7[%dma_start3A_216, %dma_start3A_217] : memref<10000x128xf32, #tpu.memory_space<vmem_shared>> -> memref<10000x128xf32, #tpu.memory_space<vmem_shared>>
    tpu.enqueue_indirect_dma source(%dma_start3A_212 : memref<80x128xf32, #tpu.memory_space<vmem>>) target(%dma_start3A_218 : memref<10000x128xf32, #tpu.memory_space<vmem_shared>>) offsets(%dma_start3A_215 : memref<80xi32, #tpu.memory_space<vmem>>) semaphore(%arg14 : memref<!tpu.dma_semaphore, #tpu.memory_space<semaphore_mem>>) {add = true}
    %dma_wait3A_219 = arith.constant 114 : i32
    %dma_wait3A_220 = arith.constant 2 : i32
    %dma_wait3A_221 = arith.constant 0 : i32
    %dma_wait3A_222 = arith.constant 0 : i32
    %dma_wait3A_223 = tpu.memref_slice %arg6[%dma_wait3A_220, %dma_wait3A_221, %dma_wait3A_222] : memref<4x80x128xf32, #tpu.memory_space<vmem>> -> memref<1x80x128xf32, #tpu.memory_space<vmem>>
    %dma_wait3A_224 = tpu.memref_squeeze %dma_wait3A_223 : memref<1x80x128xf32, #tpu.memory_space<vmem>> -> memref<80x128xf32, #tpu.memory_space<vmem>>
    %dma_wait3A_225 = arith.constant 0 : i32
    %dma_wait3A_226 = arith.constant 0 : i32
    %dma_wait3A_227 = tpu.memref_slice %arg2[%add3A, %dma_wait3A_219, %dma_wait3A_225, %dma_wait3A_226] : memref<32x125x80x128xf32, #tpu.memory_space<hbm>> -> memref<1x1x80x128xf32, #tpu.memory_space<hbm>>
    %dma_wait3A_228 = tpu.memref_squeeze %dma_wait3A_227 : memref<1x1x80x128xf32, #tpu.memory_space<hbm>> -> memref<80x128xf32, #tpu.memory_space<hbm>>
    %dma_wait3A_229 = arith.constant 0 : i32
    %dma_wait3A_230 = arith.constant 0 : i32
    %dma_wait3A_231 = tpu.memref_slice %arg6[%dma_wait3A_220, %dma_wait3A_229, %dma_wait3A_230] : memref<4x80x128xf32, #tpu.memory_space<vmem>> -> memref<1x80x128xf32, #tpu.memory_space<vmem>>
    %dma_wait3A_232 = tpu.memref_squeeze %dma_wait3A_231 : memref<1x80x128xf32, #tpu.memory_space<vmem>> -> memref<80x128xf32, #tpu.memory_space<vmem>>
    %dma_wait3A_233 = arith.constant 0 : i32
    %dma_wait3A_234 = arith.constant 0 : i32
    %dma_wait3A_235 = tpu.memref_slice %arg2[%add3A, %dma_wait3A_219, %dma_wait3A_233, %dma_wait3A_234] : memref<32x125x80x128xf32, #tpu.memory_space<hbm>> -> memref<1x1x80x128xf32, #tpu.memory_space<hbm>>
    %dma_wait3A_236 = tpu.memref_squeeze %dma_wait3A_235 : memref<1x1x80x128xf32, #tpu.memory_space<hbm>> -> memref<80x128xf32, #tpu.memory_space<hbm>>
    tpu.wait_dma2 semaphore(%arg10 : memref<!tpu.dma_semaphore, #tpu.memory_space<semaphore_mem>>) src(%dma_wait3A_236 : memref<80x128xf32, #tpu.memory_space<hbm>>) dst(%dma_wait3A_232 : memref<80x128xf32, #tpu.memory_space<vmem>>)
    %dma_wait3A_237 = arith.constant 1 : i32
    %dma_wait3A_238 = arith.constant 1 : i32
    %dma_wait3A_239 = arith.constant 2 : i32
    %dma_wait3A_240 = arith.constant 0 : i32
    %dma_wait3A_241 = arith.constant 0 : i32
    %dma_wait3A_242 = tpu.memref_slice %arg6[%dma_wait3A_237, %dma_wait3A_240, %dma_wait3A_241] : memref<4x80x128xf32, #tpu.memory_space<vmem>> -> memref<1x80x128xf32, #tpu.memory_space<vmem>>
    %dma_wait3A_243 = tpu.memref_squeeze %dma_wait3A_242 : memref<1x80x128xf32, #tpu.memory_space<vmem>> -> memref<80x128xf32, #tpu.memory_space<vmem>>
    %dma_wait3A_244 = arith.constant 0 : i32
    %dma_wait3A_245 = tpu.memref_slice %arg5[%dma_wait3A_238, %dma_wait3A_239, %dma_wait3A_244] : memref<2x16x80xi32, #tpu.memory_space<vmem>> -> memref<1x1x80xi32, #tpu.memory_space<vmem>>
    %dma_wait3A_246 = tpu.memref_squeeze %dma_wait3A_245 : memref<1x1x80xi32, #tpu.memory_space<vmem>> -> memref<80xi32, #tpu.memory_space<vmem>>
    %dma_wait3A_247 = arith.constant 0 : i32
    %dma_wait3A_248 = arith.constant 0 : i32
    %dma_wait3A_249 = tpu.memref_slice %arg7[%dma_wait3A_247, %dma_wait3A_248] : memref<10000x128xf32, #tpu.memory_space<vmem_shared>> -> memref<10000x128xf32, #tpu.memory_space<vmem_shared>>
    tpu.wait_indirect_dma semaphore(%arg14 : memref<!tpu.dma_semaphore, #tpu.memory_space<semaphore_mem>>) src(%dma_wait3A_243 : memref<80x128xf32, #tpu.memory_space<vmem>>) dst(%dma_wait3A_249 : memref<10000x128xf32, #tpu.memory_space<vmem_shared>>)
    %dma_start3A_250 = arith.constant 117 : i32
    %dma_start3A_251 = arith.constant 1 : i32
    %dma_start3A_252 = arith.constant 0 : i32
    %dma_start3A_253 = arith.constant 0 : i32
    %dma_start3A_254 = tpu.memref_slice %arg6[%dma_start3A_251, %dma_start3A_252, %dma_start3A_253] : memref<4x80x128xf32, #tpu.memory_space<vmem>> -> memref<1x80x128xf32, #tpu.memory_space<vmem>>
    %dma_start3A_255 = tpu.memref_squeeze %dma_start3A_254 : memref<1x80x128xf32, #tpu.memory_space<vmem>> -> memref<80x128xf32, #tpu.memory_space<vmem>>
    %dma_start3A_256 = arith.constant 0 : i32
    %dma_start3A_257 = arith.constant 0 : i32
    %dma_start3A_258 = tpu.memref_slice %arg2[%add3A, %dma_start3A_250, %dma_start3A_256, %dma_start3A_257] : memref<32x125x80x128xf32, #tpu.memory_space<hbm>> -> memref<1x1x80x128xf32, #tpu.memory_space<hbm>>
    %dma_start3A_259 = tpu.memref_squeeze %dma_start3A_258 : memref<1x1x80x128xf32, #tpu.memory_space<hbm>> -> memref<80x128xf32, #tpu.memory_space<hbm>>
    %dma_start3A_260 = arith.constant 0 : i32
    %dma_start3A_261 = arith.constant 0 : i32
    %dma_start3A_262 = tpu.memref_slice %arg6[%dma_start3A_251, %dma_start3A_260, %dma_start3A_261] : memref<4x80x128xf32, #tpu.memory_space<vmem>> -> memref<1x80x128xf32, #tpu.memory_space<vmem>>
    %dma_start3A_263 = tpu.memref_squeeze %dma_start3A_262 : memref<1x80x128xf32, #tpu.memory_space<vmem>> -> memref<80x128xf32, #tpu.memory_space<vmem>>
    %dma_start3A_264 = arith.constant 0 : i32
    %dma_start3A_265 = arith.constant 0 : i32
    %dma_start3A_266 = tpu.memref_slice %arg2[%add3A, %dma_start3A_250, %dma_start3A_264, %dma_start3A_265] : memref<32x125x80x128xf32, #tpu.memory_space<hbm>> -> memref<1x1x80x128xf32, #tpu.memory_space<hbm>>
    %dma_start3A_267 = tpu.memref_squeeze %dma_start3A_266 : memref<1x1x80x128xf32, #tpu.memory_space<hbm>> -> memref<80x128xf32, #tpu.memory_space<hbm>>
    tpu.enqueue_dma source(%dma_start3A_267 : memref<80x128xf32, #tpu.memory_space<hbm>>) target(%dma_start3A_263 : memref<80x128xf32, #tpu.memory_space<vmem>>) target_semaphore(%arg9 : memref<!tpu.dma_semaphore, #tpu.memory_space<semaphore_mem>>)
    %dma_start3A_268 = arith.constant 2 : i32
    %dma_start3A_269 = arith.constant 1 : i32
    %dma_start3A_270 = arith.constant 2 : i32
    %dma_start3A_271 = arith.constant 0 : i32
    %dma_start3A_272 = arith.constant 0 : i32
    %dma_start3A_273 = tpu.memref_slice %arg6[%dma_start3A_268, %dma_start3A_271, %dma_start3A_272] : memref<4x80x128xf32, #tpu.memory_space<vmem>> -> memref<1x80x128xf32, #tpu.memory_space<vmem>>
    %dma_start3A_274 = tpu.memref_squeeze %dma_start3A_273 : memref<1x80x128xf32, #tpu.memory_space<vmem>> -> memref<80x128xf32, #tpu.memory_space<vmem>>
    %dma_start3A_275 = arith.constant 0 : i32
    %dma_start3A_276 = tpu.memref_slice %arg5[%dma_start3A_269, %dma_start3A_270, %dma_start3A_275] : memref<2x16x80xi32, #tpu.memory_space<vmem>> -> memref<1x1x80xi32, #tpu.memory_space<vmem>>
    %dma_start3A_277 = tpu.memref_squeeze %dma_start3A_276 : memref<1x1x80xi32, #tpu.memory_space<vmem>> -> memref<80xi32, #tpu.memory_space<vmem>>
    %dma_start3A_278 = arith.constant 0 : i32
    %dma_start3A_279 = arith.constant 0 : i32
    %dma_start3A_280 = tpu.memref_slice %arg7[%dma_start3A_278, %dma_start3A_279] : memref<10000x128xf32, #tpu.memory_space<vmem_shared>> -> memref<10000x128xf32, #tpu.memory_space<vmem_shared>>
    tpu.enqueue_indirect_dma source(%dma_start3A_274 : memref<80x128xf32, #tpu.memory_space<vmem>>) target(%dma_start3A_280 : memref<10000x128xf32, #tpu.memory_space<vmem_shared>>) offsets(%dma_start3A_277 : memref<80xi32, #tpu.memory_space<vmem>>) semaphore(%arg15 : memref<!tpu.dma_semaphore, #tpu.memory_space<semaphore_mem>>) {add = true}
    %dma_wait3A_281 = arith.constant 115 : i32
    %dma_wait3A_282 = arith.constant 3 : i32
    %dma_wait3A_283 = arith.constant 0 : i32
    %dma_wait3A_284 = arith.constant 0 : i32
    %dma_wait3A_285 = tpu.memref_slice %arg6[%dma_wait3A_282, %dma_wait3A_283, %dma_wait3A_284] : memref<4x80x128xf32, #tpu.memory_space<vmem>> -> memref<1x80x128xf32, #tpu.memory_space<vmem>>
    %dma_wait3A_286 = tpu.memref_squeeze %dma_wait3A_285 : memref<1x80x128xf32, #tpu.memory_space<vmem>> -> memref<80x128xf32, #tpu.memory_space<vmem>>
    %dma_wait3A_287 = arith.constant 0 : i32
    %dma_wait3A_288 = arith.constant 0 : i32
    %dma_wait3A_289 = tpu.memref_slice %arg2[%add3A, %dma_wait3A_281, %dma_wait3A_287, %dma_wait3A_288] : memref<32x125x80x128xf32, #tpu.memory_space<hbm>> -> memref<1x1x80x128xf32, #tpu.memory_space<hbm>>
    %dma_wait3A_290 = tpu.memref_squeeze %dma_wait3A_289 : memref<1x1x80x128xf32, #tpu.memory_space<hbm>> -> memref<80x128xf32, #tpu.memory_space<hbm>>
    %dma_wait3A_291 = arith.constant 0 : i32
    %dma_wait3A_292 = arith.constant 0 : i32
    %dma_wait3A_293 = tpu.memref_slice %arg6[%dma_wait3A_282, %dma_wait3A_291, %dma_wait3A_292] : memref<4x80x128xf32, #tpu.memory_space<vmem>> -> memref<1x80x128xf32, #tpu.memory_space<vmem>>
    %dma_wait3A_294 = tpu.memref_squeeze %dma_wait3A_293 : memref<1x80x128xf32, #tpu.memory_space<vmem>> -> memref<80x128xf32, #tpu.memory_space<vmem>>
    %dma_wait3A_295 = arith.constant 0 : i32
    %dma_wait3A_296 = arith.constant 0 : i32
    %dma_wait3A_297 = tpu.memref_slice %arg2[%add3A, %dma_wait3A_281, %dma_wait3A_295, %dma_wait3A_296] : memref<32x125x80x128xf32, #tpu.memory_space<hbm>> -> memref<1x1x80x128xf32, #tpu.memory_space<hbm>>
    %dma_wait3A_298 = tpu.memref_squeeze %dma_wait3A_297 : memref<1x1x80x128xf32, #tpu.memory_space<hbm>> -> memref<80x128xf32, #tpu.memory_space<hbm>>
    tpu.wait_dma2 semaphore(%arg11 : memref<!tpu.dma_semaphore, #tpu.memory_space<semaphore_mem>>) src(%dma_wait3A_298 : memref<80x128xf32, #tpu.memory_space<hbm>>) dst(%dma_wait3A_294 : memref<80x128xf32, #tpu.memory_space<vmem>>)
    %dma_wait3A_299 = arith.constant 2 : i32
    %dma_wait3A_300 = arith.constant 1 : i32
    %dma_wait3A_301 = arith.constant 3 : i32
    %dma_wait3A_302 = arith.constant 0 : i32
    %dma_wait3A_303 = arith.constant 0 : i32
    %dma_wait3A_304 = tpu.memref_slice %arg6[%dma_wait3A_299, %dma_wait3A_302, %dma_wait3A_303] : memref<4x80x128xf32, #tpu.memory_space<vmem>> -> memref<1x80x128xf32, #tpu.memory_space<vmem>>
    %dma_wait3A_305 = tpu.memref_squeeze %dma_wait3A_304 : memref<1x80x128xf32, #tpu.memory_space<vmem>> -> memref<80x128xf32, #tpu.memory_space<vmem>>
    %dma_wait3A_306 = arith.constant 0 : i32
    %dma_wait3A_307 = tpu.memref_slice %arg5[%dma_wait3A_300, %dma_wait3A_301, %dma_wait3A_306] : memref<2x16x80xi32, #tpu.memory_space<vmem>> -> memref<1x1x80xi32, #tpu.memory_space<vmem>>
    %dma_wait3A_308 = tpu.memref_squeeze %dma_wait3A_307 : memref<1x1x80xi32, #tpu.memory_space<vmem>> -> memref<80xi32, #tpu.memory_space<vmem>>
    %dma_wait3A_309 = arith.constant 0 : i32
    %dma_wait3A_310 = arith.constant 0 : i32
    %dma_wait3A_311 = tpu.memref_slice %arg7[%dma_wait3A_309, %dma_wait3A_310] : memref<10000x128xf32, #tpu.memory_space<vmem_shared>> -> memref<10000x128xf32, #tpu.memory_space<vmem_shared>>
    tpu.wait_indirect_dma semaphore(%arg15 : memref<!tpu.dma_semaphore, #tpu.memory_space<semaphore_mem>>) src(%dma_wait3A_305 : memref<80x128xf32, #tpu.memory_space<vmem>>) dst(%dma_wait3A_311 : memref<10000x128xf32, #tpu.memory_space<vmem_shared>>)
    %dma_start3A_312 = arith.constant 118 : i32
    %dma_start3A_313 = arith.constant 2 : i32
    %dma_start3A_314 = arith.constant 0 : i32
    %dma_start3A_315 = arith.constant 0 : i32
    %dma_start3A_316 = tpu.memref_slice %arg6[%dma_start3A_313, %dma_start3A_314, %dma_start3A_315] : memref<4x80x128xf32, #tpu.memory_space<vmem>> -> memref<1x80x128xf32, #tpu.memory_space<vmem>>
    %dma_start3A_317 = tpu.memref_squeeze %dma_start3A_316 : memref<1x80x128xf32, #tpu.memory_space<vmem>> -> memref<80x128xf32, #tpu.memory_space<vmem>>
    %dma_start3A_318 = arith.constant 0 : i32
    %dma_start3A_319 = arith.constant 0 : i32
    %dma_start3A_320 = tpu.memref_slice %arg2[%add3A, %dma_start3A_312, %dma_start3A_318, %dma_start3A_319] : memref<32x125x80x128xf32, #tpu.memory_space<hbm>> -> memref<1x1x80x128xf32, #tpu.memory_space<hbm>>
    %dma_start3A_321 = tpu.memref_squeeze %dma_start3A_320 : memref<1x1x80x128xf32, #tpu.memory_space<hbm>> -> memref<80x128xf32, #tpu.memory_space<hbm>>
    %dma_start3A_322 = arith.constant 0 : i32
    %dma_start3A_323 = arith.constant 0 : i32
    %dma_start3A_324 = tpu.memref_slice %arg6[%dma_start3A_313, %dma_start3A_322, %dma_start3A_323] : memref<4x80x128xf32, #tpu.memory_space<vmem>> -> memref<1x80x128xf32, #tpu.memory_space<vmem>>
    %dma_start3A_325 = tpu.memref_squeeze %dma_start3A_324 : memref<1x80x128xf32, #tpu.memory_space<vmem>> -> memref<80x128xf32, #tpu.memory_space<vmem>>
    %dma_start3A_326 = arith.constant 0 : i32
    %dma_start3A_327 = arith.constant 0 : i32
    %dma_start3A_328 = tpu.memref_slice %arg2[%add3A, %dma_start3A_312, %dma_start3A_326, %dma_start3A_327] : memref<32x125x80x128xf32, #tpu.memory_space<hbm>> -> memref<1x1x80x128xf32, #tpu.memory_space<hbm>>
    %dma_start3A_329 = tpu.memref_squeeze %dma_start3A_328 : memref<1x1x80x128xf32, #tpu.memory_space<hbm>> -> memref<80x128xf32, #tpu.memory_space<hbm>>
    tpu.enqueue_dma source(%dma_start3A_329 : memref<80x128xf32, #tpu.memory_space<hbm>>) target(%dma_start3A_325 : memref<80x128xf32, #tpu.memory_space<vmem>>) target_semaphore(%arg10 : memref<!tpu.dma_semaphore, #tpu.memory_space<semaphore_mem>>)
    %dma_start3A_330 = arith.constant 3 : i32
    %dma_start3A_331 = arith.constant 1 : i32
    %dma_start3A_332 = arith.constant 3 : i32
    %dma_start3A_333 = arith.constant 0 : i32
    %dma_start3A_334 = arith.constant 0 : i32
    %dma_start3A_335 = tpu.memref_slice %arg6[%dma_start3A_330, %dma_start3A_333, %dma_start3A_334] : memref<4x80x128xf32, #tpu.memory_space<vmem>> -> memref<1x80x128xf32, #tpu.memory_space<vmem>>
    %dma_start3A_336 = tpu.memref_squeeze %dma_start3A_335 : memref<1x80x128xf32, #tpu.memory_space<vmem>> -> memref<80x128xf32, #tpu.memory_space<vmem>>
    %dma_start3A_337 = arith.constant 0 : i32
    %dma_start3A_338 = tpu.memref_slice %arg5[%dma_start3A_331, %dma_start3A_332, %dma_start3A_337] : memref<2x16x80xi32, #tpu.memory_space<vmem>> -> memref<1x1x80xi32, #tpu.memory_space<vmem>>
    %dma_start3A_339 = tpu.memref_squeeze %dma_start3A_338 : memref<1x1x80xi32, #tpu.memory_space<vmem>> -> memref<80xi32, #tpu.memory_space<vmem>>
    %dma_start3A_340 = arith.constant 0 : i32
    %dma_start3A_341 = arith.constant 0 : i32
    %dma_start3A_342 = tpu.memref_slice %arg7[%dma_start3A_340, %dma_start3A_341] : memref<10000x128xf32, #tpu.memory_space<vmem_shared>> -> memref<10000x128xf32, #tpu.memory_space<vmem_shared>>
    tpu.enqueue_indirect_dma source(%dma_start3A_336 : memref<80x128xf32, #tpu.memory_space<vmem>>) target(%dma_start3A_342 : memref<10000x128xf32, #tpu.memory_space<vmem_shared>>) offsets(%dma_start3A_339 : memref<80xi32, #tpu.memory_space<vmem>>) semaphore(%arg16 : memref<!tpu.dma_semaphore, #tpu.memory_space<semaphore_mem>>) {add = true}
    %dma_wait3A_343 = arith.constant 116 : i32
    %dma_wait3A_344 = arith.constant 0 : i32
    %dma_wait3A_345 = arith.constant 0 : i32
    %dma_wait3A_346 = arith.constant 0 : i32
    %dma_wait3A_347 = tpu.memref_slice %arg6[%dma_wait3A_344, %dma_wait3A_345, %dma_wait3A_346] : memref<4x80x128xf32, #tpu.memory_space<vmem>> -> memref<1x80x128xf32, #tpu.memory_space<vmem>>
    %dma_wait3A_348 = tpu.memref_squeeze %dma_wait3A_347 : memref<1x80x128xf32, #tpu.memory_space<vmem>> -> memref<80x128xf32, #tpu.memory_space<vmem>>
    %dma_wait3A_349 = arith.constant 0 : i32
    %dma_wait3A_350 = arith.constant 0 : i32
    %dma_wait3A_351 = tpu.memref_slice %arg2[%add3A, %dma_wait3A_343, %dma_wait3A_349, %dma_wait3A_350] : memref<32x125x80x128xf32, #tpu.memory_space<hbm>> -> memref<1x1x80x128xf32, #tpu.memory_space<hbm>>
    %dma_wait3A_352 = tpu.memref_squeeze %dma_wait3A_351 : memref<1x1x80x128xf32, #tpu.memory_space<hbm>> -> memref<80x128xf32, #tpu.memory_space<hbm>>
    %dma_wait3A_353 = arith.constant 0 : i32
    %dma_wait3A_354 = arith.constant 0 : i32
    %dma_wait3A_355 = tpu.memref_slice %arg6[%dma_wait3A_344, %dma_wait3A_353, %dma_wait3A_354] : memref<4x80x128xf32, #tpu.memory_space<vmem>> -> memref<1x80x128xf32, #tpu.memory_space<vmem>>
    %dma_wait3A_356 = tpu.memref_squeeze %dma_wait3A_355 : memref<1x80x128xf32, #tpu.memory_space<vmem>> -> memref<80x128xf32, #tpu.memory_space<vmem>>
    %dma_wait3A_357 = arith.constant 0 : i32
    %dma_wait3A_358 = arith.constant 0 : i32
    %dma_wait3A_359 = tpu.memref_slice %arg2[%add3A, %dma_wait3A_343, %dma_wait3A_357, %dma_wait3A_358] : memref<32x125x80x128xf32, #tpu.memory_space<hbm>> -> memref<1x1x80x128xf32, #tpu.memory_space<hbm>>
    %dma_wait3A_360 = tpu.memref_squeeze %dma_wait3A_359 : memref<1x1x80x128xf32, #tpu.memory_space<hbm>> -> memref<80x128xf32, #tpu.memory_space<hbm>>
    tpu.wait_dma2 semaphore(%arg8 : memref<!tpu.dma_semaphore, #tpu.memory_space<semaphore_mem>>) src(%dma_wait3A_360 : memref<80x128xf32, #tpu.memory_space<hbm>>) dst(%dma_wait3A_356 : memref<80x128xf32, #tpu.memory_space<vmem>>)
    %dma_wait3A_361 = arith.constant 3 : i32
    %dma_wait3A_362 = arith.constant 1 : i32
    %dma_wait3A_363 = arith.constant 4 : i32
    %dma_wait3A_364 = arith.constant 0 : i32
    %dma_wait3A_365 = arith.constant 0 : i32
    %dma_wait3A_366 = tpu.memref_slice %arg6[%dma_wait3A_361, %dma_wait3A_364, %dma_wait3A_365] : memref<4x80x128xf32, #tpu.memory_space<vmem>> -> memref<1x80x128xf32, #tpu.memory_space<vmem>>
    %dma_wait3A_367 = tpu.memref_squeeze %dma_wait3A_366 : memref<1x80x128xf32, #tpu.memory_space<vmem>> -> memref<80x128xf32, #tpu.memory_space<vmem>>
    %dma_wait3A_368 = arith.constant 0 : i32
    %dma_wait3A_369 = tpu.memref_slice %arg5[%dma_wait3A_362, %dma_wait3A_363, %dma_wait3A_368] : memref<2x16x80xi32, #tpu.memory_space<vmem>> -> memref<1x1x80xi32, #tpu.memory_space<vmem>>
    %dma_wait3A_370 = tpu.memref_squeeze %dma_wait3A_369 : memref<1x1x80xi32, #tpu.memory_space<vmem>> -> memref<80xi32, #tpu.memory_space<vmem>>
    %dma_wait3A_371 = arith.constant 0 : i32
    %dma_wait3A_372 = arith.constant 0 : i32
    %dma_wait3A_373 = tpu.memref_slice %arg7[%dma_wait3A_371, %dma_wait3A_372] : memref<10000x128xf32, #tpu.memory_space<vmem_shared>> -> memref<10000x128xf32, #tpu.memory_space<vmem_shared>>
    tpu.wait_indirect_dma semaphore(%arg16 : memref<!tpu.dma_semaphore, #tpu.memory_space<semaphore_mem>>) src(%dma_wait3A_367 : memref<80x128xf32, #tpu.memory_space<vmem>>) dst(%dma_wait3A_373 : memref<10000x128xf32, #tpu.memory_space<vmem_shared>>)
    %dma_start3A_374 = arith.constant 119 : i32
    %dma_start3A_375 = arith.constant 3 : i32
    %dma_start3A_376 = arith.constant 0 : i32
    %dma_start3A_377 = arith.constant 0 : i32
    %dma_start3A_378 = tpu.memref_slice %arg6[%dma_start3A_375, %dma_start3A_376, %dma_start3A_377] : memref<4x80x128xf32, #tpu.memory_space<vmem>> -> memref<1x80x128xf32, #tpu.memory_space<vmem>>
    %dma_start3A_379 = tpu.memref_squeeze %dma_start3A_378 : memref<1x80x128xf32, #tpu.memory_space<vmem>> -> memref<80x128xf32, #tpu.memory_space<vmem>>
    %dma_start3A_380 = arith.constant 0 : i32
    %dma_start3A_381 = arith.constant 0 : i32
    %dma_start3A_382 = tpu.memref_slice %arg2[%add3A, %dma_start3A_374, %dma_start3A_380, %dma_start3A_381] : memref<32x125x80x128xf32, #tpu.memory_space<hbm>> -> memref<1x1x80x128xf32, #tpu.memory_space<hbm>>
    %dma_start3A_383 = tpu.memref_squeeze %dma_start3A_382 : memref<1x1x80x128xf32, #tpu.memory_space<hbm>> -> memref<80x128xf32, #tpu.memory_space<hbm>>
    %dma_start3A_384 = arith.constant 0 : i32
    %dma_start3A_385 = arith.constant 0 : i32
    %dma_start3A_386 = tpu.memref_slice %arg6[%dma_start3A_375, %dma_start3A_384, %dma_start3A_385] : memref<4x80x128xf32, #tpu.memory_space<vmem>> -> memref<1x80x128xf32, #tpu.memory_space<vmem>>
    %dma_start3A_387 = tpu.memref_squeeze %dma_start3A_386 : memref<1x80x128xf32, #tpu.memory_space<vmem>> -> memref<80x128xf32, #tpu.memory_space<vmem>>
    %dma_start3A_388 = arith.constant 0 : i32
    %dma_start3A_389 = arith.constant 0 : i32
    %dma_start3A_390 = tpu.memref_slice %arg2[%add3A, %dma_start3A_374, %dma_start3A_388, %dma_start3A_389] : memref<32x125x80x128xf32, #tpu.memory_space<hbm>> -> memref<1x1x80x128xf32, #tpu.memory_space<hbm>>
    %dma_start3A_391 = tpu.memref_squeeze %dma_start3A_390 : memref<1x1x80x128xf32, #tpu.memory_space<hbm>> -> memref<80x128xf32, #tpu.memory_space<hbm>>
    tpu.enqueue_dma source(%dma_start3A_391 : memref<80x128xf32, #tpu.memory_space<hbm>>) target(%dma_start3A_387 : memref<80x128xf32, #tpu.memory_space<vmem>>) target_semaphore(%arg11 : memref<!tpu.dma_semaphore, #tpu.memory_space<semaphore_mem>>)
    %dma_start3A_392 = arith.constant 0 : i32
    %dma_start3A_393 = arith.constant 1 : i32
    %dma_start3A_394 = arith.constant 4 : i32
    %dma_start3A_395 = arith.constant 0 : i32
    %dma_start3A_396 = arith.constant 0 : i32
    %dma_start3A_397 = tpu.memref_slice %arg6[%dma_start3A_392, %dma_start3A_395, %dma_start3A_396] : memref<4x80x128xf32, #tpu.memory_space<vmem>> -> memref<1x80x128xf32, #tpu.memory_space<vmem>>
    %dma_start3A_398 = tpu.memref_squeeze %dma_start3A_397 : memref<1x80x128xf32, #tpu.memory_space<vmem>> -> memref<80x128xf32, #tpu.memory_space<vmem>>
    %dma_start3A_399 = arith.constant 0 : i32
    %dma_start3A_400 = tpu.memref_slice %arg5[%dma_start3A_393, %dma_start3A_394, %dma_start3A_399] : memref<2x16x80xi32, #tpu.memory_space<vmem>> -> memref<1x1x80xi32, #tpu.memory_space<vmem>>
    %dma_start3A_401 = tpu.memref_squeeze %dma_start3A_400 : memref<1x1x80xi32, #tpu.memory_space<vmem>> -> memref<80xi32, #tpu.memory_space<vmem>>
    %dma_start3A_402 = arith.constant 0 : i32
    %dma_start3A_403 = arith.constant 0 : i32
    %dma_start3A_404 = tpu.memref_slice %arg7[%dma_start3A_402, %dma_start3A_403] : memref<10000x128xf32, #tpu.memory_space<vmem_shared>> -> memref<10000x128xf32, #tpu.memory_space<vmem_shared>>
    tpu.enqueue_indirect_dma source(%dma_start3A_398 : memref<80x128xf32, #tpu.memory_space<vmem>>) target(%dma_start3A_404 : memref<10000x128xf32, #tpu.memory_space<vmem_shared>>) offsets(%dma_start3A_401 : memref<80xi32, #tpu.memory_space<vmem>>) semaphore(%arg13 : memref<!tpu.dma_semaphore, #tpu.memory_space<semaphore_mem>>) {add = true}
    %dma_wait3A_405 = arith.constant 117 : i32
    %dma_wait3A_406 = arith.constant 1 : i32
    %dma_wait3A_407 = arith.constant 0 : i32
    %dma_wait3A_408 = arith.constant 0 : i32
    %dma_wait3A_409 = tpu.memref_slice %arg6[%dma_wait3A_406, %dma_wait3A_407, %dma_wait3A_408] : memref<4x80x128xf32, #tpu.memory_space<vmem>> -> memref<1x80x128xf32, #tpu.memory_space<vmem>>
    %dma_wait3A_410 = tpu.memref_squeeze %dma_wait3A_409 : memref<1x80x128xf32, #tpu.memory_space<vmem>> -> memref<80x128xf32, #tpu.memory_space<vmem>>
    %dma_wait3A_411 = arith.constant 0 : i32
    %dma_wait3A_412 = arith.constant 0 : i32
    %dma_wait3A_413 = tpu.memref_slice %arg2[%add3A, %dma_wait3A_405, %dma_wait3A_411, %dma_wait3A_412] : memref<32x125x80x128xf32, #tpu.memory_space<hbm>> -> memref<1x1x80x128xf32, #tpu.memory_space<hbm>>
    %dma_wait3A_414 = tpu.memref_squeeze %dma_wait3A_413 : memref<1x1x80x128xf32, #tpu.memory_space<hbm>> -> memref<80x128xf32, #tpu.memory_space<hbm>>
    %dma_wait3A_415 = arith.constant 0 : i32
    %dma_wait3A_416 = arith.constant 0 : i32
    %dma_wait3A_417 = tpu.memref_slice %arg6[%dma_wait3A_406, %dma_wait3A_415, %dma_wait3A_416] : memref<4x80x128xf32, #tpu.memory_space<vmem>> -> memref<1x80x128xf32, #tpu.memory_space<vmem>>
    %dma_wait3A_418 = tpu.memref_squeeze %dma_wait3A_417 : memref<1x80x128xf32, #tpu.memory_space<vmem>> -> memref<80x128xf32, #tpu.memory_space<vmem>>
    %dma_wait3A_419 = arith.constant 0 : i32
    %dma_wait3A_420 = arith.constant 0 : i32
    %dma_wait3A_421 = tpu.memref_slice %arg2[%add3A, %dma_wait3A_405, %dma_wait3A_419, %dma_wait3A_420] : memref<32x125x80x128xf32, #tpu.memory_space<hbm>> -> memref<1x1x80x128xf32, #tpu.memory_space<hbm>>
    %dma_wait3A_422 = tpu.memref_squeeze %dma_wait3A_421 : memref<1x1x80x128xf32, #tpu.memory_space<hbm>> -> memref<80x128xf32, #tpu.memory_space<hbm>>
    tpu.wait_dma2 semaphore(%arg9 : memref<!tpu.dma_semaphore, #tpu.memory_space<semaphore_mem>>) src(%dma_wait3A_422 : memref<80x128xf32, #tpu.memory_space<hbm>>) dst(%dma_wait3A_418 : memref<80x128xf32, #tpu.memory_space<vmem>>)
    %dma_wait3A_423 = arith.constant 0 : i32
    %dma_wait3A_424 = arith.constant 1 : i32
    %dma_wait3A_425 = arith.constant 5 : i32
    %dma_wait3A_426 = arith.constant 0 : i32
    %dma_wait3A_427 = arith.constant 0 : i32
    %dma_wait3A_428 = tpu.memref_slice %arg6[%dma_wait3A_423, %dma_wait3A_426, %dma_wait3A_427] : memref<4x80x128xf32, #tpu.memory_space<vmem>> -> memref<1x80x128xf32, #tpu.memory_space<vmem>>
    %dma_wait3A_429 = tpu.memref_squeeze %dma_wait3A_428 : memref<1x80x128xf32, #tpu.memory_space<vmem>> -> memref<80x128xf32, #tpu.memory_space<vmem>>
    %dma_wait3A_430 = arith.constant 0 : i32
    %dma_wait3A_431 = tpu.memref_slice %arg5[%dma_wait3A_424, %dma_wait3A_425, %dma_wait3A_430] : memref<2x16x80xi32, #tpu.memory_space<vmem>> -> memref<1x1x80xi32, #tpu.memory_space<vmem>>
    %dma_wait3A_432 = tpu.memref_squeeze %dma_wait3A_431 : memref<1x1x80xi32, #tpu.memory_space<vmem>> -> memref<80xi32, #tpu.memory_space<vmem>>
    %dma_wait3A_433 = arith.constant 0 : i32
    %dma_wait3A_434 = arith.constant 0 : i32
    %dma_wait3A_435 = tpu.memref_slice %arg7[%dma_wait3A_433, %dma_wait3A_434] : memref<10000x128xf32, #tpu.memory_space<vmem_shared>> -> memref<10000x128xf32, #tpu.memory_space<vmem_shared>>
    tpu.wait_indirect_dma semaphore(%arg13 : memref<!tpu.dma_semaphore, #tpu.memory_space<semaphore_mem>>) src(%dma_wait3A_429 : memref<80x128xf32, #tpu.memory_space<vmem>>) dst(%dma_wait3A_435 : memref<10000x128xf32, #tpu.memory_space<vmem_shared>>)
    %dma_start3A_436 = arith.constant 120 : i32
    %dma_start3A_437 = arith.constant 0 : i32
    %dma_start3A_438 = arith.constant 0 : i32
    %dma_start3A_439 = arith.constant 0 : i32
    %dma_start3A_440 = tpu.memref_slice %arg6[%dma_start3A_437, %dma_start3A_438, %dma_start3A_439] : memref<4x80x128xf32, #tpu.memory_space<vmem>> -> memref<1x80x128xf32, #tpu.memory_space<vmem>>
    %dma_start3A_441 = tpu.memref_squeeze %dma_start3A_440 : memref<1x80x128xf32, #tpu.memory_space<vmem>> -> memref<80x128xf32, #tpu.memory_space<vmem>>
    %dma_start3A_442 = arith.constant 0 : i32
    %dma_start3A_443 = arith.constant 0 : i32
    %dma_start3A_444 = tpu.memref_slice %arg2[%add3A, %dma_start3A_436, %dma_start3A_442, %dma_start3A_443] : memref<32x125x80x128xf32, #tpu.memory_space<hbm>> -> memref<1x1x80x128xf32, #tpu.memory_space<hbm>>
    %dma_start3A_445 = tpu.memref_squeeze %dma_start3A_444 : memref<1x1x80x128xf32, #tpu.memory_space<hbm>> -> memref<80x128xf32, #tpu.memory_space<hbm>>
    %dma_start3A_446 = arith.constant 0 : i32
    %dma_start3A_447 = arith.constant 0 : i32
    %dma_start3A_448 = tpu.memref_slice %arg6[%dma_start3A_437, %dma_start3A_446, %dma_start3A_447] : memref<4x80x128xf32, #tpu.memory_space<vmem>> -> memref<1x80x128xf32, #tpu.memory_space<vmem>>
    %dma_start3A_449 = tpu.memref_squeeze %dma_start3A_448 : memref<1x80x128xf32, #tpu.memory_space<vmem>> -> memref<80x128xf32, #tpu.memory_space<vmem>>
    %dma_start3A_450 = arith.constant 0 : i32
    %dma_start3A_451 = arith.constant 0 : i32
    %dma_start3A_452 = tpu.memref_slice %arg2[%add3A, %dma_start3A_436, %dma_start3A_450, %dma_start3A_451] : memref<32x125x80x128xf32, #tpu.memory_space<hbm>> -> memref<1x1x80x128xf32, #tpu.memory_space<hbm>>
    %dma_start3A_453 = tpu.memref_squeeze %dma_start3A_452 : memref<1x1x80x128xf32, #tpu.memory_space<hbm>> -> memref<80x128xf32, #tpu.memory_space<hbm>>
    tpu.enqueue_dma source(%dma_start3A_453 : memref<80x128xf32, #tpu.memory_space<hbm>>) target(%dma_start3A_449 : memref<80x128xf32, #tpu.memory_space<vmem>>) target_semaphore(%arg8 : memref<!tpu.dma_semaphore, #tpu.memory_space<semaphore_mem>>)
    %dma_start3A_454 = arith.constant 1 : i32
    %dma_start3A_455 = arith.constant 1 : i32
    %dma_start3A_456 = arith.constant 5 : i32
    %dma_start3A_457 = arith.constant 0 : i32
    %dma_start3A_458 = arith.constant 0 : i32
    %dma_start3A_459 = tpu.memref_slice %arg6[%dma_start3A_454, %dma_start3A_457, %dma_start3A_458] : memref<4x80x128xf32, #tpu.memory_space<vmem>> -> memref<1x80x128xf32, #tpu.memory_space<vmem>>
    %dma_start3A_460 = tpu.memref_squeeze %dma_start3A_459 : memref<1x80x128xf32, #tpu.memory_space<vmem>> -> memref<80x128xf32, #tpu.memory_space<vmem>>
    %dma_start3A_461 = arith.constant 0 : i32
    %dma_start3A_462 = tpu.memref_slice %arg5[%dma_start3A_455, %dma_start3A_456, %dma_start3A_461] : memref<2x16x80xi32, #tpu.memory_space<vmem>> -> memref<1x1x80xi32, #tpu.memory_space<vmem>>
    %dma_start3A_463 = tpu.memref_squeeze %dma_start3A_462 : memref<1x1x80xi32, #tpu.memory_space<vmem>> -> memref<80xi32, #tpu.memory_space<vmem>>
    %dma_start3A_464 = arith.constant 0 : i32
    %dma_start3A_465 = arith.constant 0 : i32
    %dma_start3A_466 = tpu.memref_slice %arg7[%dma_start3A_464, %dma_start3A_465] : memref<10000x128xf32, #tpu.memory_space<vmem_shared>> -> memref<10000x128xf32, #tpu.memory_space<vmem_shared>>
    tpu.enqueue_indirect_dma source(%dma_start3A_460 : memref<80x128xf32, #tpu.memory_space<vmem>>) target(%dma_start3A_466 : memref<10000x128xf32, #tpu.memory_space<vmem_shared>>) offsets(%dma_start3A_463 : memref<80xi32, #tpu.memory_space<vmem>>) semaphore(%arg14 : memref<!tpu.dma_semaphore, #tpu.memory_space<semaphore_mem>>) {add = true}
    %dma_wait3A_467 = arith.constant 118 : i32
    %dma_wait3A_468 = arith.constant 2 : i32
    %dma_wait3A_469 = arith.constant 0 : i32
    %dma_wait3A_470 = arith.constant 0 : i32
    %dma_wait3A_471 = tpu.memref_slice %arg6[%dma_wait3A_468, %dma_wait3A_469, %dma_wait3A_470] : memref<4x80x128xf32, #tpu.memory_space<vmem>> -> memref<1x80x128xf32, #tpu.memory_space<vmem>>
    %dma_wait3A_472 = tpu.memref_squeeze %dma_wait3A_471 : memref<1x80x128xf32, #tpu.memory_space<vmem>> -> memref<80x128xf32, #tpu.memory_space<vmem>>
    %dma_wait3A_473 = arith.constant 0 : i32
    %dma_wait3A_474 = arith.constant 0 : i32
    %dma_wait3A_475 = tpu.memref_slice %arg2[%add3A, %dma_wait3A_467, %dma_wait3A_473, %dma_wait3A_474] : memref<32x125x80x128xf32, #tpu.memory_space<hbm>> -> memref<1x1x80x128xf32, #tpu.memory_space<hbm>>
    %dma_wait3A_476 = tpu.memref_squeeze %dma_wait3A_475 : memref<1x1x80x128xf32, #tpu.memory_space<hbm>> -> memref<80x128xf32, #tpu.memory_space<hbm>>
    %dma_wait3A_477 = arith.constant 0 : i32
    %dma_wait3A_478 = arith.constant 0 : i32
    %dma_wait3A_479 = tpu.memref_slice %arg6[%dma_wait3A_468, %dma_wait3A_477, %dma_wait3A_478] : memref<4x80x128xf32, #tpu.memory_space<vmem>> -> memref<1x80x128xf32, #tpu.memory_space<vmem>>
    %dma_wait3A_480 = tpu.memref_squeeze %dma_wait3A_479 : memref<1x80x128xf32, #tpu.memory_space<vmem>> -> memref<80x128xf32, #tpu.memory_space<vmem>>
    %dma_wait3A_481 = arith.constant 0 : i32
    %dma_wait3A_482 = arith.constant 0 : i32
    %dma_wait3A_483 = tpu.memref_slice %arg2[%add3A, %dma_wait3A_467, %dma_wait3A_481, %dma_wait3A_482] : memref<32x125x80x128xf32, #tpu.memory_space<hbm>> -> memref<1x1x80x128xf32, #tpu.memory_space<hbm>>
    %dma_wait3A_484 = tpu.memref_squeeze %dma_wait3A_483 : memref<1x1x80x128xf32, #tpu.memory_space<hbm>> -> memref<80x128xf32, #tpu.memory_space<hbm>>
    tpu.wait_dma2 semaphore(%arg10 : memref<!tpu.dma_semaphore, #tpu.memory_space<semaphore_mem>>) src(%dma_wait3A_484 : memref<80x128xf32, #tpu.memory_space<hbm>>) dst(%dma_wait3A_480 : memref<80x128xf32, #tpu.memory_space<vmem>>)
    %dma_wait3A_485 = arith.constant 1 : i32
    %dma_wait3A_486 = arith.constant 1 : i32
    %dma_wait3A_487 = arith.constant 6 : i32
    %dma_wait3A_488 = arith.constant 0 : i32
    %dma_wait3A_489 = arith.constant 0 : i32
    %dma_wait3A_490 = tpu.memref_slice %arg6[%dma_wait3A_485, %dma_wait3A_488, %dma_wait3A_489] : memref<4x80x128xf32, #tpu.memory_space<vmem>> -> memref<1x80x128xf32, #tpu.memory_space<vmem>>
    %dma_wait3A_491 = tpu.memref_squeeze %dma_wait3A_490 : memref<1x80x128xf32, #tpu.memory_space<vmem>> -> memref<80x128xf32, #tpu.memory_space<vmem>>
    %dma_wait3A_492 = arith.constant 0 : i32
    %dma_wait3A_493 = tpu.memref_slice %arg5[%dma_wait3A_486, %dma_wait3A_487, %dma_wait3A_492] : memref<2x16x80xi32, #tpu.memory_space<vmem>> -> memref<1x1x80xi32, #tpu.memory_space<vmem>>
    %dma_wait3A_494 = tpu.memref_squeeze %dma_wait3A_493 : memref<1x1x80xi32, #tpu.memory_space<vmem>> -> memref<80xi32, #tpu.memory_space<vmem>>
    %dma_wait3A_495 = arith.constant 0 : i32
    %dma_wait3A_496 = arith.constant 0 : i32
    %dma_wait3A_497 = tpu.memref_slice %arg7[%dma_wait3A_495, %dma_wait3A_496] : memref<10000x128xf32, #tpu.memory_space<vmem_shared>> -> memref<10000x128xf32, #tpu.memory_space<vmem_shared>>
    tpu.wait_indirect_dma semaphore(%arg14 : memref<!tpu.dma_semaphore, #tpu.memory_space<semaphore_mem>>) src(%dma_wait3A_491 : memref<80x128xf32, #tpu.memory_space<vmem>>) dst(%dma_wait3A_497 : memref<10000x128xf32, #tpu.memory_space<vmem_shared>>)
    %dma_start3A_498 = arith.constant 121 : i32
    %dma_start3A_499 = arith.constant 1 : i32
    %dma_start3A_500 = arith.constant 0 : i32
    %dma_start3A_501 = arith.constant 0 : i32
    %dma_start3A_502 = tpu.memref_slice %arg6[%dma_start3A_499, %dma_start3A_500, %dma_start3A_501] : memref<4x80x128xf32, #tpu.memory_space<vmem>> -> memref<1x80x128xf32, #tpu.memory_space<vmem>>
    %dma_start3A_503 = tpu.memref_squeeze %dma_start3A_502 : memref<1x80x128xf32, #tpu.memory_space<vmem>> -> memref<80x128xf32, #tpu.memory_space<vmem>>
    %dma_start3A_504 = arith.constant 0 : i32
    %dma_start3A_505 = arith.constant 0 : i32
    %dma_start3A_506 = tpu.memref_slice %arg2[%add3A, %dma_start3A_498, %dma_start3A_504, %dma_start3A_505] : memref<32x125x80x128xf32, #tpu.memory_space<hbm>> -> memref<1x1x80x128xf32, #tpu.memory_space<hbm>>
    %dma_start3A_507 = tpu.memref_squeeze %dma_start3A_506 : memref<1x1x80x128xf32, #tpu.memory_space<hbm>> -> memref<80x128xf32, #tpu.memory_space<hbm>>
    %dma_start3A_508 = arith.constant 0 : i32
    %dma_start3A_509 = arith.constant 0 : i32
    %dma_start3A_510 = tpu.memref_slice %arg6[%dma_start3A_499, %dma_start3A_508, %dma_start3A_509] : memref<4x80x128xf32, #tpu.memory_space<vmem>> -> memref<1x80x128xf32, #tpu.memory_space<vmem>>
    %dma_start3A_511 = tpu.memref_squeeze %dma_start3A_510 : memref<1x80x128xf32, #tpu.memory_space<vmem>> -> memref<80x128xf32, #tpu.memory_space<vmem>>
    %dma_start3A_512 = arith.constant 0 : i32
    %dma_start3A_513 = arith.constant 0 : i32
    %dma_start3A_514 = tpu.memref_slice %arg2[%add3A, %dma_start3A_498, %dma_start3A_512, %dma_start3A_513] : memref<32x125x80x128xf32, #tpu.memory_space<hbm>> -> memref<1x1x80x128xf32, #tpu.memory_space<hbm>>
    %dma_start3A_515 = tpu.memref_squeeze %dma_start3A_514 : memref<1x1x80x128xf32, #tpu.memory_space<hbm>> -> memref<80x128xf32, #tpu.memory_space<hbm>>
    tpu.enqueue_dma source(%dma_start3A_515 : memref<80x128xf32, #tpu.memory_space<hbm>>) target(%dma_start3A_511 : memref<80x128xf32, #tpu.memory_space<vmem>>) target_semaphore(%arg9 : memref<!tpu.dma_semaphore, #tpu.memory_space<semaphore_mem>>)
    %dma_start3A_516 = arith.constant 2 : i32
    %dma_start3A_517 = arith.constant 1 : i32
    %dma_start3A_518 = arith.constant 6 : i32
    %dma_start3A_519 = arith.constant 0 : i32
    %dma_start3A_520 = arith.constant 0 : i32
    %dma_start3A_521 = tpu.memref_slice %arg6[%dma_start3A_516, %dma_start3A_519, %dma_start3A_520] : memref<4x80x128xf32, #tpu.memory_space<vmem>> -> memref<1x80x128xf32, #tpu.memory_space<vmem>>
    %dma_start3A_522 = tpu.memref_squeeze %dma_start3A_521 : memref<1x80x128xf32, #tpu.memory_space<vmem>> -> memref<80x128xf32, #tpu.memory_space<vmem>>
    %dma_start3A_523 = arith.constant 0 : i32
    %dma_start3A_524 = tpu.memref_slice %arg5[%dma_start3A_517, %dma_start3A_518, %dma_start3A_523] : memref<2x16x80xi32, #tpu.memory_space<vmem>> -> memref<1x1x80xi32, #tpu.memory_space<vmem>>
    %dma_start3A_525 = tpu.memref_squeeze %dma_start3A_524 : memref<1x1x80xi32, #tpu.memory_space<vmem>> -> memref<80xi32, #tpu.memory_space<vmem>>
    %dma_start3A_526 = arith.constant 0 : i32
    %dma_start3A_527 = arith.constant 0 : i32
    %dma_start3A_528 = tpu.memref_slice %arg7[%dma_start3A_526, %dma_start3A_527] : memref<10000x128xf32, #tpu.memory_space<vmem_shared>> -> memref<10000x128xf32, #tpu.memory_space<vmem_shared>>
    tpu.enqueue_indirect_dma source(%dma_start3A_522 : memref<80x128xf32, #tpu.memory_space<vmem>>) target(%dma_start3A_528 : memref<10000x128xf32, #tpu.memory_space<vmem_shared>>) offsets(%dma_start3A_525 : memref<80xi32, #tpu.memory_space<vmem>>) semaphore(%arg15 : memref<!tpu.dma_semaphore, #tpu.memory_space<semaphore_mem>>) {add = true}
    %dma_wait3A_529 = arith.constant 119 : i32
    %dma_wait3A_530 = arith.constant 3 : i32
    %dma_wait3A_531 = arith.constant 0 : i32
    %dma_wait3A_532 = arith.constant 0 : i32
    %dma_wait3A_533 = tpu.memref_slice %arg6[%dma_wait3A_530, %dma_wait3A_531, %dma_wait3A_532] : memref<4x80x128xf32, #tpu.memory_space<vmem>> -> memref<1x80x128xf32, #tpu.memory_space<vmem>>
    %dma_wait3A_534 = tpu.memref_squeeze %dma_wait3A_533 : memref<1x80x128xf32, #tpu.memory_space<vmem>> -> memref<80x128xf32, #tpu.memory_space<vmem>>
    %dma_wait3A_535 = arith.constant 0 : i32
    %dma_wait3A_536 = arith.constant 0 : i32
    %dma_wait3A_537 = tpu.memref_slice %arg2[%add3A, %dma_wait3A_529, %dma_wait3A_535, %dma_wait3A_536] : memref<32x125x80x128xf32, #tpu.memory_space<hbm>> -> memref<1x1x80x128xf32, #tpu.memory_space<hbm>>
    %dma_wait3A_538 = tpu.memref_squeeze %dma_wait3A_537 : memref<1x1x80x128xf32, #tpu.memory_space<hbm>> -> memref<80x128xf32, #tpu.memory_space<hbm>>
    %dma_wait3A_539 = arith.constant 0 : i32
    %dma_wait3A_540 = arith.constant 0 : i32
    %dma_wait3A_541 = tpu.memref_slice %arg6[%dma_wait3A_530, %dma_wait3A_539, %dma_wait3A_540] : memref<4x80x128xf32, #tpu.memory_space<vmem>> -> memref<1x80x128xf32, #tpu.memory_space<vmem>>
    %dma_wait3A_542 = tpu.memref_squeeze %dma_wait3A_541 : memref<1x80x128xf32, #tpu.memory_space<vmem>> -> memref<80x128xf32, #tpu.memory_space<vmem>>
    %dma_wait3A_543 = arith.constant 0 : i32
    %dma_wait3A_544 = arith.constant 0 : i32
    %dma_wait3A_545 = tpu.memref_slice %arg2[%add3A, %dma_wait3A_529, %dma_wait3A_543, %dma_wait3A_544] : memref<32x125x80x128xf32, #tpu.memory_space<hbm>> -> memref<1x1x80x128xf32, #tpu.memory_space<hbm>>
    %dma_wait3A_546 = tpu.memref_squeeze %dma_wait3A_545 : memref<1x1x80x128xf32, #tpu.memory_space<hbm>> -> memref<80x128xf32, #tpu.memory_space<hbm>>
    tpu.wait_dma2 semaphore(%arg11 : memref<!tpu.dma_semaphore, #tpu.memory_space<semaphore_mem>>) src(%dma_wait3A_546 : memref<80x128xf32, #tpu.memory_space<hbm>>) dst(%dma_wait3A_542 : memref<80x128xf32, #tpu.memory_space<vmem>>)
    %dma_wait3A_547 = arith.constant 2 : i32
    %dma_wait3A_548 = arith.constant 1 : i32
    %dma_wait3A_549 = arith.constant 7 : i32
    %dma_wait3A_550 = arith.constant 0 : i32
    %dma_wait3A_551 = arith.constant 0 : i32
    %dma_wait3A_552 = tpu.memref_slice %arg6[%dma_wait3A_547, %dma_wait3A_550, %dma_wait3A_551] : memref<4x80x128xf32, #tpu.memory_space<vmem>> -> memref<1x80x128xf32, #tpu.memory_space<vmem>>
    %dma_wait3A_553 = tpu.memref_squeeze %dma_wait3A_552 : memref<1x80x128xf32, #tpu.memory_space<vmem>> -> memref<80x128xf32, #tpu.memory_space<vmem>>
    %dma_wait3A_554 = arith.constant 0 : i32
    %dma_wait3A_555 = tpu.memref_slice %arg5[%dma_wait3A_548, %dma_wait3A_549, %dma_wait3A_554] : memref<2x16x80xi32, #tpu.memory_space<vmem>> -> memref<1x1x80xi32, #tpu.memory_space<vmem>>
    %dma_wait3A_556 = tpu.memref_squeeze %dma_wait3A_555 : memref<1x1x80xi32, #tpu.memory_space<vmem>> -> memref<80xi32, #tpu.memory_space<vmem>>
    %dma_wait3A_557 = arith.constant 0 : i32
    %dma_wait3A_558 = arith.constant 0 : i32
    %dma_wait3A_559 = tpu.memref_slice %arg7[%dma_wait3A_557, %dma_wait3A_558] : memref<10000x128xf32, #tpu.memory_space<vmem_shared>> -> memref<10000x128xf32, #tpu.memory_space<vmem_shared>>
    tpu.wait_indirect_dma semaphore(%arg15 : memref<!tpu.dma_semaphore, #tpu.memory_space<semaphore_mem>>) src(%dma_wait3A_553 : memref<80x128xf32, #tpu.memory_space<vmem>>) dst(%dma_wait3A_559 : memref<10000x128xf32, #tpu.memory_space<vmem_shared>>)
    %dma_start3A_560 = arith.constant 122 : i32
    %dma_start3A_561 = arith.constant 2 : i32
    %dma_start3A_562 = arith.constant 0 : i32
    %dma_start3A_563 = arith.constant 0 : i32
    %dma_start3A_564 = tpu.memref_slice %arg6[%dma_start3A_561, %dma_start3A_562, %dma_start3A_563] : memref<4x80x128xf32, #tpu.memory_space<vmem>> -> memref<1x80x128xf32, #tpu.memory_space<vmem>>
    %dma_start3A_565 = tpu.memref_squeeze %dma_start3A_564 : memref<1x80x128xf32, #tpu.memory_space<vmem>> -> memref<80x128xf32, #tpu.memory_space<vmem>>
    %dma_start3A_566 = arith.constant 0 : i32
    %dma_start3A_567 = arith.constant 0 : i32
    %dma_start3A_568 = tpu.memref_slice %arg2[%add3A, %dma_start3A_560, %dma_start3A_566, %dma_start3A_567] : memref<32x125x80x128xf32, #tpu.memory_space<hbm>> -> memref<1x1x80x128xf32, #tpu.memory_space<hbm>>
    %dma_start3A_569 = tpu.memref_squeeze %dma_start3A_568 : memref<1x1x80x128xf32, #tpu.memory_space<hbm>> -> memref<80x128xf32, #tpu.memory_space<hbm>>
    %dma_start3A_570 = arith.constant 0 : i32
    %dma_start3A_571 = arith.constant 0 : i32
    %dma_start3A_572 = tpu.memref_slice %arg6[%dma_start3A_561, %dma_start3A_570, %dma_start3A_571] : memref<4x80x128xf32, #tpu.memory_space<vmem>> -> memref<1x80x128xf32, #tpu.memory_space<vmem>>
    %dma_start3A_573 = tpu.memref_squeeze %dma_start3A_572 : memref<1x80x128xf32, #tpu.memory_space<vmem>> -> memref<80x128xf32, #tpu.memory_space<vmem>>
    %dma_start3A_574 = arith.constant 0 : i32
    %dma_start3A_575 = arith.constant 0 : i32
    %dma_start3A_576 = tpu.memref_slice %arg2[%add3A, %dma_start3A_560, %dma_start3A_574, %dma_start3A_575] : memref<32x125x80x128xf32, #tpu.memory_space<hbm>> -> memref<1x1x80x128xf32, #tpu.memory_space<hbm>>
    %dma_start3A_577 = tpu.memref_squeeze %dma_start3A_576 : memref<1x1x80x128xf32, #tpu.memory_space<hbm>> -> memref<80x128xf32, #tpu.memory_space<hbm>>
    tpu.enqueue_dma source(%dma_start3A_577 : memref<80x128xf32, #tpu.memory_space<hbm>>) target(%dma_start3A_573 : memref<80x128xf32, #tpu.memory_space<vmem>>) target_semaphore(%arg10 : memref<!tpu.dma_semaphore, #tpu.memory_space<semaphore_mem>>)
    %dma_start3A_578 = arith.constant 3 : i32
    %dma_start3A_579 = arith.constant 1 : i32
    %dma_start3A_580 = arith.constant 7 : i32
    %dma_start3A_581 = arith.constant 0 : i32
    %dma_start3A_582 = arith.constant 0 : i32
    %dma_start3A_583 = tpu.memref_slice %arg6[%dma_start3A_578, %dma_start3A_581, %dma_start3A_582] : memref<4x80x128xf32, #tpu.memory_space<vmem>> -> memref<1x80x128xf32, #tpu.memory_space<vmem>>
    %dma_start3A_584 = tpu.memref_squeeze %dma_start3A_583 : memref<1x80x128xf32, #tpu.memory_space<vmem>> -> memref<80x128xf32, #tpu.memory_space<vmem>>
    %dma_start3A_585 = arith.constant 0 : i32
    %dma_start3A_586 = tpu.memref_slice %arg5[%dma_start3A_579, %dma_start3A_580, %dma_start3A_585] : memref<2x16x80xi32, #tpu.memory_space<vmem>> -> memref<1x1x80xi32, #tpu.memory_space<vmem>>
    %dma_start3A_587 = tpu.memref_squeeze %dma_start3A_586 : memref<1x1x80xi32, #tpu.memory_space<vmem>> -> memref<80xi32, #tpu.memory_space<vmem>>
    %dma_start3A_588 = arith.constant 0 : i32
    %dma_start3A_589 = arith.constant 0 : i32
    %dma_start3A_590 = tpu.memref_slice %arg7[%dma_start3A_588, %dma_start3A_589] : memref<10000x128xf32, #tpu.memory_space<vmem_shared>> -> memref<10000x128xf32, #tpu.memory_space<vmem_shared>>
    tpu.enqueue_indirect_dma source(%dma_start3A_584 : memref<80x128xf32, #tpu.memory_space<vmem>>) target(%dma_start3A_590 : memref<10000x128xf32, #tpu.memory_space<vmem_shared>>) offsets(%dma_start3A_587 : memref<80xi32, #tpu.memory_space<vmem>>) semaphore(%arg16 : memref<!tpu.dma_semaphore, #tpu.memory_space<semaphore_mem>>) {add = true}
    %dma_wait3A_591 = arith.constant 120 : i32
    %dma_wait3A_592 = arith.constant 0 : i32
    %dma_wait3A_593 = arith.constant 0 : i32
    %dma_wait3A_594 = arith.constant 0 : i32
    %dma_wait3A_595 = tpu.memref_slice %arg6[%dma_wait3A_592, %dma_wait3A_593, %dma_wait3A_594] : memref<4x80x128xf32, #tpu.memory_space<vmem>> -> memref<1x80x128xf32, #tpu.memory_space<vmem>>
    %dma_wait3A_596 = tpu.memref_squeeze %dma_wait3A_595 : memref<1x80x128xf32, #tpu.memory_space<vmem>> -> memref<80x128xf32, #tpu.memory_space<vmem>>
    %dma_wait3A_597 = arith.constant 0 : i32
    %dma_wait3A_598 = arith.constant 0 : i32
    %dma_wait3A_599 = tpu.memref_slice %arg2[%add3A, %dma_wait3A_591, %dma_wait3A_597, %dma_wait3A_598] : memref<32x125x80x128xf32, #tpu.memory_space<hbm>> -> memref<1x1x80x128xf32, #tpu.memory_space<hbm>>
    %dma_wait3A_600 = tpu.memref_squeeze %dma_wait3A_599 : memref<1x1x80x128xf32, #tpu.memory_space<hbm>> -> memref<80x128xf32, #tpu.memory_space<hbm>>
    %dma_wait3A_601 = arith.constant 0 : i32
    %dma_wait3A_602 = arith.constant 0 : i32
    %dma_wait3A_603 = tpu.memref_slice %arg6[%dma_wait3A_592, %dma_wait3A_601, %dma_wait3A_602] : memref<4x80x128xf32, #tpu.memory_space<vmem>> -> memref<1x80x128xf32, #tpu.memory_space<vmem>>
    %dma_wait3A_604 = tpu.memref_squeeze %dma_wait3A_603 : memref<1x80x128xf32, #tpu.memory_space<vmem>> -> memref<80x128xf32, #tpu.memory_space<vmem>>
    %dma_wait3A_605 = arith.constant 0 : i32
    %dma_wait3A_606 = arith.constant 0 : i32
    %dma_wait3A_607 = tpu.memref_slice %arg2[%add3A, %dma_wait3A_591, %dma_wait3A_605, %dma_wait3A_606] : memref<32x125x80x128xf32, #tpu.memory_space<hbm>> -> memref<1x1x80x128xf32, #tpu.memory_space<hbm>>
    %dma_wait3A_608 = tpu.memref_squeeze %dma_wait3A_607 : memref<1x1x80x128xf32, #tpu.memory_space<hbm>> -> memref<80x128xf32, #tpu.memory_space<hbm>>
    tpu.wait_dma2 semaphore(%arg8 : memref<!tpu.dma_semaphore, #tpu.memory_space<semaphore_mem>>) src(%dma_wait3A_608 : memref<80x128xf32, #tpu.memory_space<hbm>>) dst(%dma_wait3A_604 : memref<80x128xf32, #tpu.memory_space<vmem>>)
    %dma_wait3A_609 = arith.constant 3 : i32
    %dma_wait3A_610 = arith.constant 1 : i32
    %dma_wait3A_611 = arith.constant 8 : i32
    %dma_wait3A_612 = arith.constant 0 : i32
    %dma_wait3A_613 = arith.constant 0 : i32
    %dma_wait3A_614 = tpu.memref_slice %arg6[%dma_wait3A_609, %dma_wait3A_612, %dma_wait3A_613] : memref<4x80x128xf32, #tpu.memory_space<vmem>> -> memref<1x80x128xf32, #tpu.memory_space<vmem>>
    %dma_wait3A_615 = tpu.memref_squeeze %dma_wait3A_614 : memref<1x80x128xf32, #tpu.memory_space<vmem>> -> memref<80x128xf32, #tpu.memory_space<vmem>>
    %dma_wait3A_616 = arith.constant 0 : i32
    %dma_wait3A_617 = tpu.memref_slice %arg5[%dma_wait3A_610, %dma_wait3A_611, %dma_wait3A_616] : memref<2x16x80xi32, #tpu.memory_space<vmem>> -> memref<1x1x80xi32, #tpu.memory_space<vmem>>
    %dma_wait3A_618 = tpu.memref_squeeze %dma_wait3A_617 : memref<1x1x80xi32, #tpu.memory_space<vmem>> -> memref<80xi32, #tpu.memory_space<vmem>>
    %dma_wait3A_619 = arith.constant 0 : i32
    %dma_wait3A_620 = arith.constant 0 : i32
    %dma_wait3A_621 = tpu.memref_slice %arg7[%dma_wait3A_619, %dma_wait3A_620] : memref<10000x128xf32, #tpu.memory_space<vmem_shared>> -> memref<10000x128xf32, #tpu.memory_space<vmem_shared>>
    tpu.wait_indirect_dma semaphore(%arg16 : memref<!tpu.dma_semaphore, #tpu.memory_space<semaphore_mem>>) src(%dma_wait3A_615 : memref<80x128xf32, #tpu.memory_space<vmem>>) dst(%dma_wait3A_621 : memref<10000x128xf32, #tpu.memory_space<vmem_shared>>)
    %dma_start3A_622 = arith.constant 123 : i32
    %dma_start3A_623 = arith.constant 3 : i32
    %dma_start3A_624 = arith.constant 0 : i32
    %dma_start3A_625 = arith.constant 0 : i32
    %dma_start3A_626 = tpu.memref_slice %arg6[%dma_start3A_623, %dma_start3A_624, %dma_start3A_625] : memref<4x80x128xf32, #tpu.memory_space<vmem>> -> memref<1x80x128xf32, #tpu.memory_space<vmem>>
    %dma_start3A_627 = tpu.memref_squeeze %dma_start3A_626 : memref<1x80x128xf32, #tpu.memory_space<vmem>> -> memref<80x128xf32, #tpu.memory_space<vmem>>
    %dma_start3A_628 = arith.constant 0 : i32
    %dma_start3A_629 = arith.constant 0 : i32
    %dma_start3A_630 = tpu.memref_slice %arg2[%add3A, %dma_start3A_622, %dma_start3A_628, %dma_start3A_629] : memref<32x125x80x128xf32, #tpu.memory_space<hbm>> -> memref<1x1x80x128xf32, #tpu.memory_space<hbm>>
    %dma_start3A_631 = tpu.memref_squeeze %dma_start3A_630 : memref<1x1x80x128xf32, #tpu.memory_space<hbm>> -> memref<80x128xf32, #tpu.memory_space<hbm>>
    %dma_start3A_632 = arith.constant 0 : i32
    %dma_start3A_633 = arith.constant 0 : i32
    %dma_start3A_634 = tpu.memref_slice %arg6[%dma_start3A_623, %dma_start3A_632, %dma_start3A_633] : memref<4x80x128xf32, #tpu.memory_space<vmem>> -> memref<1x80x128xf32, #tpu.memory_space<vmem>>
    %dma_start3A_635 = tpu.memref_squeeze %dma_start3A_634 : memref<1x80x128xf32, #tpu.memory_space<vmem>> -> memref<80x128xf32, #tpu.memory_space<vmem>>
    %dma_start3A_636 = arith.constant 0 : i32
    %dma_start3A_637 = arith.constant 0 : i32
    %dma_start3A_638 = tpu.memref_slice %arg2[%add3A, %dma_start3A_622, %dma_start3A_636, %dma_start3A_637] : memref<32x125x80x128xf32, #tpu.memory_space<hbm>> -> memref<1x1x80x128xf32, #tpu.memory_space<hbm>>
    %dma_start3A_639 = tpu.memref_squeeze %dma_start3A_638 : memref<1x1x80x128xf32, #tpu.memory_space<hbm>> -> memref<80x128xf32, #tpu.memory_space<hbm>>
    tpu.enqueue_dma source(%dma_start3A_639 : memref<80x128xf32, #tpu.memory_space<hbm>>) target(%dma_start3A_635 : memref<80x128xf32, #tpu.memory_space<vmem>>) target_semaphore(%arg11 : memref<!tpu.dma_semaphore, #tpu.memory_space<semaphore_mem>>)
    %dma_start3A_640 = arith.constant 0 : i32
    %dma_start3A_641 = arith.constant 1 : i32
    %dma_start3A_642 = arith.constant 8 : i32
    %dma_start3A_643 = arith.constant 0 : i32
    %dma_start3A_644 = arith.constant 0 : i32
    %dma_start3A_645 = tpu.memref_slice %arg6[%dma_start3A_640, %dma_start3A_643, %dma_start3A_644] : memref<4x80x128xf32, #tpu.memory_space<vmem>> -> memref<1x80x128xf32, #tpu.memory_space<vmem>>
    %dma_start3A_646 = tpu.memref_squeeze %dma_start3A_645 : memref<1x80x128xf32, #tpu.memory_space<vmem>> -> memref<80x128xf32, #tpu.memory_space<vmem>>
    %dma_start3A_647 = arith.constant 0 : i32
    %dma_start3A_648 = tpu.memref_slice %arg5[%dma_start3A_641, %dma_start3A_642, %dma_start3A_647] : memref<2x16x80xi32, #tpu.memory_space<vmem>> -> memref<1x1x80xi32, #tpu.memory_space<vmem>>
    %dma_start3A_649 = tpu.memref_squeeze %dma_start3A_648 : memref<1x1x80xi32, #tpu.memory_space<vmem>> -> memref<80xi32, #tpu.memory_space<vmem>>
    %dma_start3A_650 = arith.constant 0 : i32
    %dma_start3A_651 = arith.constant 0 : i32
    %dma_start3A_652 = tpu.memref_slice %arg7[%dma_start3A_650, %dma_start3A_651] : memref<10000x128xf32, #tpu.memory_space<vmem_shared>> -> memref<10000x128xf32, #tpu.memory_space<vmem_shared>>
    tpu.enqueue_indirect_dma source(%dma_start3A_646 : memref<80x128xf32, #tpu.memory_space<vmem>>) target(%dma_start3A_652 : memref<10000x128xf32, #tpu.memory_space<vmem_shared>>) offsets(%dma_start3A_649 : memref<80xi32, #tpu.memory_space<vmem>>) semaphore(%arg13 : memref<!tpu.dma_semaphore, #tpu.memory_space<semaphore_mem>>) {add = true}
    %dma_wait3A_653 = arith.constant 121 : i32
    %dma_wait3A_654 = arith.constant 1 : i32
    %dma_wait3A_655 = arith.constant 0 : i32
    %dma_wait3A_656 = arith.constant 0 : i32
    %dma_wait3A_657 = tpu.memref_slice %arg6[%dma_wait3A_654, %dma_wait3A_655, %dma_wait3A_656] : memref<4x80x128xf32, #tpu.memory_space<vmem>> -> memref<1x80x128xf32, #tpu.memory_space<vmem>>
    %dma_wait3A_658 = tpu.memref_squeeze %dma_wait3A_657 : memref<1x80x128xf32, #tpu.memory_space<vmem>> -> memref<80x128xf32, #tpu.memory_space<vmem>>
    %dma_wait3A_659 = arith.constant 0 : i32
    %dma_wait3A_660 = arith.constant 0 : i32
    %dma_wait3A_661 = tpu.memref_slice %arg2[%add3A, %dma_wait3A_653, %dma_wait3A_659, %dma_wait3A_660] : memref<32x125x80x128xf32, #tpu.memory_space<hbm>> -> memref<1x1x80x128xf32, #tpu.memory_space<hbm>>
    %dma_wait3A_662 = tpu.memref_squeeze %dma_wait3A_661 : memref<1x1x80x128xf32, #tpu.memory_space<hbm>> -> memref<80x128xf32, #tpu.memory_space<hbm>>
    %dma_wait3A_663 = arith.constant 0 : i32
    %dma_wait3A_664 = arith.constant 0 : i32
    %dma_wait3A_665 = tpu.memref_slice %arg6[%dma_wait3A_654, %dma_wait3A_663, %dma_wait3A_664] : memref<4x80x128xf32, #tpu.memory_space<vmem>> -> memref<1x80x128xf32, #tpu.memory_space<vmem>>
    %dma_wait3A_666 = tpu.memref_squeeze %dma_wait3A_665 : memref<1x80x128xf32, #tpu.memory_space<vmem>> -> memref<80x128xf32, #tpu.memory_space<vmem>>
    %dma_wait3A_667 = arith.constant 0 : i32
    %dma_wait3A_668 = arith.constant 0 : i32
    %dma_wait3A_669 = tpu.memref_slice %arg2[%add3A, %dma_wait3A_653, %dma_wait3A_667, %dma_wait3A_668] : memref<32x125x80x128xf32, #tpu.memory_space<hbm>> -> memref<1x1x80x128xf32, #tpu.memory_space<hbm>>
    %dma_wait3A_670 = tpu.memref_squeeze %dma_wait3A_669 : memref<1x1x80x128xf32, #tpu.memory_space<hbm>> -> memref<80x128xf32, #tpu.memory_space<hbm>>
    tpu.wait_dma2 semaphore(%arg9 : memref<!tpu.dma_semaphore, #tpu.memory_space<semaphore_mem>>) src(%dma_wait3A_670 : memref<80x128xf32, #tpu.memory_space<hbm>>) dst(%dma_wait3A_666 : memref<80x128xf32, #tpu.memory_space<vmem>>)
    %dma_wait3A_671 = arith.constant 0 : i32
    %dma_wait3A_672 = arith.constant 1 : i32
    %dma_wait3A_673 = arith.constant 9 : i32
    %dma_wait3A_674 = arith.constant 0 : i32
    %dma_wait3A_675 = arith.constant 0 : i32
    %dma_wait3A_676 = tpu.memref_slice %arg6[%dma_wait3A_671, %dma_wait3A_674, %dma_wait3A_675] : memref<4x80x128xf32, #tpu.memory_space<vmem>> -> memref<1x80x128xf32, #tpu.memory_space<vmem>>
    %dma_wait3A_677 = tpu.memref_squeeze %dma_wait3A_676 : memref<1x80x128xf32, #tpu.memory_space<vmem>> -> memref<80x128xf32, #tpu.memory_space<vmem>>
    %dma_wait3A_678 = arith.constant 0 : i32
    %dma_wait3A_679 = tpu.memref_slice %arg5[%dma_wait3A_672, %dma_wait3A_673, %dma_wait3A_678] : memref<2x16x80xi32, #tpu.memory_space<vmem>> -> memref<1x1x80xi32, #tpu.memory_space<vmem>>
    %dma_wait3A_680 = tpu.memref_squeeze %dma_wait3A_679 : memref<1x1x80xi32, #tpu.memory_space<vmem>> -> memref<80xi32, #tpu.memory_space<vmem>>
    %dma_wait3A_681 = arith.constant 0 : i32
    %dma_wait3A_682 = arith.constant 0 : i32
    %dma_wait3A_683 = tpu.memref_slice %arg7[%dma_wait3A_681, %dma_wait3A_682] : memref<10000x128xf32, #tpu.memory_space<vmem_shared>> -> memref<10000x128xf32, #tpu.memory_space<vmem_shared>>
    tpu.wait_indirect_dma semaphore(%arg13 : memref<!tpu.dma_semaphore, #tpu.memory_space<semaphore_mem>>) src(%dma_wait3A_677 : memref<80x128xf32, #tpu.memory_space<vmem>>) dst(%dma_wait3A_683 : memref<10000x128xf32, #tpu.memory_space<vmem_shared>>)
    %dma_start3A_684 = arith.constant 124 : i32
    %dma_start3A_685 = arith.constant 0 : i32
    %dma_start3A_686 = arith.constant 0 : i32
    %dma_start3A_687 = arith.constant 0 : i32
    %dma_start3A_688 = tpu.memref_slice %arg6[%dma_start3A_685, %dma_start3A_686, %dma_start3A_687] : memref<4x80x128xf32, #tpu.memory_space<vmem>> -> memref<1x80x128xf32, #tpu.memory_space<vmem>>
    %dma_start3A_689 = tpu.memref_squeeze %dma_start3A_688 : memref<1x80x128xf32, #tpu.memory_space<vmem>> -> memref<80x128xf32, #tpu.memory_space<vmem>>
    %dma_start3A_690 = arith.constant 0 : i32
    %dma_start3A_691 = arith.constant 0 : i32
    %dma_start3A_692 = tpu.memref_slice %arg2[%add3A, %dma_start3A_684, %dma_start3A_690, %dma_start3A_691] : memref<32x125x80x128xf32, #tpu.memory_space<hbm>> -> memref<1x1x80x128xf32, #tpu.memory_space<hbm>>
    %dma_start3A_693 = tpu.memref_squeeze %dma_start3A_692 : memref<1x1x80x128xf32, #tpu.memory_space<hbm>> -> memref<80x128xf32, #tpu.memory_space<hbm>>
    %dma_start3A_694 = arith.constant 0 : i32
    %dma_start3A_695 = arith.constant 0 : i32
    %dma_start3A_696 = tpu.memref_slice %arg6[%dma_start3A_685, %dma_start3A_694, %dma_start3A_695] : memref<4x80x128xf32, #tpu.memory_space<vmem>> -> memref<1x80x128xf32, #tpu.memory_space<vmem>>
    %dma_start3A_697 = tpu.memref_squeeze %dma_start3A_696 : memref<1x80x128xf32, #tpu.memory_space<vmem>> -> memref<80x128xf32, #tpu.memory_space<vmem>>
    %dma_start3A_698 = arith.constant 0 : i32
    %dma_start3A_699 = arith.constant 0 : i32
    %dma_start3A_700 = tpu.memref_slice %arg2[%add3A, %dma_start3A_684, %dma_start3A_698, %dma_start3A_699] : memref<32x125x80x128xf32, #tpu.memory_space<hbm>> -> memref<1x1x80x128xf32, #tpu.memory_space<hbm>>
    %dma_start3A_701 = tpu.memref_squeeze %dma_start3A_700 : memref<1x1x80x128xf32, #tpu.memory_space<hbm>> -> memref<80x128xf32, #tpu.memory_space<hbm>>
    tpu.enqueue_dma source(%dma_start3A_701 : memref<80x128xf32, #tpu.memory_space<hbm>>) target(%dma_start3A_697 : memref<80x128xf32, #tpu.memory_space<vmem>>) target_semaphore(%arg8 : memref<!tpu.dma_semaphore, #tpu.memory_space<semaphore_mem>>)
    %dma_start3A_702 = arith.constant 1 : i32
    %dma_start3A_703 = arith.constant 1 : i32
    %dma_start3A_704 = arith.constant 9 : i32
    %dma_start3A_705 = arith.constant 0 : i32
    %dma_start3A_706 = arith.constant 0 : i32
    %dma_start3A_707 = tpu.memref_slice %arg6[%dma_start3A_702, %dma_start3A_705, %dma_start3A_706] : memref<4x80x128xf32, #tpu.memory_space<vmem>> -> memref<1x80x128xf32, #tpu.memory_space<vmem>>
    %dma_start3A_708 = tpu.memref_squeeze %dma_start3A_707 : memref<1x80x128xf32, #tpu.memory_space<vmem>> -> memref<80x128xf32, #tpu.memory_space<vmem>>
    %dma_start3A_709 = arith.constant 0 : i32
    %dma_start3A_710 = tpu.memref_slice %arg5[%dma_start3A_703, %dma_start3A_704, %dma_start3A_709] : memref<2x16x80xi32, #tpu.memory_space<vmem>> -> memref<1x1x80xi32, #tpu.memory_space<vmem>>
    %dma_start3A_711 = tpu.memref_squeeze %dma_start3A_710 : memref<1x1x80xi32, #tpu.memory_space<vmem>> -> memref<80xi32, #tpu.memory_space<vmem>>
    %dma_start3A_712 = arith.constant 0 : i32
    %dma_start3A_713 = arith.constant 0 : i32
    %dma_start3A_714 = tpu.memref_slice %arg7[%dma_start3A_712, %dma_start3A_713] : memref<10000x128xf32, #tpu.memory_space<vmem_shared>> -> memref<10000x128xf32, #tpu.memory_space<vmem_shared>>
    tpu.enqueue_indirect_dma source(%dma_start3A_708 : memref<80x128xf32, #tpu.memory_space<vmem>>) target(%dma_start3A_714 : memref<10000x128xf32, #tpu.memory_space<vmem_shared>>) offsets(%dma_start3A_711 : memref<80xi32, #tpu.memory_space<vmem>>) semaphore(%arg14 : memref<!tpu.dma_semaphore, #tpu.memory_space<semaphore_mem>>) {add = true}
    %dma_wait3A_715 = arith.constant 122 : i32
    %dma_wait3A_716 = arith.constant 2 : i32
    %dma_wait3A_717 = arith.constant 0 : i32
    %dma_wait3A_718 = arith.constant 0 : i32
    %dma_wait3A_719 = tpu.memref_slice %arg6[%dma_wait3A_716, %dma_wait3A_717, %dma_wait3A_718] : memref<4x80x128xf32, #tpu.memory_space<vmem>> -> memref<1x80x128xf32, #tpu.memory_space<vmem>>
    %dma_wait3A_720 = tpu.memref_squeeze %dma_wait3A_719 : memref<1x80x128xf32, #tpu.memory_space<vmem>> -> memref<80x128xf32, #tpu.memory_space<vmem>>
    %dma_wait3A_721 = arith.constant 0 : i32
    %dma_wait3A_722 = arith.constant 0 : i32
    %dma_wait3A_723 = tpu.memref_slice %arg2[%add3A, %dma_wait3A_715, %dma_wait3A_721, %dma_wait3A_722] : memref<32x125x80x128xf32, #tpu.memory_space<hbm>> -> memref<1x1x80x128xf32, #tpu.memory_space<hbm>>
    %dma_wait3A_724 = tpu.memref_squeeze %dma_wait3A_723 : memref<1x1x80x128xf32, #tpu.memory_space<hbm>> -> memref<80x128xf32, #tpu.memory_space<hbm>>
    %dma_wait3A_725 = arith.constant 0 : i32
    %dma_wait3A_726 = arith.constant 0 : i32
    %dma_wait3A_727 = tpu.memref_slice %arg6[%dma_wait3A_716, %dma_wait3A_725, %dma_wait3A_726] : memref<4x80x128xf32, #tpu.memory_space<vmem>> -> memref<1x80x128xf32, #tpu.memory_space<vmem>>
    %dma_wait3A_728 = tpu.memref_squeeze %dma_wait3A_727 : memref<1x80x128xf32, #tpu.memory_space<vmem>> -> memref<80x128xf32, #tpu.memory_space<vmem>>
    %dma_wait3A_729 = arith.constant 0 : i32
    %dma_wait3A_730 = arith.constant 0 : i32
    %dma_wait3A_731 = tpu.memref_slice %arg2[%add3A, %dma_wait3A_715, %dma_wait3A_729, %dma_wait3A_730] : memref<32x125x80x128xf32, #tpu.memory_space<hbm>> -> memref<1x1x80x128xf32, #tpu.memory_space<hbm>>
    %dma_wait3A_732 = tpu.memref_squeeze %dma_wait3A_731 : memref<1x1x80x128xf32, #tpu.memory_space<hbm>> -> memref<80x128xf32, #tpu.memory_space<hbm>>
    tpu.wait_dma2 semaphore(%arg10 : memref<!tpu.dma_semaphore, #tpu.memory_space<semaphore_mem>>) src(%dma_wait3A_732 : memref<80x128xf32, #tpu.memory_space<hbm>>) dst(%dma_wait3A_728 : memref<80x128xf32, #tpu.memory_space<vmem>>)
    %dma_wait3A_733 = arith.constant 1 : i32
    %dma_wait3A_734 = arith.constant 1 : i32
    %dma_wait3A_735 = arith.constant 10 : i32
    %dma_wait3A_736 = arith.constant 0 : i32
    %dma_wait3A_737 = arith.constant 0 : i32
    %dma_wait3A_738 = tpu.memref_slice %arg6[%dma_wait3A_733, %dma_wait3A_736, %dma_wait3A_737] : memref<4x80x128xf32, #tpu.memory_space<vmem>> -> memref<1x80x128xf32, #tpu.memory_space<vmem>>
    %dma_wait3A_739 = tpu.memref_squeeze %dma_wait3A_738 : memref<1x80x128xf32, #tpu.memory_space<vmem>> -> memref<80x128xf32, #tpu.memory_space<vmem>>
    %dma_wait3A_740 = arith.constant 0 : i32
    %dma_wait3A_741 = tpu.memref_slice %arg5[%dma_wait3A_734, %dma_wait3A_735, %dma_wait3A_740] : memref<2x16x80xi32, #tpu.memory_space<vmem>> -> memref<1x1x80xi32, #tpu.memory_space<vmem>>
    %dma_wait3A_742 = tpu.memref_squeeze %dma_wait3A_741 : memref<1x1x80xi32, #tpu.memory_space<vmem>> -> memref<80xi32, #tpu.memory_space<vmem>>
    %dma_wait3A_743 = arith.constant 0 : i32
    %dma_wait3A_744 = arith.constant 0 : i32
    %dma_wait3A_745 = tpu.memref_slice %arg7[%dma_wait3A_743, %dma_wait3A_744] : memref<10000x128xf32, #tpu.memory_space<vmem_shared>> -> memref<10000x128xf32, #tpu.memory_space<vmem_shared>>
    tpu.wait_indirect_dma semaphore(%arg14 : memref<!tpu.dma_semaphore, #tpu.memory_space<semaphore_mem>>) src(%dma_wait3A_739 : memref<80x128xf32, #tpu.memory_space<vmem>>) dst(%dma_wait3A_745 : memref<10000x128xf32, #tpu.memory_space<vmem_shared>>)
    %dma_start3A_746 = arith.constant 2 : i32
    %dma_start3A_747 = arith.constant 1 : i32
    %dma_start3A_748 = arith.constant 10 : i32
    %dma_start3A_749 = arith.constant 0 : i32
    %dma_start3A_750 = arith.constant 0 : i32
    %dma_start3A_751 = tpu.memref_slice %arg6[%dma_start3A_746, %dma_start3A_749, %dma_start3A_750] : memref<4x80x128xf32, #tpu.memory_space<vmem>> -> memref<1x80x128xf32, #tpu.memory_space<vmem>>
    %dma_start3A_752 = tpu.memref_squeeze %dma_start3A_751 : memref<1x80x128xf32, #tpu.memory_space<vmem>> -> memref<80x128xf32, #tpu.memory_space<vmem>>
    %dma_start3A_753 = arith.constant 0 : i32
    %dma_start3A_754 = tpu.memref_slice %arg5[%dma_start3A_747, %dma_start3A_748, %dma_start3A_753] : memref<2x16x80xi32, #tpu.memory_space<vmem>> -> memref<1x1x80xi32, #tpu.memory_space<vmem>>
    %dma_start3A_755 = tpu.memref_squeeze %dma_start3A_754 : memref<1x1x80xi32, #tpu.memory_space<vmem>> -> memref<80xi32, #tpu.memory_space<vmem>>
    %dma_start3A_756 = arith.constant 0 : i32
    %dma_start3A_757 = arith.constant 0 : i32
    %dma_start3A_758 = tpu.memref_slice %arg7[%dma_start3A_756, %dma_start3A_757] : memref<10000x128xf32, #tpu.memory_space<vmem_shared>> -> memref<10000x128xf32, #tpu.memory_space<vmem_shared>>
    tpu.enqueue_indirect_dma source(%dma_start3A_752 : memref<80x128xf32, #tpu.memory_space<vmem>>) target(%dma_start3A_758 : memref<10000x128xf32, #tpu.memory_space<vmem_shared>>) offsets(%dma_start3A_755 : memref<80xi32, #tpu.memory_space<vmem>>) semaphore(%arg15 : memref<!tpu.dma_semaphore, #tpu.memory_space<semaphore_mem>>) {add = true}
    %dma_wait3A_759 = arith.constant 123 : i32
    %dma_wait3A_760 = arith.constant 3 : i32
    %dma_wait3A_761 = arith.constant 0 : i32
    %dma_wait3A_762 = arith.constant 0 : i32
    %dma_wait3A_763 = tpu.memref_slice %arg6[%dma_wait3A_760, %dma_wait3A_761, %dma_wait3A_762] : memref<4x80x128xf32, #tpu.memory_space<vmem>> -> memref<1x80x128xf32, #tpu.memory_space<vmem>>
    %dma_wait3A_764 = tpu.memref_squeeze %dma_wait3A_763 : memref<1x80x128xf32, #tpu.memory_space<vmem>> -> memref<80x128xf32, #tpu.memory_space<vmem>>
    %dma_wait3A_765 = arith.constant 0 : i32
    %dma_wait3A_766 = arith.constant 0 : i32
    %dma_wait3A_767 = tpu.memref_slice %arg2[%add3A, %dma_wait3A_759, %dma_wait3A_765, %dma_wait3A_766] : memref<32x125x80x128xf32, #tpu.memory_space<hbm>> -> memref<1x1x80x128xf32, #tpu.memory_space<hbm>>
    %dma_wait3A_768 = tpu.memref_squeeze %dma_wait3A_767 : memref<1x1x80x128xf32, #tpu.memory_space<hbm>> -> memref<80x128xf32, #tpu.memory_space<hbm>>
    %dma_wait3A_769 = arith.constant 0 : i32
    %dma_wait3A_770 = arith.constant 0 : i32
    %dma_wait3A_771 = tpu.memref_slice %arg6[%dma_wait3A_760, %dma_wait3A_769, %dma_wait3A_770] : memref<4x80x128xf32, #tpu.memory_space<vmem>> -> memref<1x80x128xf32, #tpu.memory_space<vmem>>
    %dma_wait3A_772 = tpu.memref_squeeze %dma_wait3A_771 : memref<1x80x128xf32, #tpu.memory_space<vmem>> -> memref<80x128xf32, #tpu.memory_space<vmem>>
    %dma_wait3A_773 = arith.constant 0 : i32
    %dma_wait3A_774 = arith.constant 0 : i32
    %dma_wait3A_775 = tpu.memref_slice %arg2[%add3A, %dma_wait3A_759, %dma_wait3A_773, %dma_wait3A_774] : memref<32x125x80x128xf32, #tpu.memory_space<hbm>> -> memref<1x1x80x128xf32, #tpu.memory_space<hbm>>
    %dma_wait3A_776 = tpu.memref_squeeze %dma_wait3A_775 : memref<1x1x80x128xf32, #tpu.memory_space<hbm>> -> memref<80x128xf32, #tpu.memory_space<hbm>>
    tpu.wait_dma2 semaphore(%arg11 : memref<!tpu.dma_semaphore, #tpu.memory_space<semaphore_mem>>) src(%dma_wait3A_776 : memref<80x128xf32, #tpu.memory_space<hbm>>) dst(%dma_wait3A_772 : memref<80x128xf32, #tpu.memory_space<vmem>>)
    %dma_wait3A_777 = arith.constant 2 : i32
    %dma_wait3A_778 = arith.constant 1 : i32
    %dma_wait3A_779 = arith.constant 11 : i32
    %dma_wait3A_780 = arith.constant 0 : i32
    %dma_wait3A_781 = arith.constant 0 : i32
    %dma_wait3A_782 = tpu.memref_slice %arg6[%dma_wait3A_777, %dma_wait3A_780, %dma_wait3A_781] : memref<4x80x128xf32, #tpu.memory_space<vmem>> -> memref<1x80x128xf32, #tpu.memory_space<vmem>>
    %dma_wait3A_783 = tpu.memref_squeeze %dma_wait3A_782 : memref<1x80x128xf32, #tpu.memory_space<vmem>> -> memref<80x128xf32, #tpu.memory_space<vmem>>
    %dma_wait3A_784 = arith.constant 0 : i32
    %dma_wait3A_785 = tpu.memref_slice %arg5[%dma_wait3A_778, %dma_wait3A_779, %dma_wait3A_784] : memref<2x16x80xi32, #tpu.memory_space<vmem>> -> memref<1x1x80xi32, #tpu.memory_space<vmem>>
    %dma_wait3A_786 = tpu.memref_squeeze %dma_wait3A_785 : memref<1x1x80xi32, #tpu.memory_space<vmem>> -> memref<80xi32, #tpu.memory_space<vmem>>
    %dma_wait3A_787 = arith.constant 0 : i32
    %dma_wait3A_788 = arith.constant 0 : i32
    %dma_wait3A_789 = tpu.memref_slice %arg7[%dma_wait3A_787, %dma_wait3A_788] : memref<10000x128xf32, #tpu.memory_space<vmem_shared>> -> memref<10000x128xf32, #tpu.memory_space<vmem_shared>>
    tpu.wait_indirect_dma semaphore(%arg15 : memref<!tpu.dma_semaphore, #tpu.memory_space<semaphore_mem>>) src(%dma_wait3A_783 : memref<80x128xf32, #tpu.memory_space<vmem>>) dst(%dma_wait3A_789 : memref<10000x128xf32, #tpu.memory_space<vmem_shared>>)
    %dma_start3A_790 = arith.constant 3 : i32
    %dma_start3A_791 = arith.constant 1 : i32
    %dma_start3A_792 = arith.constant 11 : i32
    %dma_start3A_793 = arith.constant 0 : i32
    %dma_start3A_794 = arith.constant 0 : i32
    %dma_start3A_795 = tpu.memref_slice %arg6[%dma_start3A_790, %dma_start3A_793, %dma_start3A_794] : memref<4x80x128xf32, #tpu.memory_space<vmem>> -> memref<1x80x128xf32, #tpu.memory_space<vmem>>
    %dma_start3A_796 = tpu.memref_squeeze %dma_start3A_795 : memref<1x80x128xf32, #tpu.memory_space<vmem>> -> memref<80x128xf32, #tpu.memory_space<vmem>>
    %dma_start3A_797 = arith.constant 0 : i32
    %dma_start3A_798 = tpu.memref_slice %arg5[%dma_start3A_791, %dma_start3A_792, %dma_start3A_797] : memref<2x16x80xi32, #tpu.memory_space<vmem>> -> memref<1x1x80xi32, #tpu.memory_space<vmem>>
    %dma_start3A_799 = tpu.memref_squeeze %dma_start3A_798 : memref<1x1x80xi32, #tpu.memory_space<vmem>> -> memref<80xi32, #tpu.memory_space<vmem>>
    %dma_start3A_800 = arith.constant 0 : i32
    %dma_start3A_801 = arith.constant 0 : i32
    %dma_start3A_802 = tpu.memref_slice %arg7[%dma_start3A_800, %dma_start3A_801] : memref<10000x128xf32, #tpu.memory_space<vmem_shared>> -> memref<10000x128xf32, #tpu.memory_space<vmem_shared>>
    tpu.enqueue_indirect_dma source(%dma_start3A_796 : memref<80x128xf32, #tpu.memory_space<vmem>>) target(%dma_start3A_802 : memref<10000x128xf32, #tpu.memory_space<vmem_shared>>) offsets(%dma_start3A_799 : memref<80xi32, #tpu.memory_space<vmem>>) semaphore(%arg16 : memref<!tpu.dma_semaphore, #tpu.memory_space<semaphore_mem>>) {add = true}
    %dma_wait3A_803 = arith.constant 124 : i32
    %dma_wait3A_804 = arith.constant 0 : i32
    %dma_wait3A_805 = arith.constant 0 : i32
    %dma_wait3A_806 = arith.constant 0 : i32
    %dma_wait3A_807 = tpu.memref_slice %arg6[%dma_wait3A_804, %dma_wait3A_805, %dma_wait3A_806] : memref<4x80x128xf32, #tpu.memory_space<vmem>> -> memref<1x80x128xf32, #tpu.memory_space<vmem>>
    %dma_wait3A_808 = tpu.memref_squeeze %dma_wait3A_807 : memref<1x80x128xf32, #tpu.memory_space<vmem>> -> memref<80x128xf32, #tpu.memory_space<vmem>>
    %dma_wait3A_809 = arith.constant 0 : i32
    %dma_wait3A_810 = arith.constant 0 : i32
    %dma_wait3A_811 = tpu.memref_slice %arg2[%add3A, %dma_wait3A_803, %dma_wait3A_809, %dma_wait3A_810] : memref<32x125x80x128xf32, #tpu.memory_space<hbm>> -> memref<1x1x80x128xf32, #tpu.memory_space<hbm>>
    %dma_wait3A_812 = tpu.memref_squeeze %dma_wait3A_811 : memref<1x1x80x128xf32, #tpu.memory_space<hbm>> -> memref<80x128xf32, #tpu.memory_space<hbm>>
    %dma_wait3A_813 = arith.constant 0 : i32
    %dma_wait3A_814 = arith.constant 0 : i32
    %dma_wait3A_815 = tpu.memref_slice %arg6[%dma_wait3A_804, %dma_wait3A_813, %dma_wait3A_814] : memref<4x80x128xf32, #tpu.memory_space<vmem>> -> memref<1x80x128xf32, #tpu.memory_space<vmem>>
    %dma_wait3A_816 = tpu.memref_squeeze %dma_wait3A_815 : memref<1x80x128xf32, #tpu.memory_space<vmem>> -> memref<80x128xf32, #tpu.memory_space<vmem>>
    %dma_wait3A_817 = arith.constant 0 : i32
    %dma_wait3A_818 = arith.constant 0 : i32
    %dma_wait3A_819 = tpu.memref_slice %arg2[%add3A, %dma_wait3A_803, %dma_wait3A_817, %dma_wait3A_818] : memref<32x125x80x128xf32, #tpu.memory_space<hbm>> -> memref<1x1x80x128xf32, #tpu.memory_space<hbm>>
    %dma_wait3A_820 = tpu.memref_squeeze %dma_wait3A_819 : memref<1x1x80x128xf32, #tpu.memory_space<hbm>> -> memref<80x128xf32, #tpu.memory_space<hbm>>
    tpu.wait_dma2 semaphore(%arg8 : memref<!tpu.dma_semaphore, #tpu.memory_space<semaphore_mem>>) src(%dma_wait3A_820 : memref<80x128xf32, #tpu.memory_space<hbm>>) dst(%dma_wait3A_816 : memref<80x128xf32, #tpu.memory_space<vmem>>)
    %dma_wait3A_821 = arith.constant 3 : i32
    %dma_wait3A_822 = arith.constant 1 : i32
    %dma_wait3A_823 = arith.constant 12 : i32
    %dma_wait3A_824 = arith.constant 0 : i32
    %dma_wait3A_825 = arith.constant 0 : i32
    %dma_wait3A_826 = tpu.memref_slice %arg6[%dma_wait3A_821, %dma_wait3A_824, %dma_wait3A_825] : memref<4x80x128xf32, #tpu.memory_space<vmem>> -> memref<1x80x128xf32, #tpu.memory_space<vmem>>
    %dma_wait3A_827 = tpu.memref_squeeze %dma_wait3A_826 : memref<1x80x128xf32, #tpu.memory_space<vmem>> -> memref<80x128xf32, #tpu.memory_space<vmem>>
    %dma_wait3A_828 = arith.constant 0 : i32
    %dma_wait3A_829 = tpu.memref_slice %arg5[%dma_wait3A_822, %dma_wait3A_823, %dma_wait3A_828] : memref<2x16x80xi32, #tpu.memory_space<vmem>> -> memref<1x1x80xi32, #tpu.memory_space<vmem>>
    %dma_wait3A_830 = tpu.memref_squeeze %dma_wait3A_829 : memref<1x1x80xi32, #tpu.memory_space<vmem>> -> memref<80xi32, #tpu.memory_space<vmem>>
    %dma_wait3A_831 = arith.constant 0 : i32
    %dma_wait3A_832 = arith.constant 0 : i32
    %dma_wait3A_833 = tpu.memref_slice %arg7[%dma_wait3A_831, %dma_wait3A_832] : memref<10000x128xf32, #tpu.memory_space<vmem_shared>> -> memref<10000x128xf32, #tpu.memory_space<vmem_shared>>
    tpu.wait_indirect_dma semaphore(%arg16 : memref<!tpu.dma_semaphore, #tpu.memory_space<semaphore_mem>>) src(%dma_wait3A_827 : memref<80x128xf32, #tpu.memory_space<vmem>>) dst(%dma_wait3A_833 : memref<10000x128xf32, #tpu.memory_space<vmem_shared>>)
    %dma_start3A_834 = arith.constant 0 : i32
    %dma_start3A_835 = arith.constant 1 : i32
    %dma_start3A_836 = arith.constant 12 : i32
    %dma_start3A_837 = arith.constant 0 : i32
    %dma_start3A_838 = arith.constant 0 : i32
    %dma_start3A_839 = tpu.memref_slice %arg6[%dma_start3A_834, %dma_start3A_837, %dma_start3A_838] : memref<4x80x128xf32, #tpu.memory_space<vmem>> -> memref<1x80x128xf32, #tpu.memory_space<vmem>>
    %dma_start3A_840 = tpu.memref_squeeze %dma_start3A_839 : memref<1x80x128xf32, #tpu.memory_space<vmem>> -> memref<80x128xf32, #tpu.memory_space<vmem>>
    %dma_start3A_841 = arith.constant 0 : i32
    %dma_start3A_842 = tpu.memref_slice %arg5[%dma_start3A_835, %dma_start3A_836, %dma_start3A_841] : memref<2x16x80xi32, #tpu.memory_space<vmem>> -> memref<1x1x80xi32, #tpu.memory_space<vmem>>
    %dma_start3A_843 = tpu.memref_squeeze %dma_start3A_842 : memref<1x1x80xi32, #tpu.memory_space<vmem>> -> memref<80xi32, #tpu.memory_space<vmem>>
    %dma_start3A_844 = arith.constant 0 : i32
    %dma_start3A_845 = arith.constant 0 : i32
    %dma_start3A_846 = tpu.memref_slice %arg7[%dma_start3A_844, %dma_start3A_845] : memref<10000x128xf32, #tpu.memory_space<vmem_shared>> -> memref<10000x128xf32, #tpu.memory_space<vmem_shared>>
    tpu.enqueue_indirect_dma source(%dma_start3A_840 : memref<80x128xf32, #tpu.memory_space<vmem>>) target(%dma_start3A_846 : memref<10000x128xf32, #tpu.memory_space<vmem_shared>>) offsets(%dma_start3A_843 : memref<80xi32, #tpu.memory_space<vmem>>) semaphore(%arg13 : memref<!tpu.dma_semaphore, #tpu.memory_space<semaphore_mem>>) {add = true}
    %dma_wait3A_847 = arith.constant 0 : i32
    %dma_wait3A_848 = arith.constant 1 : i32
    %dma_wait3A_849 = arith.constant 12 : i32
    %dma_wait3A_850 = arith.constant 0 : i32
    %dma_wait3A_851 = arith.constant 0 : i32
    %dma_wait3A_852 = tpu.memref_slice %arg6[%dma_wait3A_847, %dma_wait3A_850, %dma_wait3A_851] : memref<4x80x128xf32, #tpu.memory_space<vmem>> -> memref<1x80x128xf32, #tpu.memory_space<vmem>>
    %dma_wait3A_853 = tpu.memref_squeeze %dma_wait3A_852 : memref<1x80x128xf32, #tpu.memory_space<vmem>> -> memref<80x128xf32, #tpu.memory_space<vmem>>
    %dma_wait3A_854 = arith.constant 0 : i32
    %dma_wait3A_855 = tpu.memref_slice %arg5[%dma_wait3A_848, %dma_wait3A_849, %dma_wait3A_854] : memref<2x16x80xi32, #tpu.memory_space<vmem>> -> memref<1x1x80xi32, #tpu.memory_space<vmem>>
    %dma_wait3A_856 = tpu.memref_squeeze %dma_wait3A_855 : memref<1x1x80xi32, #tpu.memory_space<vmem>> -> memref<80xi32, #tpu.memory_space<vmem>>
    %dma_wait3A_857 = arith.constant 0 : i32
    %dma_wait3A_858 = arith.constant 0 : i32
    %dma_wait3A_859 = tpu.memref_slice %arg7[%dma_wait3A_857, %dma_wait3A_858] : memref<10000x128xf32, #tpu.memory_space<vmem_shared>> -> memref<10000x128xf32, #tpu.memory_space<vmem_shared>>
    tpu.wait_indirect_dma semaphore(%arg13 : memref<!tpu.dma_semaphore, #tpu.memory_space<semaphore_mem>>) src(%dma_wait3A_853 : memref<80x128xf32, #tpu.memory_space<vmem>>) dst(%dma_wait3A_859 : memref<10000x128xf32, #tpu.memory_space<vmem_shared>>)
    %barrier3A_860 = arith.constant 0 : index
    tpu.barrier barrier_id(%barrier3A_860)
    %lt3A_861 = arith.constant 10 : i32
    %lt3A_862 = arith.cmpi slt, %arg1, %lt3A_861 : i32
    %convert_element_type3A_863 = arith.extui %lt3A_862 : i1 to i32
    %cond3A_864 = arith.constant 0 : i32
    %cond3A_865 = arith.cmpi ne, %convert_element_type3A_863, %cond3A_864 : i32
    scf.if %cond3A_865 {
      %mul3A_866 = arith.constant 1000 : i32
      %mul3A_867 = arith.muli %arg1, %mul3A_866 : i32
      %mul3A_868 = arith.constant 1000 : i32
      %mul3A_869 = arith.muli %arg1, %mul3A_868 : i32
      "tpu.region"() ({
        %run_scoped3A = tpu.sem_alloc : memref<!tpu.dma_semaphore, #tpu.memory_space<semaphore_mem>>
        %dma_start3A_870 = arith.constant 0 : i32
        %dma_start3A_871 = tpu.memref_slice %arg4[%arg0, %mul3A_869, %dma_start3A_870] : memref<2x10000x128xf32, #tpu.memory_space<hbm>> -> memref<1x1000x128xf32, #tpu.memory_space<hbm>>
        %dma_start3A_872 = tpu.memref_squeeze %dma_start3A_871 : memref<1x1000x128xf32, #tpu.memory_space<hbm>> -> memref<1000x128xf32, #tpu.memory_space<hbm>>
        %dma_start3A_873 = arith.constant 0 : i32
        %dma_start3A_874 = tpu.memref_slice %arg7[%mul3A_867, %dma_start3A_873] : memref<10000x128xf32, #tpu.memory_space<vmem_shared>> -> memref<1000x128xf32, #tpu.memory_space<vmem_shared>>
        tpu.enqueue_dma source(%dma_start3A_874 : memref<1000x128xf32, #tpu.memory_space<vmem_shared>>) target(%dma_start3A_872 : memref<1000x128xf32, #tpu.memory_space<hbm>>) target_semaphore(%run_scoped3A : memref<!tpu.dma_semaphore, #tpu.memory_space<semaphore_mem>>)
        %dma_wait3A_875 = arith.constant 0 : i32
        %dma_wait3A_876 = tpu.memref_slice %arg4[%arg0, %mul3A_869, %dma_wait3A_875] : memref<2x10000x128xf32, #tpu.memory_space<hbm>> -> memref<1x1000x128xf32, #tpu.memory_space<hbm>>
        %dma_wait3A_877 = tpu.memref_squeeze %dma_wait3A_876 : memref<1x1000x128xf32, #tpu.memory_space<hbm>> -> memref<1000x128xf32, #tpu.memory_space<hbm>>
        %dma_wait3A_878 = arith.constant 0 : i32
        %dma_wait3A_879 = tpu.memref_slice %arg7[%mul3A_867, %dma_wait3A_878] : memref<10000x128xf32, #tpu.memory_space<vmem_shared>> -> memref<1000x128xf32, #tpu.memory_space<vmem_shared>>
        tpu.wait_dma2 semaphore(%run_scoped3A : memref<!tpu.dma_semaphore, #tpu.memory_space<semaphore_mem>>) src(%dma_wait3A_879 : memref<1000x128xf32, #tpu.memory_space<vmem_shared>>) dst(%dma_wait3A_877 : memref<1000x128xf32, #tpu.memory_space<hbm>>)
        tpu.yield
      }) : () -> ()
    } else {
    }
    return
  }
}

module attributes {stable_mosaic.version = 14 : i64} {
  func.func @_tc_add_body(%arg0: i32, %arg1: memref<2x1000x128xf32, #tpu.memory_space<vmem>>, %arg2: memref<1000x128xf32, #tpu.memory_space<vmem>>) attributes {dimension_semantics = [#tpu.dimension_semantics<arbitrary>], iteration_bounds = array<i64: 10>, scalar_prefetch = 0 : i64, scratch_operands = 0 : i64, tpu.core_type = #tpu.core_type<tc>, window_params = [{transform_indices = @transform_0, window_bounds = array<i64: 2, 1000, 128>}, {transform_indices = @transform_1, window_bounds = array<i64: 1000, 128>}]} {
    %get3A = arith.constant 0 : index
    %get3A_0 = arith.constant 0 : index
    %get3A_1 = arith.constant 0 : index
    %get3A_2 = vector.load %arg1[%get3A, %get3A_0, %get3A_1] : memref<2x1000x128xf32, #tpu.memory_space<vmem>>, vector<1x1000x128xf32>
    %get3A_3 = vector.shape_cast %get3A_2 : vector<1x1000x128xf32> to vector<1000x128xf32>
    %get3A_4 = arith.constant 1 : index
    %get3A_5 = arith.constant 0 : index
    %get3A_6 = arith.constant 0 : index
    %get3A_7 = vector.load %arg1[%get3A_4, %get3A_5, %get3A_6] : memref<2x1000x128xf32, #tpu.memory_space<vmem>>, vector<1x1000x128xf32>
    %get3A_8 = vector.shape_cast %get3A_7 : vector<1x1000x128xf32> to vector<1000x128xf32>
    %add3A = arith.addf %get3A_3, %get3A_8 : vector<1000x128xf32>
    %swap3A = arith.constant 0 : index
    %swap3A_9 = arith.constant 0 : index
    %swap3A_10 = vector.load %arg2[%swap3A, %swap3A_9] : memref<1000x128xf32, #tpu.memory_space<vmem>>, vector<1000x128xf32>
    tpu.vector_store %arg2[%swap3A, %swap3A_9], %add3A {strides = array<i32>} : memref<1000x128xf32, #tpu.memory_space<vmem>>, vector<1000x128xf32>,
    return
  }
  func.func @transform_0(%arg0: i32) -> (i32, i32, i32) {
    %c0_i32 = arith.constant 0 : i32
    %c0_i32_0 = arith.constant 0 : i32
    %c0_i32_1 = arith.constant 0 : i32
    return %c0_i32, %arg0, %c0_i32_0 : i32, i32, i32
  }
  func.func @transform_1(%arg0: i32) -> (i32, i32) {
    %c0_i32 = arith.constant 0 : i32
    %c0_i32_0 = arith.constant 0 : i32
    return %arg0, %c0_i32 : i32, i32
  }
}

</mosaic_0001>

<sc_bundles>
// kernel: kernel.4.cloned.1.call-start
scs
__scs_entry_jumppad:
0x0: {  	(pc) =	sbr.rel $0x88, $3  }
0x1: {  	(tag) =	ssettag $0x0;
	lr =	simm.s32 $0x1  }
0x2: {  	[smem:$0x3F9F] =	sst lr;
	_ =	strace $0xD0000000  }
0x3: {  	_ = 	snop  }
0x4: {  	_ = 	snop  }
0x5: {  	_ = 	snop  }
0x6: {  	_ = 	snop  }
0x7: {  	_ = 	snop  }
__scs_overlays_trampoline_lowered:
0x8: {  	[smem:$0x3FAE] =	sst s0  }
0x9: {  	[smem:$0x3FAF] =	sst s1  }
0xa: {  	[smem:$0x3FB0] =	sst s2  }
0xb: {  	[smem:$0x3FB1] =	sst s3  }
0xc: {  	[smem:$0x3FB2] =	sst s4  }
0xd: {  	[smem:$0x3FB3] =	sst s5  }
0xe: {  	[smem:$0x3FB4] =	sst s6  }
0xf: {  	[smem:$0x3FB5] =	sst s7  }
0x10: {  	[smem:$0x3FB6] =	sst s8  }
0x11: {  	[smem:$0x3FB7] =	sst s9;
	s0 =	simm.s32 @!p0 $0x0  }
0x12: {  	s1 =	sld [smem:$0x3F9D];
	s0 =	simm.s32 @p0 $0x1  }
0x13: {  	[smem:$0x3FB8] =	sst s0;
	s0 =	simm.s32 @!p1 $0x0  }
0x14: {  	s2 =	sld [smem:$0x3F9C];
	s0 =	simm.s32 @p1 $0x1  }
0x15: {  	[smem:$0x3FB9] =	sst s0;
	s0 =	simm.s32 @!p2 $0x0  }
0x16: {  	s3 =	sld [smem:$0x3FDB];
	s0 =	simm.s32 @p2 $0x1  }
0x17: {  	s4 =	simm.s32 $0x1BF5;
	[smem:$0x3FBB] =	sst s0  }
0x18: {  	s0 =	sld [smem:$0x3F9E];
	_ =	swait.ge [sflag:s4], $0x0  }
0x19: {  	s7 =	sld [smem:$0x3F9F]  }
0x1a: {  	s8 =	sadd.s32 $0xFFFFE003, lr  }
0x1b: {  	s9 =	sadd.s32 $0xFFFFFEF7, lr;
	s5 =	simm.s32 $0xFFFFFFFF;
	p2 =	slt.u32 s8, $0xFFFFF086  }
0x1c: {  	p1 =	slt.u32 s9, $0xF7A;
	s5 =	simm.s32 @!p2 $0x0  }
0x1d: {  	s5 =	simm.s32 @p1 $0x1;
	p0 =	seq.s32 s7, s2  }
0x1e: {  	s7 =	smul.u32 @!p0 $0xF7A, s2;
	p2 =	seq.s32 @!p0 s5, $0x0  }
0x1f: {  	s9 =	smul.u32 $0xF7A, s1;
	s8 =	simm.s32 @!p0 $0x1BF5;
	p2 =	por !p2, p0  }
0x20: {  	[sflag:s8] =	ssyncset.s32 @!p0 $0xFFFFF086;
	s6 =	sadd.s32 @!p0 s3, s7;
	s7 =	simm.s32 @!p0 $0x108  }
0x21: {  	s3 =	sadd.s32 s3, s9;
	s6 =	sadd.s32 @!p0 $0x88, s6;
	s7 =	simm.s32 @p2 $0x1082  }
0x22: {  	[simem:s7], [sflag:s8] =	dma.local @!p0 [hbm:s6], $0xF7A  }
0x23: {  	s9 =	sor.u32 $0xD0000000, s2;
	s6 =	simm.s32 $0x108;
	_ =	swait.ge @!p0 [sflag:s8], $0x0  }
0x24: {  	s3 =	sadd.s32 $0x88, s3;
	s6 =	simm.s32 @!p1 $0x1082;
	[sflag:s4] =	ssyncset.s32 $0xFFFFF086  }
0x25: {  	[simem:s6], [sflag:s4] =	dma.local [hbm:s3], $0xF7A  }
0x26: {  	[smem:$0x3F9F] =	sst s1;
	(tag) =	ssettag s2;
	_ =	strace s9  }
0x27: {  	s1 =	sld [smem:$0x3FAF]  }
0x28: {  	s2 =	sld [smem:$0x3FB0]  }
0x29: {  	s4 =	sld [smem:$0x3FB2]  }
0x2a: {  	p0 =	seq.s32 s5, $0x0;
	s5 =	sld [smem:$0x3FB3]  }
0x2b: {  	s6 =	sld [smem:$0x3FB4]  }
0x2c: {  	s7 =	sld [smem:$0x3FB5]  }
0x2d: {  	s3 =	simm.s32 $0x108;
	s8 =	sld [smem:$0x3FB6]  }
0x2e: {  	s3 =	simm.s32 @!p0 $0x1082;
	s9 =	sld [smem:$0x3FB7]  }
0x2f: {  	lr =	sadd.s32 s0, s3;
	s0 =	sld [smem:$0x3FAE]  }
0x30: {  	s3 =	sld [smem:$0x3FB1]  }
0x31: {  	[smem:$0x3FBA] =	sst s10  }
0x32: {  	s10 =	sld [smem:$0x3FB8];
	_ =	sdelay $0x3  }
0x33: {  	p0 =	seq.s32 s10, $0x1;
	s10 =	sld [smem:$0x3FBA];
	_ =	sdelay $0x3  }
0x34: {  	[smem:$0x3FBA] =	sst s10  }
0x35: {  	s10 =	sld [smem:$0x3FB9];
	_ =	sdelay $0x3  }
0x36: {  	p1 =	seq.s32 s10, $0x1;
	s10 =	sld [smem:$0x3FBA];
	_ =	sdelay $0x3  }
0x37: {  	[smem:$0x3FBA] =	sst s10  }
0x38: {  	s10 =	sld [smem:$0x3FBB]  }
0x39: {  	_ = 	snop;
	(pc) =	sbr.ind lr, $3  }
0x3a: {  	_ = 	snop  }
0x3b: {  	_ = 	snop  }
0x3c: {  	p2 =	seq.s32 s10, $0x1;
	s10 =	sld [smem:$0x3FBA]  }
0x3d: {  	_ =	shalt  }
0x3e: {  	_ =	shalt  }
0x3f: {  	_ =	shalt  }
0x40: {  	_ =	shalt  }
0x41: {  	_ =	shalt  }
0x42: {  	_ =	shalt  }
0x43: {  	_ =	shalt  }
0x44: {  	_ =	shalt  }
0x45: {  	_ =	shalt  }
0x46: {  	_ =	shalt  }
0x47: {  	_ =	shalt  }
0x48: {  	_ =	shalt  }
0x49: {  	_ =	shalt  }
0x4a: {  	_ =	shalt  }
0x4b: {  	_ =	shalt  }
0x4c: {  	_ =	shalt  }
0x4d: {  	_ =	shalt  }
0x4e: {  	_ =	shalt  }
0x4f: {  	_ =	shalt  }
0x50: {  	_ =	shalt  }
0x51: {  	_ =	shalt  }
0x52: {  	_ =	shalt  }
0x53: {  	_ =	shalt  }
0x54: {  	_ =	shalt  }
0x55: {  	_ =	shalt  }
0x56: {  	_ =	shalt  }
0x57: {  	_ =	shalt  }
0x58: {  	_ =	shalt  }
0x59: {  	_ =	shalt  }
0x5a: {  	_ =	shalt  }
0x5b: {  	_ =	shalt  }
0x5c: {  	_ =	shalt  }
0x5d: {  	_ =	shalt  }
0x5e: {  	_ =	shalt  }
0x5f: {  	_ =	shalt  }
0x60: {  	_ =	shalt  }
0x61: {  	_ =	shalt  }
0x62: {  	_ =	shalt  }
0x63: {  	_ =	shalt  }
0x64: {  	_ =	shalt  }
0x65: {  	_ =	shalt  }
0x66: {  	_ =	shalt  }
0x67: {  	_ =	shalt  }
0x68: {  	_ =	shalt  }
0x69: {  	_ =	shalt  }
0x6a: {  	_ =	shalt  }
0x6b: {  	_ =	shalt  }
0x6c: {  	_ =	shalt  }
0x6d: {  	_ =	shalt  }
0x6e: {  	_ =	shalt  }
0x6f: {  	_ =	shalt  }
0x70: {  	_ =	shalt  }
0x71: {  	_ =	shalt  }
0x72: {  	_ =	shalt  }
0x73: {  	_ =	shalt  }
0x74: {  	_ =	shalt  }
0x75: {  	_ =	shalt  }
0x76: {  	_ =	shalt  }
0x77: {  	_ =	shalt  }
0x78: {  	_ =	shalt  }
0x79: {  	_ =	shalt  }
0x7a: {  	_ =	shalt  }
0x7b: {  	_ =	shalt  }
0x7c: {  	_ =	shalt  }
0x7d: {  	_ =	shalt  }
0x7e: {  	_ =	shalt  }
0x7f: {  	_ =	shalt  }
0x80: {  	_ =	shalt  }
0x81: {  	_ =	shalt  }
0x82: {  	_ =	shalt  }
0x83: {  	_ =	shalt  }
0x84: {  	_ =	shalt  }
0x85: {  	_ =	shalt  }
0x86: {  	_ =	shalt  }
0x87: {  	_ =	shalt  }
.Lfunc_end0:
.L_simem_size_0:
called_computation_lowered:
.L_overlay_start_0:
0x88: {  	s2 =	sld [smem:$0x3FD9]  }
0x89: {  	s3 =	sld [smem:$0x3FFE];
	_ =	sdelay $0x1  }
0x8a: {  	s1 =	srdreg.scid  }
0x8b: {  	s0 =	sand.u32 $0x1, s1  }
0x8c: {  	s17 =	sshll.u32 s0, $0xA;
	s2 =	sadd.s32 s3, s2  }
0x8d: {  	s2 =	sadd.s32 s2, s17  }
0x8e: {  	[smem:$0x3FC6] =	sst s2  }
0x8f: {  	_ = 	snop  }
0x90: {  	s2 =	sld [smem:$0x3FC9]  }
0x91: {  	s18 =	sld [smem:$0x3FD0];
	(tm) =	ssettm $0x1  }
0x92: {  	s4 =	sld [smem:$0x3FFB];
	_ =	sdelay $0x3  }
0x93: {  	_ =	strace s4  }
0x94: {  	s4 =	sld [smem:$0x3FFC];
	_ =	sdelay $0x3  }
0x95: {  	_ =	strace s4  }
0x96: {  	s4 =	sld [smem:$0x3FFD];
	_ =	sdelay $0x3  }
0x97: {  	_ =	strace s4  }
0x98: {  	_ =	strace $0x8FFFFFFF  }
0x99: {  	s19 =	sld [smem:$0x3FDB];
	_ =	sdelay $0x1  }
0x9a: {  	s5 =	simm.s32 $_scs_section_size  }
0x9b: {  	s6 =	simm.s32 $_size__tile_overlayer_lowered;
	s7 =	simm.s32 $_tile_overlayer_lowered  }
0x9c: {  	s22 =	simm.s32 $0x1BFF;
	s21 =	sshll.u32 s7, $0x1;
	s4 =	sadd.s32 s5, s19  }
0x9d: {  	s8 =	simm.s32 $0x0;
	s20 =	sshll.u32 s6, $0x1;
	s6 =	sadd.s32 s21, s4  }
0x9e: {  	[timem:s8], [sflag:s22] =	dma.local [hbm:s6], s20  }
0x9f: {  	_ =	swait.ge [sflag:s22], s20  }
0xa0: {  	s5 =	ssub.s32 $0x0, s20;
	[sflag:s22] =	ssyncset.done $0x0  }
0xa1: {  	[sflag:s22] =	ssyncadd.s32 s5;
	_ =	sdelay $0x1  }
0xa2: {  	s23 =	simm.s32 $0x1B8B  }
0xa3: {  	_ =	swait.ge [sflag:s23], $0x1  }
0xa4: {  	[sflag:s23] =	ssyncset.done $0x0  }
0xa5: {  	s25 =	simm.s32 $0x1B8E;
	s24 =	sld [smem:$0x3FFE];
	[sflag:s23] =	ssyncadd.s32 $0xFFFFFFFF  }
0xa6: {  	s26 =	simm.s32 $execute0_lowered;
	[smem:$0x3FD2] =	sst s25  }
0xa7: {  	s6 =	sshll.u32 s26, $0x1;
	_ =	strace $0x80000046;
	[dreg:$0x1] =	wrdreg $0xFFFFFFFF  }
0xa8: {  	s28 =	simm.s32 $_size_execute0_lowered;
	s4 =	sadd.s32 s4, s6;
	[dreg:$0x0] =	wrdreg $0x0  }
0xa9: {  	s6 =	sshll.u32 s28, $0x1;
	[dreg:$0x2] =	wrdreg s4  }
0xaa: {  	[dreg:$0x3] =	wrdreg s6  }
0xab: {  	[dreg:$0x4] =	wrdreg $0xC0  }
0xac: {  	_ =	task [dreg:s8], $0x5FFFF  }
0xad: {  	[dreg:$0x1] =	wrdreg $0xFFFFFFFF  }
0xae: {  	[dreg:$0x0] =	wrdreg $0x60  }
0xaf: {  	[dreg:$0x2] =	wrdreg s2  }
0xb0: {  	[dreg:$0x3] =	wrdreg s18  }
0xb1: {  	[dreg:$0x4] =	wrdreg s24  }
0xb2: {  	[dreg:$0x5] =	wrdreg $0xB0000  }
0xb3: {  	[dreg:$0x6] =	wrdreg $0x9  }
0xb4: {  	_ =	task.clear_ibuf [dreg:s8], $0x7FFFF;
	_ =	strace $0x90000046  }
0xb5: {  	s29 =	simm.s32 $0x9;
	_ =	strace $0x80000048  }
0xb6: {  	_ =	swait.ge [sflag:s29], $0x1  }
0xb7: {  	[sflag:s29] =	ssyncadd.s32 $0xFFFFFFFF  }
0xb8: {  	_ =	strace $0x90000048  }
0xb9: {  	_ =	sfence  }
0xba: {  	s30 =	sld [smem:$0x0];
	_ =	sdelay $0x2  }
0xbb: {  	s31 =	sshll.u32 s1, $0xD;
	s1 =	sshrl.u32 s1, $0x2  }
0xbc: {  	s3 =	sand.u32 $0x4000, s31;
	s1 =	sadd.s32 s1, s30  }
0xbd: {  	s0 =	sor.u32 s3, s0;
	s1 =	sshll.u32 s1, $0x11  }
0xbe: {  	s0 =	sor.u32 s1, s0  }
0xbf: {  	s0 =	sadd.s32 $0x8F2B, s0  }
0xc0: {  	[sflag:s0] =	ssyncadd.remote.s32 $0x1  }
0xc1: {  	_ =	sfence.sel $0xFFFF  }
0xc2: {  	[dreg:$0x0] =	wrdreg $0xFFFFFFFF;
	(pc) =	sbr.abs _section_cstart, $3  }
0xc3: {  	[dreg:$0x1] =	wrdreg $0xFFFFFFFF  }
0xc4: {  	_ =	task.clear_ibuf [dreg:s8], $0x2FFFF;
	_ =	strace $0x9FFFFFFF  }
0xc5: {  	(tm) =	ssettm $0x7FFFFFFF  }
tec
execute0_lowered:
.L_overlay_start_1:
0x0: {  	(tag) =	ssettag $0x1  }
0x1: {  	s1 =	rddreg [dreg:$0x0]  }
0x2: {  	s9 =	rddreg [dreg:$0x1]  }
0x3: {  	s0 =	rddreg [dreg:$0x2]  }
0x4: {  	s3 =	rddreg [dreg:$0x3]  }
0x5: {  	s2 =	srdreg.scid;
	s10 =	stileid.u32  }
0x6: {  	s5 =	simm.s32 $0x0;
	s2 =	sand.u32 $0x1, s2;
	s6 =	smul.u32 $0x1F400, s10  }
0x7: {  	[smem:$0x7FF] =	sst s5;
	s4 =	smul.u32 $0x138800, s2  }
0x8: {  	_ =	strace $0x80000047;
	s7 =	sshll.u32 s2, $0x4;
	s2 =	ssub.s32 $0x2, s2  }
0x9: {  	s14 =	sor.u32 s10, s7;
	s15 =	sshrl.u32 s2, $0x1;
	s4 =	sadd.s32 s6, s4  }
0xa: {  	s8 =	smul.u32 $0x138800, s14;
	s2 =	ssub.s32 s2, s15;
	s17 =	sshll.u32 s14, $0xE  }
0xb: {  	s6 =	sshll.u32 s14, $0xB;
	[dreg:$0x5] =	wrdreg s17;
	s2 =	smax.u32 s2, $0x1  }
0xc: {  	s6 =	sadd.s32 s9, s6;
	[dreg:$0x12] =	wrdreg s2  }
0xd: {  	s16 =	smul.u32 $0x7D000, s10;
	s19 =	sadd.s32 $0x7800, s8;
	[dreg:$0x6] =	wrdreg s6  }
0xe: {  	s4 =	sshrl.u32 s4, $0x3;
	s20 =	sadd.s32 $0xA000, s8;
	[dreg:$0x9] =	wrdreg s19  }
0xf: {  	s0 =	sadd.s32 s4, s0;
	s21 =	sadd.s32 $0xC800, s8;
	[dreg:$0xa] =	wrdreg s20  }
0x10: {  	s18 =	sshrl.u32 s8, $0x3;
	s22 =	sadd.s32 $0xF000, s8;
	[dreg:$0xb] =	wrdreg s21  }
0x11: {  	s4 =	sshrl.u32 s16, $0x2;
	s23 =	sadd.s32 $0x11800, s8;
	[dreg:$0xc] =	wrdreg s22  }
0x12: {  	s24 =	sadd.s32 $0x14000, s8;
	s25 =	sadd.s32 $0x16800, s8;
	[dreg:$0xd] =	wrdreg s23  }
0x13: {  	s26 =	sadd.s32 $0x19000, s8;
	s11 =	sadd.s32 $0x700, s6;
	[dreg:$0xe] =	wrdreg s24  }
0x14: {  	s7 =	sadd.s32 s1, s18;
	s4 =	sadd.s32 s4, s3;
	[dreg:$0xf] =	wrdreg s25  }
0x15: {  	[dreg:$0x10] =	wrdreg s26;
	s18 =	sadd.s32 $0x1B800, s8;
	s19 =	sadd.s32 $0x1E000, s8  }
0x16: {  	s20 =	sadd.s32 $0x20800, s8;
	s0 =	sadd.s32 $0x600, s0;
	[dreg:$0x16] =	wrdreg s11  }
0x17: {  	s21 =	sadd.s32 $0x23000, s8;
	s22 =	sadd.s32 $0x25800, s8;
	[dreg:$0x11] =	wrdreg s0  }
0x18: {  	s23 =	sadd.s32 $0x28000, s8;
	s24 =	sadd.s32 $0x2A800, s8;
	[dreg:$0x7] =	wrdreg s7  }
0x19: {  	s25 =	sadd.s32 $0x2D000, s8;
	s8 =	sadd.s32 $0x500, s7;
	[dreg:$0x8] =	wrdreg s4  }
0x1a: {  	p0 =	slt.u32 s10, $0xA;
	s9 =	sadd.s32 $0xA00, s7;
	[dreg:$0x13] =	wrdreg s8  }
0x1b: {  	p1 =	sgt.u32 s10, $0x9;
	s10 =	sadd.s32 $0x1E000, s4;
	[dreg:$0x14] =	wrdreg s9  }
0x1c: {  	s12 =	sadd.s32 $0x23F00, s7;
	[dreg:$0x15] =	wrdreg s10  }
0x1d: {  	s13 =	sadd.s32 $0x24400, s7;
	[dreg:$0x17] =	wrdreg s12  }
0x1e: {  	s14 =	sadd.s32 $0x24900, s7;
	[dreg:$0x18] =	wrdreg s13  }
0x1f: {  	s15 =	sadd.s32 $0x24E00, s7;
	[dreg:$0x19] =	wrdreg s14  }
0x20: {  	s16 =	sadd.s32 $0x25300, s7;
	[dreg:$0x1a] =	wrdreg s15  }
0x21: {  	s17 =	sadd.s32 $0x25800, s7;
	[dreg:$0x1b] =	wrdreg s16  }
0x22: {  	s26 =	sadd.s32 $0x25D00, s7;
	[dreg:$0x1c] =	wrdreg s17  }
0x23: {  	s2 =	sadd.s32 $0x26200, s7;
	[dreg:$0x1d] =	wrdreg s26  }
0x24: {  	s6 =	sadd.s32 $0x26700, s7;
	[dreg:$0x1e] =	wrdreg s2  }
0x25: {  	s7 =	sadd.s32 $0x26C00, s7;
	[dreg:$0x1f] =	wrdreg s6  }
0x26: {  	s28 =	simm.s32 $0x3800;
	s11 =	sadd.s32 $0xA000, s4;
	[smem:$0x7F2] =	sst s7  }
0x27: {  	s29 =	simm.s32 $0x6000;
	s8 =	sadd.s32 $0x2800, s4;
	[smem:$0x7F6] =	sst s11  }
0x28: {  	s30 =	simm.s32 $0x8800;
	s9 =	sadd.s32 $0x5000, s4;
	[smem:$0x7F3] =	sst s8  }
0x29: {  	s31 =	simm.s32 $0x3;
	s10 =	sadd.s32 $0x7800, s4;
	[smem:$0x7F4] =	sst s9  }
0x2a: {  	s0 =	simm.s32 $0x7;
	s12 =	sadd.s32 $0xC800, s4;
	[smem:$0x7F5] =	sst s10  }
0x2b: {  	s13 =	sadd.s32 $0xF000, s4;
	s14 =	sadd.s32 $0x11800, s4;
	[smem:$0x7F7] =	sst s12  }
0x2c: {  	s15 =	sadd.s32 $0x14000, s4;
	s16 =	sadd.s32 $0x16800, s4;
	[smem:$0x7F8] =	sst s13  }
0x2d: {  	s17 =	sadd.s32 $0x19000, s4;
	s26 =	sadd.s32 $0x1B800, s4;
	[smem:$0x7F9] =	sst s14  }
.Ltmp0:
0x2e: {  	s4 =	simm.s32 $0x5;
	[smem:$0x7FA] =	sst s15;
	(pc) =	sbr.rel .LBB2_1-.Ltmp0, $4  }
0x2f: {  	s7 =	simm.s32 $0x1;
	s2 =	simm.s32 $0x6;
	[smem:$0x7FB] =	sst s16  }
0x30: {  	s6 =	simm.s32 $0x4;
	s11 =	simm.s32 $0x9;
	[smem:$0x7FC] =	sst s17  }
0x31: {  	[smem:$0x7FD] =	sst s26;
	s26 =	simm.s32 $0x1000;
	s9 =	simm.s32 $0x50  }
0x32: {  	v0 =	vimm.f32 $0.0e+00;
	s8 =	simm.s32 $0x2;
	s10 =	simm.s32 $0x8;
	s14 =	simm.s32 $0x0  }
.LBB2_10:
0x33: {  	_ =	swait.ge [sflag:s4], $0x680  }
0x34: {  	[sflag:s4] =	ssyncset.done $0x0  }
0x35: {  	[sflag:s4] =	ssyncadd.s32 $0xFFFFF980  }
0x36: {  	_ =	swait.ge [sflag:s7], $0x2800  }
0x37: {  	[sflag:s7] =	ssyncset.done $0x0  }
0x38: {  	[sflag:s7] =	ssyncadd.s32 $0xFFFFD800  }
0x39: {  	_ =	swait.ge [sflag:s11], $0x2800  }
0x3a: {  	[sflag:s11] =	ssyncset.done $0x0  }
0x3b: {  	s12 =	rddreg [dreg:$0x17];
	[sflag:s11] =	ssyncadd.s32 $0xFFFFD800  }
0x3c: {  	[tilespmem:s30], [sflag:$0x4] =	stream.linear.gather [hbm4b:s12+s5], $0x2800, $0x38;
	[tilespmem:$0x1E880] =	vst v63  }
0x3d: {  	s14 =	simm.s32 $0x800  }
0x3e: {  	[spmem:s3] =	stream.indirect.scatter.add.f32 [tilespmem:s26], [sflag:$0x6], $0x80, s14, s9, $0xb8;
	[tilespmem:$0x1E880] =	vst v63  }
0x3f: {  	_ =	swait.ge [sflag:s8], $0x2800  }
0x40: {  	[sflag:s8] =	ssyncset.done $0x0  }
0x41: {  	[sflag:s8] =	ssyncadd.s32 $0xFFFFD800  }
0x42: {  	_ =	swait.ge [sflag:s2], $0x2800  }
0x43: {  	[sflag:s2] =	ssyncset.done $0x0  }
0x44: {  	s15 =	rddreg [dreg:$0x18];
	[sflag:s2] =	ssyncadd.s32 $0xFFFFD800  }
0x45: {  	[tilespmem:s26], [sflag:$0x1] =	stream.linear.gather [hbm4b:s15+s5], $0x2800, $0x38;
	[tilespmem:$0x1E880] =	vst v63  }
0x46: {  	s16 =	simm.s32 $0x880  }
0x47: {  	[spmem:s3] =	stream.indirect.scatter.add.f32 [tilespmem:s28], [sflag:$0x7], $0x80, s16, s9, $0xb8;
	[tilespmem:$0x1E880] =	vst v63  }
0x48: {  	_ =	swait.ge [sflag:s31], $0x2800  }
0x49: {  	[sflag:s31] =	ssyncset.done $0x0  }
0x4a: {  	[sflag:s31] =	ssyncadd.s32 $0xFFFFD800  }
0x4b: {  	_ =	swait.ge [sflag:s0], $0x2800  }
0x4c: {  	[sflag:s0] =	ssyncset.done $0x0  }
0x4d: {  	s17 =	rddreg [dreg:$0x19];
	[sflag:s0] =	ssyncadd.s32 $0xFFFFD800  }
0x4e: {  	[tilespmem:s28], [sflag:$0x2] =	stream.linear.gather [hbm4b:s17+s5], $0x2800, $0x38;
	[tilespmem:$0x1E880] =	vst v63  }
0x4f: {  	s13 =	simm.s32 $0x900  }
0x50: {  	[spmem:s3] =	stream.indirect.scatter.add.f32 [tilespmem:s29], [sflag:$0x8], $0x80, s13, s9, $0xb8;
	[tilespmem:$0x1E880] =	vst v63  }
0x51: {  	_ =	swait.ge [sflag:s6], $0x2800  }
0x52: {  	[sflag:s6] =	ssyncset.done $0x0  }
0x53: {  	[sflag:s6] =	ssyncadd.s32 $0xFFFFD800  }
0x54: {  	_ =	swait.ge [sflag:s10], $0x2800  }
0x55: {  	[sflag:s10] =	ssyncset.done $0x0  }
0x56: {  	s14 =	rddreg [dreg:$0x1a];
	[sflag:s10] =	ssyncadd.s32 $0xFFFFD800  }
0x57: {  	[tilespmem:s29], [sflag:$0x3] =	stream.linear.gather [hbm4b:s14+s5], $0x2800, $0x38;
	[tilespmem:$0x1E880] =	vst v63  }
0x58: {  	s15 =	simm.s32 $0x980  }
0x59: {  	[spmem:s3] =	stream.indirect.scatter.add.f32 [tilespmem:s30], [sflag:$0x9], $0x80, s15, s9, $0xb8;
	[tilespmem:$0x1E880] =	vst v63  }
0x5a: {  	_ =	swait.ge [sflag:s7], $0x2800  }
0x5b: {  	[sflag:s7] =	ssyncset.done $0x0  }
0x5c: {  	[sflag:s7] =	ssyncadd.s32 $0xFFFFD800  }
0x5d: {  	_ =	swait.ge [sflag:s11], $0x2800  }
0x5e: {  	[sflag:s11] =	ssyncset.done $0x0  }
0x5f: {  	s16 =	rddreg [dreg:$0x1b];
	[sflag:s11] =	ssyncadd.s32 $0xFFFFD800  }
0x60: {  	[tilespmem:s30], [sflag:$0x4] =	stream.linear.gather [hbm4b:s16+s5], $0x2800, $0x38;
	[tilespmem:$0x1E880] =	vst v63  }
0x61: {  	s17 =	simm.s32 $0xA00  }
0x62: {  	[spmem:s3] =	stream.indirect.scatter.add.f32 [tilespmem:s26], [sflag:$0x6], $0x80, s17, s9, $0xb8;
	[tilespmem:$0x1E880] =	vst v63  }
0x63: {  	_ =	swait.ge [sflag:s8], $0x2800  }
0x64: {  	[sflag:s8] =	ssyncset.done $0x0  }
0x65: {  	[sflag:s8] =	ssyncadd.s32 $0xFFFFD800  }
0x66: {  	_ =	swait.ge [sflag:s2], $0x2800  }
0x67: {  	[sflag:s2] =	ssyncset.done $0x0  }
0x68: {  	s13 =	rddreg [dreg:$0x1c];
	[sflag:s2] =	ssyncadd.s32 $0xFFFFD800  }
0x69: {  	[tilespmem:s26], [sflag:$0x1] =	stream.linear.gather [hbm4b:s13+s5], $0x2800, $0x38;
	[tilespmem:$0x1E880] =	vst v63  }
0x6a: {  	s14 =	simm.s32 $0xA80  }
0x6b: {  	[spmem:s3] =	stream.indirect.scatter.add.f32 [tilespmem:s28], [sflag:$0x7], $0x80, s14, s9, $0xb8;
	[tilespmem:$0x1E880] =	vst v63  }
0x6c: {  	_ =	swait.ge [sflag:s31], $0x2800  }
0x6d: {  	[sflag:s31] =	ssyncset.done $0x0  }
0x6e: {  	[sflag:s31] =	ssyncadd.s32 $0xFFFFD800  }
0x6f: {  	_ =	swait.ge [sflag:s0], $0x2800  }
0x70: {  	[sflag:s0] =	ssyncset.done $0x0  }
0x71: {  	s15 =	rddreg [dreg:$0x1d];
	[sflag:s0] =	ssyncadd.s32 $0xFFFFD800  }
0x72: {  	[tilespmem:s28], [sflag:$0x2] =	stream.linear.gather [hbm4b:s15+s5], $0x2800, $0x38;
	[tilespmem:$0x1E880] =	vst v63  }
0x73: {  	s16 =	simm.s32 $0xB00  }
0x74: {  	[spmem:s3] =	stream.indirect.scatter.add.f32 [tilespmem:s29], [sflag:$0x8], $0x80, s16, s9, $0xb8;
	[tilespmem:$0x1E880] =	vst v63  }
0x75: {  	_ =	swait.ge [sflag:s6], $0x2800  }
0x76: {  	[sflag:s6] =	ssyncset.done $0x0  }
0x77: {  	[sflag:s6] =	ssyncadd.s32 $0xFFFFD800  }
0x78: {  	_ =	swait.ge [sflag:s10], $0x2800  }
0x79: {  	[sflag:s10] =	ssyncset.done $0x0  }
0x7a: {  	s17 =	rddreg [dreg:$0x1e];
	[sflag:s10] =	ssyncadd.s32 $0xFFFFD800  }
0x7b: {  	[tilespmem:s29], [sflag:$0x3] =	stream.linear.gather [hbm4b:s17+s5], $0x2800, $0x38;
	[tilespmem:$0x1E880] =	vst v63  }
0x7c: {  	s13 =	simm.s32 $0xB80  }
0x7d: {  	[spmem:s3] =	stream.indirect.scatter.add.f32 [tilespmem:s30], [sflag:$0x9], $0x80, s13, s9, $0xb8;
	[tilespmem:$0x1E880] =	vst v63  }
0x7e: {  	_ =	swait.ge [sflag:s7], $0x2800  }
0x7f: {  	[sflag:s7] =	ssyncset.done $0x0  }
0x80: {  	[sflag:s7] =	ssyncadd.s32 $0xFFFFD800  }
0x81: {  	_ =	swait.ge [sflag:s11], $0x2800  }
0x82: {  	[sflag:s11] =	ssyncset.done $0x0  }
0x83: {  	s14 =	rddreg [dreg:$0x1f];
	[sflag:s11] =	ssyncadd.s32 $0xFFFFD800  }
0x84: {  	[tilespmem:s30], [sflag:$0x4] =	stream.linear.gather [hbm4b:s14+s5], $0x2800, $0x38;
	[tilespmem:$0x1E880] =	vst v63  }
0x85: {  	s15 =	simm.s32 $0xC00  }
0x86: {  	[spmem:s3] =	stream.indirect.scatter.add.f32 [tilespmem:s26], [sflag:$0x6], $0x80, s15, s9, $0xb8;
	[tilespmem:$0x1E880] =	vst v63  }
0x87: {  	_ =	swait.ge [sflag:s8], $0x2800  }
0x88: {  	[sflag:s8] =	ssyncset.done $0x0  }
0x89: {  	[sflag:s8] =	ssyncadd.s32 $0xFFFFD800  }
0x8a: {  	_ =	swait.ge [sflag:s2], $0x2800  }
0x8b: {  	s16 =	sld [smem:$0x7F2]  }
0x8c: {  	[sflag:s2] =	ssyncset.done $0x0  }
0x8d: {  	[sflag:s2] =	ssyncadd.s32 $0xFFFFD800  }
0x8e: {  	[tilespmem:s26], [sflag:$0x1] =	stream.linear.gather [hbm4b:s16+s5], $0x2800, $0x38;
	[tilespmem:$0x1E880] =	vst v63  }
0x8f: {  	s17 =	simm.s32 $0xC80  }
0x90: {  	[spmem:s3] =	stream.indirect.scatter.add.f32 [tilespmem:s28], [sflag:$0x7], $0x80, s17, s9, $0xb8;
	[tilespmem:$0x1E880] =	vst v63  }
0x91: {  	_ =	swait.ge [sflag:s31], $0x2800  }
0x92: {  	[sflag:s31] =	ssyncset.done $0x0  }
0x93: {  	[sflag:s31] =	ssyncadd.s32 $0xFFFFD800  }
0x94: {  	_ =	swait.ge [sflag:s0], $0x2800  }
0x95: {  	[sflag:s0] =	ssyncset.done $0x0  }
0x96: {  	s13 =	simm.s32 $0xD00;
	[sflag:s0] =	ssyncadd.s32 $0xFFFFD800  }
0x97: {  	[spmem:s3] =	stream.indirect.scatter.add.f32 [tilespmem:s29], [sflag:$0x8], $0x80, s13, s9, $0xb8;
	[tilespmem:$0x1E880] =	vst v63  }
0x98: {  	_ =	swait.ge [sflag:s6], $0x2800  }
0x99: {  	[sflag:s6] =	ssyncset.done $0x0  }
0x9a: {  	[sflag:s6] =	ssyncadd.s32 $0xFFFFD800  }
0x9b: {  	_ =	swait.ge [sflag:s10], $0x2800  }
0x9c: {  	[sflag:s10] =	ssyncset.done $0x0  }
0x9d: {  	s14 =	simm.s32 $0xD80;
	[sflag:s10] =	ssyncadd.s32 $0xFFFFD800  }
0x9e: {  	[spmem:s3] =	stream.indirect.scatter.add.f32 [tilespmem:s30], [sflag:$0x9], $0x80, s14, s9, $0xb8;
	[tilespmem:$0x1E880] =	vst v63  }
0x9f: {  	_ =	swait.ge [sflag:s7], $0x2800  }
0xa0: {  	[sflag:s7] =	ssyncset.done $0x0  }
0xa1: {  	[sflag:s7] =	ssyncadd.s32 $0xFFFFD800  }
0xa2: {  	_ =	swait.ge [sflag:s11], $0x2800  }
0xa3: {  	[sflag:s11] =	ssyncset.done $0x0  }
0xa4: {  	s15 =	simm.s32 $0xE00;
	[sflag:s11] =	ssyncadd.s32 $0xFFFFD800  }
0xa5: {  	[spmem:s3] =	stream.indirect.scatter.add.f32 [tilespmem:s26], [sflag:$0x6], $0x80, s15, s9, $0xb8;
	[tilespmem:$0x1E880] =	vst v63  }
0xa6: {  	_ =	swait.ge [sflag:s2], $0x2800  }
0xa7: {  	[sflag:s2] =	ssyncset.done $0x0  }
0xa8: {  	[sflag:s2] =	ssyncadd.s32 $0xFFFFD800  }
0xa9: {  	s12 =	stileid.u32;
	[bflag:$0x0] =	sbarrier.arrive $0xFFFF  }
0xaa: {  	s12 =	sshll.u32 @!p1 s12, $0x6;
	s13 =	rddreg [dreg:$0x8]  }
0xab: {  	s12 =	sor.u32 @!p1 $0x1C0A, s12;
	s14 =	rddreg [dreg:$0x11];
	s13 =	sshrl.u32 @!p1 s13, $0x3  }
0xac: {  	[hbm:s14], [sflag:s12] =	dma.local @!p1 [spmem:s13], $0x3E80  }
0xad: {  	s12 =	simm.s32 @!p1 $0xA  }
0xae: {  	_ =	swait.ge @!p1 [sflag:s12], $0x3E80  }
0xaf: {  	s16 =	sld [smem:$0x7F1];
	_ =	sdelay $0x2  }
0xb0: {  	s17 =	rddreg [dreg:$0x12];
	s14 =	sadd.s32 $0x1, s16  }
0xb1: {  	p2 =	sne.s32 s14, s17  }
.Ltmp1:
0xb2: {  	_ = 	snop;
	(pc) =	sbr.rel @!p2 .LBB2_11-.Ltmp1, $3  }
0xb3: {  	_ =	sdelay $0x1  }
0xb4: {  	[sflag:s12] =	ssyncset.done @!p1 $0x0  }
0xb5: {  	[sflag:s12] =	ssyncadd.s32 @!p1 $0xFFFFC180  }
.LBB2_1:
0xb6: {  	s12 =	rddreg [dreg:$0x6]  }
0xb7: {  	[tilespmem:s5], [sflag:$0x5] =	stream.linear.gather [hbm4b:s12+s5], $0x800, $0x38;
	[tilespmem:$0x1E880] =	vst v63  }
0xb8: {  	s15 =	rddreg [dreg:$0x7]  }
0xb9: {  	[tilespmem:s26], [sflag:$0x1] =	stream.linear.gather [hbm4b:s15+s5], $0x2800, $0x38;
	[tilespmem:$0x1E880] =	vst v63  }
.Ltmp2:
0xba: {  	_ = 	snop;
	(pc) =	sbr.rel @!p0 .LBB2_5-.Ltmp2, $4  }
0xbb: {  	s16 =	rddreg [dreg:$0x13]  }
0xbc: {  	[tilespmem:s28], [sflag:$0x2] =	stream.linear.gather [hbm4b:s16+s5], $0x2800, $0x38;
	[tilespmem:$0x1E880] =	vst v63  }
0xbd: {  	s17 =	rddreg [dreg:$0x14]  }
0xbe: {  	[tilespmem:s29], [sflag:$0x3] =	stream.linear.gather [hbm4b:s17+s5], $0x2800, $0x38;
	[tilespmem:$0x1E880] =	vst v63  }
0xbf: {  	s12 =	sshra.s32 s5, $0x2;
	s13 =	sadd.s32 $0x200, s5  }
.LBB2_3:
0xc0: {  	p2 =	seq.s32 s13, $0x9E00;
	[tilespmem:s12+$0x8870] =	vst v0  }
0xc1: {  	[tilespmem:s12+$0x8800] =	vst v0  }
0xc2: {  	[tilespmem:s12+$0x8810] =	vst v0  }
.Ltmp3:
0xc3: {  	[tilespmem:s12+$0x8820] =	vst v0;
	(pc) =	sbr.rel @!p2 .LBB2_3-.Ltmp3, $4  }
0xc4: {  	[tilespmem:s12+$0x8830] =	vst v0  }
0xc5: {  	[tilespmem:s12+$0x8840] =	vst v0  }
0xc6: {  	[tilespmem:s12+$0x8850] =	vst v0  }
0xc7: {  	[tilespmem:s12+$0x8860] =	vst v0;
	s12 =	sshra.s32 s13, $0x2;
	s13 =	sadd.s32 $0x200, s13  }
0xc8: {  	[tilespmem:s12+$0x8870] =	vst v0  }
0xc9: {  	[tilespmem:s12+$0x8800] =	vst v0  }
0xca: {  	[tilespmem:s12+$0x8810] =	vst v0  }
0xcb: {  	[tilespmem:s12+$0x8820] =	vst v0  }
0xcc: {  	[tilespmem:s12+$0x8830] =	vst v0  }
0xcd: {  	[tilespmem:s12+$0x8840] =	vst v0  }
0xce: {  	[tilespmem:s12+$0x8850] =	vst v0  }
0xcf: {  	[tilespmem:s12+$0x8860] =	vst v0;
	s13 =	rddreg [dreg:$0x8]  }
0xd0: {  	[spmem:s13] =	stream.linear.scatter [tilespmem:s30], [sflag:$0xA], $0x2800, $0x38;
	[tilespmem:$0x1E880] =	vst v63  }
0xd1: {  	s13 =	simm.s32 $0xA  }
0xd2: {  	_ =	swait.ge [sflag:s13], $0x2800  }
0xd3: {  	s15 =	sld [smem:$0x7F3]  }
0xd4: {  	[sflag:s13] =	ssyncset.done $0x0  }
0xd5: {  	[sflag:s13] =	ssyncadd.s32 $0xFFFFD800  }
0xd6: {  	[spmem:s15] =	stream.linear.scatter [tilespmem:s30], [sflag:$0xA], $0x2800, $0x38;
	[tilespmem:$0x1E880] =	vst v63  }
0xd7: {  	_ =	swait.ge [sflag:s13], $0x2800  }
0xd8: {  	s16 =	sld [smem:$0x7F4]  }
0xd9: {  	[sflag:s13] =	ssyncset.done $0x0  }
0xda: {  	[sflag:s13] =	ssyncadd.s32 $0xFFFFD800  }
0xdb: {  	[spmem:s16] =	stream.linear.scatter [tilespmem:s30], [sflag:$0xA], $0x2800, $0x38;
	[tilespmem:$0x1E880] =	vst v63  }
0xdc: {  	_ =	swait.ge [sflag:s13], $0x2800  }
0xdd: {  	s17 =	sld [smem:$0x7F5]  }
0xde: {  	[sflag:s13] =	ssyncset.done $0x0  }
0xdf: {  	[sflag:s13] =	ssyncadd.s32 $0xFFFFD800  }
0xe0: {  	[spmem:s17] =	stream.linear.scatter [tilespmem:s30], [sflag:$0xA], $0x2800, $0x38;
	[tilespmem:$0x1E880] =	vst v63  }
0xe1: {  	_ =	swait.ge [sflag:s13], $0x2800  }
0xe2: {  	s15 =	sld [smem:$0x7F6]  }
0xe3: {  	[sflag:s13] =	ssyncset.done $0x0  }
0xe4: {  	[sflag:s13] =	ssyncadd.s32 $0xFFFFD800  }
0xe5: {  	[spmem:s15] =	stream.linear.scatter [tilespmem:s30], [sflag:$0xA], $0x2800, $0x38;
	[tilespmem:$0x1E880] =	vst v63  }
0xe6: {  	_ =	swait.ge [sflag:s13], $0x2800  }
0xe7: {  	s16 =	sld [smem:$0x7F7]  }
0xe8: {  	[sflag:s13] =	ssyncset.done $0x0  }
0xe9: {  	[sflag:s13] =	ssyncadd.s32 $0xFFFFD800  }
0xea: {  	[spmem:s16] =	stream.linear.scatter [tilespmem:s30], [sflag:$0xA], $0x2800, $0x38;
	[tilespmem:$0x1E880] =	vst v63  }
0xeb: {  	_ =	swait.ge [sflag:s13], $0x2800  }
0xec: {  	s17 =	sld [smem:$0x7F8]  }
0xed: {  	[sflag:s13] =	ssyncset.done $0x0  }
0xee: {  	[sflag:s13] =	ssyncadd.s32 $0xFFFFD800  }
0xef: {  	[spmem:s17] =	stream.linear.scatter [tilespmem:s30], [sflag:$0xA], $0x2800, $0x38;
	[tilespmem:$0x1E880] =	vst v63  }
0xf0: {  	_ =	swait.ge [sflag:s13], $0x2800  }
0xf1: {  	s15 =	sld [smem:$0x7F9]  }
0xf2: {  	[sflag:s13] =	ssyncset.done $0x0  }
0xf3: {  	[sflag:s13] =	ssyncadd.s32 $0xFFFFD800  }
0xf4: {  	[spmem:s15] =	stream.linear.scatter [tilespmem:s30], [sflag:$0xA], $0x2800, $0x38;
	[tilespmem:$0x1E880] =	vst v63  }
0xf5: {  	_ =	swait.ge [sflag:s13], $0x2800  }
0xf6: {  	s16 =	sld [smem:$0x7FA]  }
0xf7: {  	[sflag:s13] =	ssyncset.done $0x0  }
0xf8: {  	[sflag:s13] =	ssyncadd.s32 $0xFFFFD800  }
0xf9: {  	[spmem:s16] =	stream.linear.scatter [tilespmem:s30], [sflag:$0xA], $0x2800, $0x38;
	[tilespmem:$0x1E880] =	vst v63  }
0xfa: {  	_ =	swait.ge [sflag:s13], $0x2800  }
0xfb: {  	s17 =	sld [smem:$0x7FB]  }
0xfc: {  	[sflag:s13] =	ssyncset.done $0x0  }
0xfd: {  	[sflag:s13] =	ssyncadd.s32 $0xFFFFD800  }
0xfe: {  	[spmem:s17] =	stream.linear.scatter [tilespmem:s30], [sflag:$0xA], $0x2800, $0x38;
	[tilespmem:$0x1E880] =	vst v63  }
0xff: {  	_ =	swait.ge [sflag:s13], $0x2800  }
0x100: {  	s15 =	sld [smem:$0x7FC]  }
0x101: {  	[sflag:s13] =	ssyncset.done $0x0  }
0x102: {  	[sflag:s13] =	ssyncadd.s32 $0xFFFFD800  }
0x103: {  	[spmem:s15] =	stream.linear.scatter [tilespmem:s30], [sflag:$0xA], $0x2800, $0x38;
	[tilespmem:$0x1E880] =	vst v63  }
0x104: {  	_ =	swait.ge [sflag:s13], $0x2800  }
0x105: {  	s16 =	sld [smem:$0x7FD]  }
0x106: {  	[sflag:s13] =	ssyncset.done $0x0  }
0x107: {  	[sflag:s13] =	ssyncadd.s32 $0xFFFFD800  }
0x108: {  	[spmem:s16] =	stream.linear.scatter [tilespmem:s30], [sflag:$0xA], $0x2800, $0x38;
	[tilespmem:$0x1E880] =	vst v63  }
0x109: {  	_ =	swait.ge [sflag:s13], $0x2800  }
0x10a: {  	[sflag:s13] =	ssyncset.done $0x0  }
0x10b: {  	s17 =	rddreg [dreg:$0x15];
	[sflag:s13] =	ssyncadd.s32 $0xFFFFD800  }
0x10c: {  	[spmem:s17] =	stream.linear.scatter [tilespmem:s30], [sflag:$0xA], $0x1400, $0x38;
	[tilespmem:$0x1E880] =	vst v63  }
0x10d: {  	_ =	swait.ge [sflag:s13], $0x1400  }
0x10e: {  	[sflag:s13] =	ssyncset.done $0x0  }
0x10f: {  	[sflag:s13] =	ssyncadd.s32 $0xFFFFEC00  }
.LBB2_5:
.Ltmp4:
0x110: {  	(pc) =	sbr.rel .LBB2_6-.Ltmp4, $4  }
0x111: {  	_ = 	snop  }
0x112: {  	[smem:$0x7F1] =	sst s14  }
0x113: {  	[bflag:$0x0] =	sbarrier.arrive $0xFFFF  }
0x114: {  	s13 =	simm.s32 $0x0  }
.LBB2_8:
0x115: {  	s12 =	rddreg [dreg:$0x16];
	s15 =	simm.s32 $0x800  }
0x116: {  	[tilespmem:s15], [sflag:$0x5] =	stream.linear.gather [hbm4b:s12+s5], $0x680, $0x38;
	[tilespmem:$0x1E880] =	vst v63  }
0x117: {  	s12 =	simm.s32 $0x7  }
.LBB2_9:
0x118: {  	s13 =	smul.u32 $0x28000, s13;
	_ =	swait.ge [sflag:s7], $0x2800  }
0x119: {  	s15 =	rddreg [dreg:$0x9]  }
0x11a: {  	s15 =	sadd.s32 s13, s15  }
0x11b: {  	[sflag:s7] =	ssyncset.done $0x0;
	s15 =	sshrl.u32 s15, $0x3  }
0x11c: {  	[sflag:s7] =	ssyncadd.s32 $0xFFFFD800;
	s15 =	sadd.s32 s1, s15  }
0x11d: {  	[tilespmem:s30], [sflag:$0x4] =	stream.linear.gather [hbm4b:s15+s5], $0x2800, $0x38;
	[tilespmem:$0x1E880] =	vst v63  }
0x11e: {  	s14 =	sshll.u32 s14, $0xB  }
0x11f: {  	[spmem:s3] =	stream.indirect.scatter.add.f32 [tilespmem:s26], [sflag:$0x6], $0x80, s14, s9, $0xb8;
	[tilespmem:$0x1E880] =	vst v63  }
0x120: {  	_ =	swait.ge [sflag:s8], $0x2800  }
0x121: {  	[sflag:s8] =	ssyncset.done $0x0  }
0x122: {  	[sflag:s8] =	ssyncadd.s32 $0xFFFFD800  }
0x123: {  	_ =	swait.ge [sflag:s2], $0x2800  }
0x124: {  	s17 =	rddreg [dreg:$0xa]  }
0x125: {  	s15 =	sadd.s32 s13, s17  }
0x126: {  	[sflag:s2] =	ssyncset.done $0x0;
	s15 =	sshrl.u32 s15, $0x3  }
0x127: {  	[sflag:s2] =	ssyncadd.s32 $0xFFFFD800;
	s15 =	sadd.s32 s1, s15  }
0x128: {  	[tilespmem:s26], [sflag:$0x1] =	stream.linear.gather [hbm4b:s15+s5], $0x2800, $0x38;
	[tilespmem:$0x1E880] =	vst v63  }
0x129: {  	s16 =	sor.u32 $0x80, s14  }
0x12a: {  	[spmem:s3] =	stream.indirect.scatter.add.f32 [tilespmem:s28], [sflag:$0x7], $0x80, s16, s9, $0xb8;
	[tilespmem:$0x1E880] =	vst v63  }
0x12b: {  	_ =	swait.ge [sflag:s31], $0x2800  }
0x12c: {  	[sflag:s31] =	ssyncset.done $0x0  }
0x12d: {  	[sflag:s31] =	ssyncadd.s32 $0xFFFFD800  }
0x12e: {  	_ =	swait.ge [sflag:s0], $0x2800  }
0x12f: {  	s17 =	rddreg [dreg:$0xb]  }
0x130: {  	s15 =	sadd.s32 s13, s17  }
0x131: {  	[sflag:s0] =	ssyncset.done $0x0;
	s15 =	sshrl.u32 s15, $0x3  }
0x132: {  	[sflag:s0] =	ssyncadd.s32 $0xFFFFD800;
	s15 =	sadd.s32 s1, s15  }
0x133: {  	[tilespmem:s28], [sflag:$0x2] =	stream.linear.gather [hbm4b:s15+s5], $0x2800, $0x38;
	[tilespmem:$0x1E880] =	vst v63  }
0x134: {  	s16 =	sor.u32 $0x100, s14  }
0x135: {  	[spmem:s3] =	stream.indirect.scatter.add.f32 [tilespmem:s29], [sflag:$0x8], $0x80, s16, s9, $0xb8;
	[tilespmem:$0x1E880] =	vst v63  }
0x136: {  	_ =	swait.ge [sflag:s6], $0x2800  }
0x137: {  	[sflag:s6] =	ssyncset.done $0x0  }
0x138: {  	[sflag:s6] =	ssyncadd.s32 $0xFFFFD800  }
0x139: {  	_ =	swait.ge [sflag:s10], $0x2800  }
0x13a: {  	s17 =	rddreg [dreg:$0xc]  }
0x13b: {  	s15 =	sadd.s32 s13, s17  }
0x13c: {  	[sflag:s10] =	ssyncset.done $0x0;
	s15 =	sshrl.u32 s15, $0x3  }
0x13d: {  	[sflag:s10] =	ssyncadd.s32 $0xFFFFD800;
	s15 =	sadd.s32 s1, s15  }
0x13e: {  	[tilespmem:s29], [sflag:$0x3] =	stream.linear.gather [hbm4b:s15+s5], $0x2800, $0x38;
	[tilespmem:$0x1E880] =	vst v63  }
0x13f: {  	s16 =	sor.u32 $0x180, s14  }
0x140: {  	[spmem:s3] =	stream.indirect.scatter.add.f32 [tilespmem:s30], [sflag:$0x9], $0x80, s16, s9, $0xb8;
	[tilespmem:$0x1E880] =	vst v63  }
0x141: {  	_ =	swait.ge [sflag:s7], $0x2800  }
0x142: {  	[sflag:s7] =	ssyncset.done $0x0  }
0x143: {  	[sflag:s7] =	ssyncadd.s32 $0xFFFFD800  }
0x144: {  	_ =	swait.ge [sflag:s11], $0x2800  }
0x145: {  	s17 =	rddreg [dreg:$0xd]  }
0x146: {  	s15 =	sadd.s32 s13, s17  }
0x147: {  	[sflag:s11] =	ssyncset.done $0x0;
	s15 =	sshrl.u32 s15, $0x3  }
0x148: {  	[sflag:s11] =	ssyncadd.s32 $0xFFFFD800;
	s15 =	sadd.s32 s1, s15  }
0x149: {  	[tilespmem:s30], [sflag:$0x4] =	stream.linear.gather [hbm4b:s15+s5], $0x2800, $0x38;
	[tilespmem:$0x1E880] =	vst v63  }
0x14a: {  	s16 =	sor.u32 $0x200, s14  }
0x14b: {  	[spmem:s3] =	stream.indirect.scatter.add.f32 [tilespmem:s26], [sflag:$0x6], $0x80, s16, s9, $0xb8;
	[tilespmem:$0x1E880] =	vst v63  }
0x14c: {  	_ =	swait.ge [sflag:s8], $0x2800  }
0x14d: {  	[sflag:s8] =	ssyncset.done $0x0  }
0x14e: {  	[sflag:s8] =	ssyncadd.s32 $0xFFFFD800  }
0x14f: {  	_ =	swait.ge [sflag:s2], $0x2800  }
0x150: {  	s17 =	rddreg [dreg:$0xe]  }
0x151: {  	s15 =	sadd.s32 s13, s17  }
0x152: {  	[sflag:s2] =	ssyncset.done $0x0;
	s15 =	sshrl.u32 s15, $0x3  }
0x153: {  	[sflag:s2] =	ssyncadd.s32 $0xFFFFD800;
	s15 =	sadd.s32 s1, s15  }
0x154: {  	[tilespmem:s26], [sflag:$0x1] =	stream.linear.gather [hbm4b:s15+s5], $0x2800, $0x38;
	[tilespmem:$0x1E880] =	vst v63  }
0x155: {  	s16 =	sor.u32 $0x280, s14  }
0x156: {  	[spmem:s3] =	stream.indirect.scatter.add.f32 [tilespmem:s28], [sflag:$0x7], $0x80, s16, s9, $0xb8;
	[tilespmem:$0x1E880] =	vst v63  }
0x157: {  	_ =	swait.ge [sflag:s31], $0x2800  }
0x158: {  	[sflag:s31] =	ssyncset.done $0x0  }
0x159: {  	[sflag:s31] =	ssyncadd.s32 $0xFFFFD800  }
0x15a: {  	_ =	swait.ge [sflag:s0], $0x2800  }
0x15b: {  	s17 =	rddreg [dreg:$0xf]  }
0x15c: {  	s15 =	sadd.s32 s13, s17  }
0x15d: {  	[sflag:s0] =	ssyncset.done $0x0;
	s15 =	sshrl.u32 s15, $0x3  }
0x15e: {  	[sflag:s0] =	ssyncadd.s32 $0xFFFFD800;
	s15 =	sadd.s32 s1, s15  }
0x15f: {  	[tilespmem:s28], [sflag:$0x2] =	stream.linear.gather [hbm4b:s15+s5], $0x2800, $0x38;
	[tilespmem:$0x1E880] =	vst v63  }
0x160: {  	s16 =	sor.u32 $0x300, s14  }
0x161: {  	[spmem:s3] =	stream.indirect.scatter.add.f32 [tilespmem:s29], [sflag:$0x8], $0x80, s16, s9, $0xb8;
	[tilespmem:$0x1E880] =	vst v63  }
0x162: {  	_ =	swait.ge [sflag:s6], $0x2800  }
0x163: {  	[sflag:s6] =	ssyncset.done $0x0  }
0x164: {  	[sflag:s6] =	ssyncadd.s32 $0xFFFFD800  }
0x165: {  	_ =	swait.ge [sflag:s10], $0x2800  }
0x166: {  	s17 =	rddreg [dreg:$0x10]  }
0x167: {  	s15 =	sadd.s32 s13, s17  }
0x168: {  	[sflag:s10] =	ssyncset.done $0x0;
	s15 =	sshrl.u32 s15, $0x3  }
0x169: {  	[sflag:s10] =	ssyncadd.s32 $0xFFFFD800;
	s15 =	sadd.s32 s1, s15  }
0x16a: {  	[tilespmem:s29], [sflag:$0x3] =	stream.linear.gather [hbm4b:s15+s5], $0x2800, $0x38;
	[tilespmem:$0x1E880] =	vst v63  }
0x16b: {  	s16 =	sor.u32 $0x380, s14  }
0x16c: {  	[spmem:s3] =	stream.indirect.scatter.add.f32 [tilespmem:s30], [sflag:$0x9], $0x80, s16, s9, $0xb8;
	[tilespmem:$0x1E880] =	vst v63  }
0x16d: {  	_ =	swait.ge [sflag:s7], $0x2800  }
0x16e: {  	[sflag:s7] =	ssyncset.done $0x0  }
0x16f: {  	[sflag:s7] =	ssyncadd.s32 $0xFFFFD800  }
0x170: {  	s17 =	sadd.s32 s13, s18;
	_ =	swait.ge [sflag:s11], $0x2800  }
0x171: {  	s15 =	sshrl.u32 s17, $0x3;
	[sflag:s11] =	ssyncset.done $0x0  }
0x172: {  	s15 =	sadd.s32 s1, s15;
	[sflag:s11] =	ssyncadd.s32 $0xFFFFD800  }
0x173: {  	[tilespmem:s30], [sflag:$0x4] =	stream.linear.gather [hbm4b:s15+s5], $0x2800, $0x38;
	[tilespmem:$0x1E880] =	vst v63  }
0x174: {  	s16 =	sor.u32 $0x400, s14  }
0x175: {  	[spmem:s3] =	stream.indirect.scatter.add.f32 [tilespmem:s26], [sflag:$0x6], $0x80, s16, s9, $0xb8;
	[tilespmem:$0x1E880] =	vst v63  }
0x176: {  	_ =	swait.ge [sflag:s8], $0x2800  }
0x177: {  	[sflag:s8] =	ssyncset.done $0x0  }
0x178: {  	[sflag:s8] =	ssyncadd.s32 $0xFFFFD800  }
0x179: {  	s17 =	sadd.s32 s13, s19;
	_ =	swait.ge [sflag:s2], $0x2800  }
0x17a: {  	s15 =	sshrl.u32 s17, $0x3;
	[sflag:s2] =	ssyncset.done $0x0  }
0x17b: {  	s15 =	sadd.s32 s1, s15;
	[sflag:s2] =	ssyncadd.s32 $0xFFFFD800  }
0x17c: {  	[tilespmem:s26], [sflag:$0x1] =	stream.linear.gather [hbm4b:s15+s5], $0x2800, $0x38;
	[tilespmem:$0x1E880] =	vst v63  }
0x17d: {  	s16 =	sor.u32 $0x480, s14  }
0x17e: {  	[spmem:s3] =	stream.indirect.scatter.add.f32 [tilespmem:s28], [sflag:$0x7], $0x80, s16, s9, $0xb8;
	[tilespmem:$0x1E880] =	vst v63  }
0x17f: {  	_ =	swait.ge [sflag:s31], $0x2800  }
0x180: {  	[sflag:s31] =	ssyncset.done $0x0  }
0x181: {  	[sflag:s31] =	ssyncadd.s32 $0xFFFFD800  }
0x182: {  	s17 =	sadd.s32 s13, s20;
	_ =	swait.ge [sflag:s0], $0x2800  }
0x183: {  	s15 =	sshrl.u32 s17, $0x3;
	[sflag:s0] =	ssyncset.done $0x0  }
0x184: {  	s15 =	sadd.s32 s1, s15;
	[sflag:s0] =	ssyncadd.s32 $0xFFFFD800  }
0x185: {  	[tilespmem:s28], [sflag:$0x2] =	stream.linear.gather [hbm4b:s15+s5], $0x2800, $0x38;
	[tilespmem:$0x1E880] =	vst v63  }
0x186: {  	s16 =	sor.u32 $0x500, s14  }
0x187: {  	[spmem:s3] =	stream.indirect.scatter.add.f32 [tilespmem:s29], [sflag:$0x8], $0x80, s16, s9, $0xb8;
	[tilespmem:$0x1E880] =	vst v63  }
0x188: {  	_ =	swait.ge [sflag:s6], $0x2800  }
0x189: {  	[sflag:s6] =	ssyncset.done $0x0  }
0x18a: {  	[sflag:s6] =	ssyncadd.s32 $0xFFFFD800  }
0x18b: {  	s17 =	sadd.s32 s13, s21;
	_ =	swait.ge [sflag:s10], $0x2800  }
0x18c: {  	s15 =	sshrl.u32 s17, $0x3;
	[sflag:s10] =	ssyncset.done $0x0  }
0x18d: {  	s15 =	sadd.s32 s1, s15;
	[sflag:s10] =	ssyncadd.s32 $0xFFFFD800  }
0x18e: {  	[tilespmem:s29], [sflag:$0x3] =	stream.linear.gather [hbm4b:s15+s5], $0x2800, $0x38;
	[tilespmem:$0x1E880] =	vst v63  }
0x18f: {  	s16 =	sor.u32 $0x580, s14  }
0x190: {  	[spmem:s3] =	stream.indirect.scatter.add.f32 [tilespmem:s30], [sflag:$0x9], $0x80, s16, s9, $0xb8;
	[tilespmem:$0x1E880] =	vst v63  }
0x191: {  	_ =	swait.ge [sflag:s7], $0x2800  }
0x192: {  	[sflag:s7] =	ssyncset.done $0x0  }
0x193: {  	[sflag:s7] =	ssyncadd.s32 $0xFFFFD800  }
0x194: {  	s17 =	sadd.s32 s13, s22;
	_ =	swait.ge [sflag:s11], $0x2800  }
0x195: {  	s15 =	sshrl.u32 s17, $0x3;
	[sflag:s11] =	ssyncset.done $0x0  }
0x196: {  	s15 =	sadd.s32 s1, s15;
	[sflag:s11] =	ssyncadd.s32 $0xFFFFD800  }
0x197: {  	[tilespmem:s30], [sflag:$0x4] =	stream.linear.gather [hbm4b:s15+s5], $0x2800, $0x38;
	[tilespmem:$0x1E880] =	vst v63  }
0x198: {  	s16 =	sor.u32 $0x600, s14  }
0x199: {  	[spmem:s3] =	stream.indirect.scatter.add.f32 [tilespmem:s26], [sflag:$0x6], $0x80, s16, s9, $0xb8;
	[tilespmem:$0x1E880] =	vst v63  }
0x19a: {  	_ =	swait.ge [sflag:s8], $0x2800  }
0x19b: {  	[sflag:s8] =	ssyncset.done $0x0  }
0x19c: {  	[sflag:s8] =	ssyncadd.s32 $0xFFFFD800  }
0x19d: {  	s17 =	sadd.s32 s13, s23;
	_ =	swait.ge [sflag:s2], $0x2800  }
0x19e: {  	s15 =	sshrl.u32 s17, $0x3;
	[sflag:s2] =	ssyncset.done $0x0  }
0x19f: {  	s15 =	sadd.s32 s1, s15;
	[sflag:s2] =	ssyncadd.s32 $0xFFFFD800  }
0x1a0: {  	[tilespmem:s26], [sflag:$0x1] =	stream.linear.gather [hbm4b:s15+s5], $0x2800, $0x38;
	[tilespmem:$0x1E880] =	vst v63  }
0x1a1: {  	s16 =	sor.u32 $0x680, s14  }
0x1a2: {  	[spmem:s3] =	stream.indirect.scatter.add.f32 [tilespmem:s28], [sflag:$0x7], $0x80, s16, s9, $0xb8;
	[tilespmem:$0x1E880] =	vst v63  }
0x1a3: {  	_ =	swait.ge [sflag:s31], $0x2800  }
0x1a4: {  	[sflag:s31] =	ssyncset.done $0x0  }
0x1a5: {  	[sflag:s31] =	ssyncadd.s32 $0xFFFFD800  }
0x1a6: {  	s17 =	sadd.s32 s13, s24;
	_ =	swait.ge [sflag:s0], $0x2800  }
0x1a7: {  	s15 =	sshrl.u32 s17, $0x3;
	[sflag:s0] =	ssyncset.done $0x0  }
0x1a8: {  	s15 =	sadd.s32 s1, s15;
	[sflag:s0] =	ssyncadd.s32 $0xFFFFD800  }
0x1a9: {  	[tilespmem:s28], [sflag:$0x2] =	stream.linear.gather [hbm4b:s15+s5], $0x2800, $0x38;
	[tilespmem:$0x1E880] =	vst v63  }
0x1aa: {  	s16 =	sor.u32 $0x700, s14  }
0x1ab: {  	[spmem:s3] =	stream.indirect.scatter.add.f32 [tilespmem:s29], [sflag:$0x8], $0x80, s16, s9, $0xb8;
	[tilespmem:$0x1E880] =	vst v63  }
0x1ac: {  	_ =	swait.ge [sflag:s6], $0x2800  }
0x1ad: {  	[sflag:s6] =	ssyncset.done $0x0  }
0x1ae: {  	[sflag:s6] =	ssyncadd.s32 $0xFFFFD800  }
0x1af: {  	p2 =	slt.u32 s12, $0x7;
	s13 =	sadd.s32 s13, s25;
	_ =	swait.ge [sflag:s10], $0x2800  }
.Ltmp5:
0x1b0: {  	s13 =	sshrl.u32 s13, $0x3;
	[sflag:s10] =	ssyncset.done $0x0;
	(pc) =	sbr.rel @!p2 .LBB2_10-.Ltmp5, $4  }
0x1b1: {  	s13 =	sadd.s32 s1, s13;
	[sflag:s10] =	ssyncadd.s32 $0xFFFFD800  }
0x1b2: {  	[tilespmem:s29], [sflag:$0x3] =	stream.linear.gather [hbm4b:s13+s5], $0x2800, $0x38;
	[tilespmem:$0x1E880] =	vst v63  }
0x1b3: {  	s17 =	sor.u32 $0x780, s14;
	s13 =	smov.u32 s12  }
0x1b4: {  	[spmem:s3] =	stream.indirect.scatter.add.f32 [tilespmem:s30], [sflag:$0x9], $0x80, s17, s9, $0xb8;
	[tilespmem:$0x1E880] =	vst v63  }
.LBB2_6:
0x1b5: {  	p2 =	seq.s32 s13, $0x0  }
0x1b6: {  	p3 =	seq.s32 @!p2 s13, $0x6  }
0x1b7: {  	_ =	swait.ge [sflag:s4], $0x800;
	p3 =	por p2, !p3  }
.Ltmp6:
0x1b8: {  	[sflag:s4] =	ssyncset.done $0x0;
	(pc) =	sbr.rel @!p3 .LBB2_8-.Ltmp6, $4  }
0x1b9: {  	s12 =	simm.s32 @!p2 $0x9;
	[sflag:s4] =	ssyncadd.s32 $0xFFFFF800  }
0x1ba: {  	_ =	swait.ge @!p2 [sflag:s12], $0x2800  }
0x1bb: {  	[sflag:s12] =	ssyncset.done @!p2 $0x0  }
0x1bc: {  	s14 =	sand.u32 $0x1, s13;
	[sflag:s12] =	ssyncadd.s32 @!p2 $0xFFFFD800  }
0x1bd: {  	s12 =	sadd.s32 @!p2 $0x1, s13  }
0x1be: {  	s12 =	simm.s32 @p2 $0x1  }
.Ltmp7:
0x1bf: {  	s16 =	rddreg [dreg:$0x5];
	s15 =	sshll.u32 s12, $0xB;
	(pc) =	sbr.rel .LBB2_9-.Ltmp7, $4  }
0x1c0: {  	s17 =	sshll.u32 s14, $0xB;
	s15 =	sadd.s32 s16, s15  }
0x1c1: {  	s16 =	sxor.u32 $0x800, s17;
	s17 =	rddreg [dreg:$0x1];
	s15 =	sshrl.u32 s15, $0x3  }
0x1c2: {  	s15 =	sadd.s32 s17, s15  }
0x1c3: {  	[tilespmem:s16], [sflag:$0x5] =	stream.linear.gather [hbm4b:s15+s5], $0x800, $0x38;
	[tilespmem:$0x1E880] =	vst v63  }
.LBB2_11:
0x1c4: {  	_ =	sfence.sel $0x180000  }
0x1c5: {  	[bflag:$0x0] =	sbarrier.arrive $0xFFFF  }
0x1c6: {  	_ =	strace $0x90000047  }
0x1c7: {  	s0 =	stileid.u32;
	[bflag:$0x2] =	sbarrier.arrive $0xFFFF  }
0x1c8: {  	p0 =	sne.s32 s0, $0x0;
	s0 =	rddreg [dreg:$0x4]  }
0x1c9: {  	s0 =	sadd.s32 @!p0 $0x100000, s0  }
0x1ca: {  	[sflag:s0] =	ssyncadd.tile.s32 @!p0 $0x1;
	_ =	shalt  }
.Lfunc_end2:
_tile_overlayer_lowered:
.L_overlay_start_2:
0x1cb: {  	(tag) =	ssettag $0x2  }
0x1cc: {  	s0 =	rddreg [dreg:$0x0];
	s2 =	stileid.u32  }
0x1cd: {  	s1 =	rddreg [dreg:$0x1];
	p0 =	sne.s32 s2, $0x0  }
0x1ce: {  	s3 =	rddreg [dreg:$0x2];
	[bflag:$0x3] =	sbarrier.arrive $0xFFFF;
	s2 =	simm.s32 @!p0 $0x1C0A  }
0x1cf: {  	[timem:s3], [sflag:s2] =	dma.local @!p0 [hbm:s0], s1  }
0x1d0: {  	s0 =	simm.s32 @!p0 $0xA  }
0x1d1: {  	_ =	swait.ge @!p0 [sflag:s0], s1  }
0x1d2: {  	s1 =	ssub.s32 @!p0 $0x0, s1;
	[sflag:s0] =	ssyncset.done @!p0 $0x0  }
0x1d3: {  	[sflag:s0] =	ssyncadd.s32 @!p0 s1  }
0x1d4: {  	[bflag:$0x3] =	sbarrier.arrive $0xFFFF  }
0x1d5: {  	_ =	shalt  }

</sc_bundles>
